<compile_context>
chip_gen: v7x
topology: tpu7x:2x2x1
jax: 0.10.2.dev20260603
libtpu: 0.0.44.dev20260713+nightly
codegen_flags: <defaults>
</compile_context>

<pallas_src>
import functools
import jax
import jax.numpy as jnp
from jax import lax
from jax.experimental import pallas as pl
from jax.experimental.pallas import tpu as pltpu
from jax.experimental.pallas import tpu_sc as plsc

N = 10000
K = 6
NG = 16
CH = 32
R = 200
NBLK = N // R
CT = 512
NT = 20
NP = NT * CT
NW = 32
BPW = NP // NW
IPC = 128
NCHUNK = BPW * K // IPC
BIGI = 2**30



def _knn_body(lims_ref, pe_ref, brow_ref, post_ref, bcol_ref, nbr_ref, d2_ref):
    r = pl.program_id(0)
    lo = lims_ref[r, 0]
    hi = lims_ref[r, 1]

    brow = brow_ref[...]
    px = pe_ref[:, 0:1]
    py = pe_ref[:, 1:2]
    pz = pe_ref[:, 2:3]

    def dist_tile(t, c):
        tile = post_ref[t]
        qx = tile[0:1, :]
        qy = tile[1:2, :]
        qz = tile[2:3, :]
        d2 = (px - qx) ** 2 + (py - qy) ** 2 + (pz - qz) ** 2
        bc = bcol_ref[t]
        d2 = jnp.where(brow != bc, jnp.inf, d2)
        d2_ref[t] = d2
        return c

    lax.fori_loop(lo, hi, dist_tile, 0)

    lane = lax.broadcasted_iota(jnp.int32, (R, CT), 1)
    prev = jnp.full((R, 1), -1, jnp.int32)
    for p in range(K):
        def pick_tile(t, carry, prev=prev, p=p):
            bd, bi = carry
            d2 = d2_ref[t]
            colidx = lane + t * CT
            if p > 0:
                d2 = jnp.where(colidx == prev, jnp.inf, d2)
                d2_ref[t] = d2
            tmin = jnp.min(d2, axis=1, keepdims=True)
            targ = jnp.min(jnp.where(d2 == tmin, colidx, BIGI),
                           axis=1, keepdims=True)
            upd = tmin < bd
            return (jnp.where(upd, tmin, bd), jnp.where(upd, targ, bi))

        init = (jnp.full((R, 1), jnp.inf, jnp.float32),
                jnp.full((R, 1), -1, jnp.int32))
        _, bi = lax.fori_loop(lo, hi, pick_tile, init)
        nbr_ref[:, p:p + 1] = bi
        prev = bi


def _knn(pos, batch, seg):
    rstart = jnp.arange(NBLK, dtype=jnp.int32) * R
    g0 = batch[rstart]
    g1 = batch[rstart + R - 1]
    lo = seg[g0] // CT
    hi = (seg[g1 + 1] + CT - 1) // CT
    lims = jnp.stack([lo, hi], axis=1)

    post = jnp.pad(pos, ((0, NP - N), (0, 0))).T.reshape(3, NT, CT)
    post = post.transpose(1, 0, 2)
    bcol = jnp.pad(batch, (0, NP - N),
                   constant_values=-1).reshape(NT, 1, CT)
    brow = batch.reshape(N, 1)

    return pl.pallas_call(
        _knn_body,
        grid=(NBLK,),
        in_specs=[
            pl.BlockSpec(memory_space=pltpu.SMEM),
            pl.BlockSpec((R, 3), lambda r: (r, 0)),
            pl.BlockSpec((R, 1), lambda r: (r, 0)),
            pl.BlockSpec((NT, 3, CT), lambda r: (0, 0, 0)),
            pl.BlockSpec((NT, 1, CT), lambda r: (0, 0, 0)),
        ],
        out_specs=pl.BlockSpec((R, K), lambda r: (r, 0)),
        out_shape=jax.ShapeDtypeStruct((N, K), jnp.int32),
        scratch_shapes=[pltpu.VMEM((NT, R, CT), jnp.float32)],
    )(lims, pos, brow, post, bcol)



def _mlp_body(h_ref, wa_ref, ba_ref, wb_ref, bb_ref, out_ref):
    t = jnp.dot(h_ref[...], wa_ref[...],
                preferred_element_type=jnp.float32) + ba_ref[...]
    t = jnp.maximum(t, 0.0)
    out_ref[...] = jnp.dot(t, wb_ref[...],
                           preferred_element_type=jnp.float32) + bb_ref[...]


def _mlp(h, wa, ba, wb, bb):
    return pl.pallas_call(
        _mlp_body,
        out_shape=jax.ShapeDtypeStruct((h.shape[0], CH), jnp.float32),
    )(h, wa, ba.reshape(1, -1), wb, bb.reshape(1, -1))



def _sc_gather_body(m_hbm, idx_hbm, out_hbm, idx_v, rows_v, out_v, sem):
    wid = lax.axis_index("s") * 2 + lax.axis_index("c")
    pltpu.sync_copy(idx_hbm.at[wid], idx_v)
    copies = []
    for c in range(NCHUNK):
        copies.append(pltpu.async_copy(
            m_hbm.at[idx_v.at[c]],
            rows_v.at[pl.ds(c * IPC, IPC)], sem))
    for cp in copies:
        cp.wait()

    def node(n, carry):
        base = n * K
        for c2 in range(CH // 16):
            sl = pl.ds(c2 * 16, 16)
            acc = rows_v[base, sl]
            for j in range(1, K):
                acc = jnp.maximum(acc, rows_v[base + j, sl])
            out_v[n, sl] = jnp.maximum(acc, 0.0)
        return carry

    lax.fori_loop(0, BPW, node, 0)
    pltpu.sync_copy(out_v, out_hbm.at[pl.ds(wid * BPW, BPW)])


@functools.lru_cache(maxsize=None)
def _sc_gather_kernel():
    return functools.partial(
        pl.kernel,
        mesh=plsc.VectorSubcoreMesh(core_axis_name="c", subcore_axis_name="s"),
        out_type=jax.ShapeDtypeStruct((NP, CH), jnp.float32),
        scratch_types=[
            pltpu.VMEM((NCHUNK, IPC), jnp.int32),
            pltpu.VMEM((BPW * K, CH), jnp.float32),
            pltpu.VMEM((BPW, CH), jnp.float32),
            pltpu.SemaphoreType.DMA,
        ],
        compiler_params=pltpu.CompilerParams(use_tc_tiling_on_sc=False),
    )(_sc_gather_body)


def _sc_gather_max(m, nbrf):
    return _sc_gather_kernel()(m, nbrf)



PT = 256
NPT = NP // PT


def _pool_body(seg_ref, h_ref, bcol_ref, wr_ref, br_ref, out_ref, acc_ref):
    def per_graph(g, c):
        t0 = seg_ref[g] // PT
        t1 = (seg_ref[g + 1] + PT - 1) // PT

        def per_tile(t, acc):
            tile = h_ref[t]
            bt = bcol_ref[t]
            m = jnp.where(bt == g, tile, -jnp.inf)
            return jnp.maximum(acc, jnp.max(m, axis=0, keepdims=True))

        acc = lax.fori_loop(t0, t1, per_tile,
                            jnp.full((1, CH), -jnp.inf, jnp.float32))
        acc_ref[pl.ds(g, 1), :] = acc
        return c

    lax.fori_loop(0, NG, per_graph, 0)
    out_ref[...] = jnp.dot(acc_ref[...], wr_ref[...],
                           preferred_element_type=jnp.float32) + br_ref[...]


def _pool(seg, h, batch_pad, wr, br):
    return pl.pallas_call(
        _pool_body,
        in_specs=[
            pl.BlockSpec(memory_space=pltpu.SMEM),
            pl.BlockSpec((NPT, PT, CH), lambda: (0, 0, 0)),
            pl.BlockSpec((NPT, PT, 1), lambda: (0, 0, 0)),
            pl.BlockSpec((CH, wr.shape[1]), lambda: (0, 0)),
            pl.BlockSpec((1, wr.shape[1]), lambda: (0, 0)),
        ],
        out_shape=jax.ShapeDtypeStruct((NG, wr.shape[1]), jnp.float32),
        scratch_shapes=[pltpu.VMEM((NG, CH), jnp.float32)],
    )(seg, h.reshape(NPT, PT, CH), batch_pad.reshape(NPT, PT, 1),
      wr, br.reshape(1, -1))



def kernel(x, pos, batch, W1a, b1a, W1b, b1b, W2a, b2a, W2b, b2b,
           W3a, b3a, W3b, b3b, Wr, br):
    batch = batch.astype(jnp.int32)
    seg = jnp.searchsorted(batch, jnp.arange(NG + 1, dtype=jnp.int32),
                           side='left').astype(jnp.int32)
    nbr = _knn(pos, batch, seg)
    nbrf = jnp.pad(nbr, ((0, NP - N), (0, 0))).reshape(NW, NCHUNK, IPC)

    h = jnp.pad(jnp.concatenate([x, pos], axis=1), ((0, NP - N), (0, 0)))
    h = _sc_gather_max(_mlp(h, W1a, b1a, W1b, b1b), nbrf)
    h = _sc_gather_max(_mlp(h, W2a, b2a, W2b, b2b), nbrf)
    h = _sc_gather_max(_mlp(h, W3a, b3a, W3b, b3b), nbrf)

    batch_pad = jnp.pad(batch, (0, NP - N), constant_values=-1)
    return _pool(seg, h, batch_pad, Wr, br)

# --- scband reference (transcript-rebuilt; emitter-appended) ---
"""Pipeline reference for scband-gcnencoder-26113401160170 (READ-ONLY COPY).

The authoritative reference and input builder live on the scoring server;
editing this copy changes nothing except your own understanding.
"""

import jax, jax.numpy as jnp
import numpy as np

K = 6
CHUNK = 1000


def knn_graph(pos, batch, k=K):
    # PyG knn_graph(pos, k, batch, loop=True): for each node i, find its k nearest
    # neighbors j within the same graph (self-loop included since dist(i,i)=0),
    # producing edges (j -> i) with flow source_to_target.
    N = pos.shape[0]
    idx_chunks = []
    for s in range(0, N, CHUNK):
        pe = pos[s:s + CHUNK]
        be = batch[s:s + CHUNK]
        d2 = jnp.sum((pe[:, None, :] - pos[None, :, :]) ** 2, axis=-1)
        mask = be[:, None] != batch[None, :]
        d2 = jnp.where(mask, jnp.inf, d2)
        _, idx = jax.lax.top_k(-d2, k)
        idx_chunks.append(idx)
    nbrs = jnp.concatenate(idx_chunks, axis=0)  # [N, k] source nodes per target
    src = nbrs.reshape(-1)
    dst = jnp.repeat(jnp.arange(N), k)
    return jnp.stack([src, dst])  # [2, N*k]


def mlp(h, Wa, ba, Wb, bb):
    return jax.nn.relu(h @ Wa + ba) @ Wb + bb


def gcn_layer(h, edge_index, Wa, ba, Wb, bb):
    src, dst = edge_index[0], edge_index[1]
    msgs = mlp(h[src], Wa, ba, Wb, bb)  # message(h_j) = mlp(h_j)
    return jax.ops.segment_max(msgs, dst, num_segments=h.shape[0])  # aggr='max'


def setup_inputs(seed: int = 0):
    key = jax.random.key(seed)
    ks = jax.random.split(key, 12)
    N = 10000
    channels = 32
    x = jax.random.normal(ks[0], (N, 1), jnp.float32)
    pos = jax.random.normal(ks[1], (N, 3), jnp.float32)
    batch = jnp.sort(jax.random.randint(ks[2], (N,), 0, 16))

    def lin(k, i, o):
        k1, k2 = jax.random.split(k)
        s = 1.0 / np.sqrt(i)
        return (jax.random.uniform(k1, (i, o), jnp.float32, -s, s),
                jax.random.uniform(k2, (o,), jnp.float32, -s, s))

    W1a, b1a = lin(ks[3], 4, channels)
    W1b, b1b = lin(ks[4], channels, channels)
    W2a, b2a = lin(ks[5], channels, channels)
    W2b, b2b = lin(ks[6], channels, channels)
    W3a, b3a = lin(ks[7], channels, channels)
    W3b, b3b = lin(ks[8], channels, channels)
    Wr, br = lin(ks[9], channels, 6)
    return dict(x=x, pos=pos, batch=batch,
                W1a=W1a, b1a=b1a, W1b=W1b, b1b=b1b,
                W2a=W2a, b2a=b2a, W2b=W2b, b2b=b2b,
                W3a=W3a, b3a=b3a, W3b=W3b, b3b=b3b,
                Wr=Wr, br=br)


def reference(x, pos, batch, W1a, b1a, W1b, b1b, W2a, b2a, W2b, b2b,
              W3a, b3a, W3b, b3b, Wr, br):
    # the original recomputes knn_graph 3x on identical pos/batch -> same result
    edge_index = knn_graph(pos, batch)
    h = jnp.concatenate([x, pos], axis=-1)  # [N, 4]
    h = jax.nn.relu(gcn_layer(h, edge_index, W1a, b1a, W1b, b1b))
    h = jax.nn.relu(gcn_layer(h, edge_index, W2a, b2a, W2b, b2b))
    h = jax.nn.relu(gcn_layer(h, edge_index, W3a, b3a, W3b, b3b))
    g = jax.ops.segment_max(h, batch, num_segments=16)  # global_max_pool
    return g @ Wr + br  # [16, 6]

if __name__ == "__main__":
    import jax
    _d = setup_inputs()
    print(jax.jit(kernel)(*tuple(_d.values())))

</pallas_src>

<mosaic_0001>
#map = affine_map<(d0, d1) -> (0, 0)>
#map1 = affine_map<(d0, d1) -> (0, 0, 0)>
module attributes {stable_mosaic.version = 14 : i64} {
  func.func @_sc_gather_body(%arg0: i32, %arg1: i32, %arg2: memref<10240x32xf32, #tpu.memory_space<hbm>>, %arg3: memref<32x15x128xi32, #tpu.memory_space<hbm>>, %arg4: memref<10240x32xf32, #tpu.memory_space<hbm>>, %arg5: memref<15x128xi32, #tpu.memory_space<vmem>>, %arg6: memref<1920x32xf32, #tpu.memory_space<vmem>>, %arg7: memref<320x32xf32, #tpu.memory_space<vmem>>, %arg8: memref<!tpu.dma_semaphore, #tpu.memory_space<semaphore_mem>>) attributes {dimension_semantics = [#tpu.dimension_semantics<core_parallel>, #tpu.dimension_semantics<subcore_parallel>], iteration_bounds = array<i64: 2, 16>, scalar_prefetch = 0 : i64, scratch_operands = 4 : i64, tpu.core_type = #tpu.core_type<sc_vector_subcore>, window_params = [{transform_indices = #map}, {transform_indices = #map1}, {transform_indices = #map}]} {
    %mul3A = arith.constant 2 : i32
    %mul3A_0 = arith.muli %arg1, %mul3A : i32
    %add3A = arith.addi %mul3A_0, %arg0 : i32
    "tpu.region"() ({
      %run_scoped3A = tpu.sem_alloc : memref<!tpu.dma_semaphore, #tpu.memory_space<semaphore_mem>>
      %dma_start3A_306 = arith.constant 0 : i32
      %dma_start3A_307 = arith.constant 0 : i32
      %dma_start3A_308 = tpu.memref_slice %arg3[%add3A, %dma_start3A_306, %dma_start3A_307] : memref<32x15x128xi32, #tpu.memory_space<hbm>> -> memref<1x15x128xi32, #tpu.memory_space<hbm>>
      %dma_start3A_309 = tpu.memref_squeeze %dma_start3A_308 : memref<1x15x128xi32, #tpu.memory_space<hbm>> -> memref<15x128xi32, #tpu.memory_space<hbm>>
      %dma_start3A_310 = arith.constant 0 : i32
      %dma_start3A_311 = arith.constant 0 : i32
      %dma_start3A_312 = tpu.memref_slice %arg3[%add3A, %dma_start3A_310, %dma_start3A_311] : memref<32x15x128xi32, #tpu.memory_space<hbm>> -> memref<1x15x128xi32, #tpu.memory_space<hbm>>
      %dma_start3A_313 = tpu.memref_squeeze %dma_start3A_312 : memref<1x15x128xi32, #tpu.memory_space<hbm>> -> memref<15x128xi32, #tpu.memory_space<hbm>>
      tpu.enqueue_dma source(%dma_start3A_313 : memref<15x128xi32, #tpu.memory_space<hbm>>) target(%arg5 : memref<15x128xi32, #tpu.memory_space<vmem>>) target_semaphore(%run_scoped3A : memref<!tpu.dma_semaphore, #tpu.memory_space<semaphore_mem>>)
      %dma_wait3A_314 = arith.constant 0 : i32
      %dma_wait3A_315 = arith.constant 0 : i32
      %dma_wait3A_316 = tpu.memref_slice %arg3[%add3A, %dma_wait3A_314, %dma_wait3A_315] : memref<32x15x128xi32, #tpu.memory_space<hbm>> -> memref<1x15x128xi32, #tpu.memory_space<hbm>>
      %dma_wait3A_317 = tpu.memref_squeeze %dma_wait3A_316 : memref<1x15x128xi32, #tpu.memory_space<hbm>> -> memref<15x128xi32, #tpu.memory_space<hbm>>
      %dma_wait3A_318 = arith.constant 0 : i32
      %dma_wait3A_319 = arith.constant 0 : i32
      %dma_wait3A_320 = tpu.memref_slice %arg3[%add3A, %dma_wait3A_318, %dma_wait3A_319] : memref<32x15x128xi32, #tpu.memory_space<hbm>> -> memref<1x15x128xi32, #tpu.memory_space<hbm>>
      %dma_wait3A_321 = tpu.memref_squeeze %dma_wait3A_320 : memref<1x15x128xi32, #tpu.memory_space<hbm>> -> memref<15x128xi32, #tpu.memory_space<hbm>>
      tpu.wait_dma2 semaphore(%run_scoped3A : memref<!tpu.dma_semaphore, #tpu.memory_space<semaphore_mem>>) src(%dma_wait3A_321 : memref<15x128xi32, #tpu.memory_space<hbm>>) dst(%arg5 : memref<15x128xi32, #tpu.memory_space<vmem>>)
      tpu.yield
    }) : () -> ()
    %dma_start3A = arith.constant 0 : i32
    %dma_start3A_1 = arith.constant 0 : i32
    %dma_start3A_2 = arith.constant 0 : i32
    %dma_start3A_3 = tpu.memref_slice %arg6[%dma_start3A_1, %dma_start3A_2] : memref<1920x32xf32, #tpu.memory_space<vmem>> -> memref<128x32xf32, #tpu.memory_space<vmem>>
    %dma_start3A_4 = arith.constant 0 : i32
    %dma_start3A_5 = tpu.memref_slice %arg5[%dma_start3A, %dma_start3A_4] : memref<15x128xi32, #tpu.memory_space<vmem>> -> memref<1x128xi32, #tpu.memory_space<vmem>>
    %dma_start3A_6 = tpu.memref_squeeze %dma_start3A_5 : memref<1x128xi32, #tpu.memory_space<vmem>> -> memref<128xi32, #tpu.memory_space<vmem>>
    %dma_start3A_7 = arith.constant 0 : i32
    %dma_start3A_8 = arith.constant 0 : i32
    %dma_start3A_9 = tpu.memref_slice %arg2[%dma_start3A_7, %dma_start3A_8] : memref<10240x32xf32, #tpu.memory_space<hbm>> -> memref<10240x32xf32, #tpu.memory_space<hbm>>
    tpu.enqueue_indirect_dma source(%dma_start3A_9 : memref<10240x32xf32, #tpu.memory_space<hbm>>) target(%dma_start3A_3 : memref<128x32xf32, #tpu.memory_space<vmem>>) offsets(%dma_start3A_6 : memref<128xi32, #tpu.memory_space<vmem>>) semaphore(%arg8 : memref<!tpu.dma_semaphore, #tpu.memory_space<semaphore_mem>>)
    %dma_start3A_10 = arith.constant 1 : i32
    %dma_start3A_11 = arith.constant 128 : i32
    %dma_start3A_12 = arith.constant 0 : i32
    %dma_start3A_13 = tpu.memref_slice %arg6[%dma_start3A_11, %dma_start3A_12] : memref<1920x32xf32, #tpu.memory_space<vmem>> -> memref<128x32xf32, #tpu.memory_space<vmem>>
    %dma_start3A_14 = arith.constant 0 : i32
    %dma_start3A_15 = tpu.memref_slice %arg5[%dma_start3A_10, %dma_start3A_14] : memref<15x128xi32, #tpu.memory_space<vmem>> -> memref<1x128xi32, #tpu.memory_space<vmem>>
    %dma_start3A_16 = tpu.memref_squeeze %dma_start3A_15 : memref<1x128xi32, #tpu.memory_space<vmem>> -> memref<128xi32, #tpu.memory_space<vmem>>
    %dma_start3A_17 = arith.constant 0 : i32
    %dma_start3A_18 = arith.constant 0 : i32
    %dma_start3A_19 = tpu.memref_slice %arg2[%dma_start3A_17, %dma_start3A_18] : memref<10240x32xf32, #tpu.memory_space<hbm>> -> memref<10240x32xf32, #tpu.memory_space<hbm>>
    tpu.enqueue_indirect_dma source(%dma_start3A_19 : memref<10240x32xf32, #tpu.memory_space<hbm>>) target(%dma_start3A_13 : memref<128x32xf32, #tpu.memory_space<vmem>>) offsets(%dma_start3A_16 : memref<128xi32, #tpu.memory_space<vmem>>) semaphore(%arg8 : memref<!tpu.dma_semaphore, #tpu.memory_space<semaphore_mem>>)
    %dma_start3A_20 = arith.constant 2 : i32
    %dma_start3A_21 = arith.constant 256 : i32
    %dma_start3A_22 = arith.constant 0 : i32
    %dma_start3A_23 = tpu.memref_slice %arg6[%dma_start3A_21, %dma_start3A_22] : memref<1920x32xf32, #tpu.memory_space<vmem>> -> memref<128x32xf32, #tpu.memory_space<vmem>>
    %dma_start3A_24 = arith.constant 0 : i32
    %dma_start3A_25 = tpu.memref_slice %arg5[%dma_start3A_20, %dma_start3A_24] : memref<15x128xi32, #tpu.memory_space<vmem>> -> memref<1x128xi32, #tpu.memory_space<vmem>>
    %dma_start3A_26 = tpu.memref_squeeze %dma_start3A_25 : memref<1x128xi32, #tpu.memory_space<vmem>> -> memref<128xi32, #tpu.memory_space<vmem>>
    %dma_start3A_27 = arith.constant 0 : i32
    %dma_start3A_28 = arith.constant 0 : i32
    %dma_start3A_29 = tpu.memref_slice %arg2[%dma_start3A_27, %dma_start3A_28] : memref<10240x32xf32, #tpu.memory_space<hbm>> -> memref<10240x32xf32, #tpu.memory_space<hbm>>
    tpu.enqueue_indirect_dma source(%dma_start3A_29 : memref<10240x32xf32, #tpu.memory_space<hbm>>) target(%dma_start3A_23 : memref<128x32xf32, #tpu.memory_space<vmem>>) offsets(%dma_start3A_26 : memref<128xi32, #tpu.memory_space<vmem>>) semaphore(%arg8 : memref<!tpu.dma_semaphore, #tpu.memory_space<semaphore_mem>>)
    %dma_start3A_30 = arith.constant 3 : i32
    %dma_start3A_31 = arith.constant 384 : i32
    %dma_start3A_32 = arith.constant 0 : i32
    %dma_start3A_33 = tpu.memref_slice %arg6[%dma_start3A_31, %dma_start3A_32] : memref<1920x32xf32, #tpu.memory_space<vmem>> -> memref<128x32xf32, #tpu.memory_space<vmem>>
    %dma_start3A_34 = arith.constant 0 : i32
    %dma_start3A_35 = tpu.memref_slice %arg5[%dma_start3A_30, %dma_start3A_34] : memref<15x128xi32, #tpu.memory_space<vmem>> -> memref<1x128xi32, #tpu.memory_space<vmem>>
    %dma_start3A_36 = tpu.memref_squeeze %dma_start3A_35 : memref<1x128xi32, #tpu.memory_space<vmem>> -> memref<128xi32, #tpu.memory_space<vmem>>
    %dma_start3A_37 = arith.constant 0 : i32
    %dma_start3A_38 = arith.constant 0 : i32
    %dma_start3A_39 = tpu.memref_slice %arg2[%dma_start3A_37, %dma_start3A_38] : memref<10240x32xf32, #tpu.memory_space<hbm>> -> memref<10240x32xf32, #tpu.memory_space<hbm>>
    tpu.enqueue_indirect_dma source(%dma_start3A_39 : memref<10240x32xf32, #tpu.memory_space<hbm>>) target(%dma_start3A_33 : memref<128x32xf32, #tpu.memory_space<vmem>>) offsets(%dma_start3A_36 : memref<128xi32, #tpu.memory_space<vmem>>) semaphore(%arg8 : memref<!tpu.dma_semaphore, #tpu.memory_space<semaphore_mem>>)
    %dma_start3A_40 = arith.constant 4 : i32
    %dma_start3A_41 = arith.constant 512 : i32
    %dma_start3A_42 = arith.constant 0 : i32
    %dma_start3A_43 = tpu.memref_slice %arg6[%dma_start3A_41, %dma_start3A_42] : memref<1920x32xf32, #tpu.memory_space<vmem>> -> memref<128x32xf32, #tpu.memory_space<vmem>>
    %dma_start3A_44 = arith.constant 0 : i32
    %dma_start3A_45 = tpu.memref_slice %arg5[%dma_start3A_40, %dma_start3A_44] : memref<15x128xi32, #tpu.memory_space<vmem>> -> memref<1x128xi32, #tpu.memory_space<vmem>>
    %dma_start3A_46 = tpu.memref_squeeze %dma_start3A_45 : memref<1x128xi32, #tpu.memory_space<vmem>> -> memref<128xi32, #tpu.memory_space<vmem>>
    %dma_start3A_47 = arith.constant 0 : i32
    %dma_start3A_48 = arith.constant 0 : i32
    %dma_start3A_49 = tpu.memref_slice %arg2[%dma_start3A_47, %dma_start3A_48] : memref<10240x32xf32, #tpu.memory_space<hbm>> -> memref<10240x32xf32, #tpu.memory_space<hbm>>
    tpu.enqueue_indirect_dma source(%dma_start3A_49 : memref<10240x32xf32, #tpu.memory_space<hbm>>) target(%dma_start3A_43 : memref<128x32xf32, #tpu.memory_space<vmem>>) offsets(%dma_start3A_46 : memref<128xi32, #tpu.memory_space<vmem>>) semaphore(%arg8 : memref<!tpu.dma_semaphore, #tpu.memory_space<semaphore_mem>>)
    %dma_start3A_50 = arith.constant 5 : i32
    %dma_start3A_51 = arith.constant 640 : i32
    %dma_start3A_52 = arith.constant 0 : i32
    %dma_start3A_53 = tpu.memref_slice %arg6[%dma_start3A_51, %dma_start3A_52] : memref<1920x32xf32, #tpu.memory_space<vmem>> -> memref<128x32xf32, #tpu.memory_space<vmem>>
    %dma_start3A_54 = arith.constant 0 : i32
    %dma_start3A_55 = tpu.memref_slice %arg5[%dma_start3A_50, %dma_start3A_54] : memref<15x128xi32, #tpu.memory_space<vmem>> -> memref<1x128xi32, #tpu.memory_space<vmem>>
    %dma_start3A_56 = tpu.memref_squeeze %dma_start3A_55 : memref<1x128xi32, #tpu.memory_space<vmem>> -> memref<128xi32, #tpu.memory_space<vmem>>
    %dma_start3A_57 = arith.constant 0 : i32
    %dma_start3A_58 = arith.constant 0 : i32
    %dma_start3A_59 = tpu.memref_slice %arg2[%dma_start3A_57, %dma_start3A_58] : memref<10240x32xf32, #tpu.memory_space<hbm>> -> memref<10240x32xf32, #tpu.memory_space<hbm>>
    tpu.enqueue_indirect_dma source(%dma_start3A_59 : memref<10240x32xf32, #tpu.memory_space<hbm>>) target(%dma_start3A_53 : memref<128x32xf32, #tpu.memory_space<vmem>>) offsets(%dma_start3A_56 : memref<128xi32, #tpu.memory_space<vmem>>) semaphore(%arg8 : memref<!tpu.dma_semaphore, #tpu.memory_space<semaphore_mem>>)
    %dma_start3A_60 = arith.constant 6 : i32
    %dma_start3A_61 = arith.constant 768 : i32
    %dma_start3A_62 = arith.constant 0 : i32
    %dma_start3A_63 = tpu.memref_slice %arg6[%dma_start3A_61, %dma_start3A_62] : memref<1920x32xf32, #tpu.memory_space<vmem>> -> memref<128x32xf32, #tpu.memory_space<vmem>>
    %dma_start3A_64 = arith.constant 0 : i32
    %dma_start3A_65 = tpu.memref_slice %arg5[%dma_start3A_60, %dma_start3A_64] : memref<15x128xi32, #tpu.memory_space<vmem>> -> memref<1x128xi32, #tpu.memory_space<vmem>>
    %dma_start3A_66 = tpu.memref_squeeze %dma_start3A_65 : memref<1x128xi32, #tpu.memory_space<vmem>> -> memref<128xi32, #tpu.memory_space<vmem>>
    %dma_start3A_67 = arith.constant 0 : i32
    %dma_start3A_68 = arith.constant 0 : i32
    %dma_start3A_69 = tpu.memref_slice %arg2[%dma_start3A_67, %dma_start3A_68] : memref<10240x32xf32, #tpu.memory_space<hbm>> -> memref<10240x32xf32, #tpu.memory_space<hbm>>
    tpu.enqueue_indirect_dma source(%dma_start3A_69 : memref<10240x32xf32, #tpu.memory_space<hbm>>) target(%dma_start3A_63 : memref<128x32xf32, #tpu.memory_space<vmem>>) offsets(%dma_start3A_66 : memref<128xi32, #tpu.memory_space<vmem>>) semaphore(%arg8 : memref<!tpu.dma_semaphore, #tpu.memory_space<semaphore_mem>>)
    %dma_start3A_70 = arith.constant 7 : i32
    %dma_start3A_71 = arith.constant 896 : i32
    %dma_start3A_72 = arith.constant 0 : i32
    %dma_start3A_73 = tpu.memref_slice %arg6[%dma_start3A_71, %dma_start3A_72] : memref<1920x32xf32, #tpu.memory_space<vmem>> -> memref<128x32xf32, #tpu.memory_space<vmem>>
    %dma_start3A_74 = arith.constant 0 : i32
    %dma_start3A_75 = tpu.memref_slice %arg5[%dma_start3A_70, %dma_start3A_74] : memref<15x128xi32, #tpu.memory_space<vmem>> -> memref<1x128xi32, #tpu.memory_space<vmem>>
    %dma_start3A_76 = tpu.memref_squeeze %dma_start3A_75 : memref<1x128xi32, #tpu.memory_space<vmem>> -> memref<128xi32, #tpu.memory_space<vmem>>
    %dma_start3A_77 = arith.constant 0 : i32
    %dma_start3A_78 = arith.constant 0 : i32
    %dma_start3A_79 = tpu.memref_slice %arg2[%dma_start3A_77, %dma_start3A_78] : memref<10240x32xf32, #tpu.memory_space<hbm>> -> memref<10240x32xf32, #tpu.memory_space<hbm>>
    tpu.enqueue_indirect_dma source(%dma_start3A_79 : memref<10240x32xf32, #tpu.memory_space<hbm>>) target(%dma_start3A_73 : memref<128x32xf32, #tpu.memory_space<vmem>>) offsets(%dma_start3A_76 : memref<128xi32, #tpu.memory_space<vmem>>) semaphore(%arg8 : memref<!tpu.dma_semaphore, #tpu.memory_space<semaphore_mem>>)
    %dma_start3A_80 = arith.constant 8 : i32
    %dma_start3A_81 = arith.constant 1024 : i32
    %dma_start3A_82 = arith.constant 0 : i32
    %dma_start3A_83 = tpu.memref_slice %arg6[%dma_start3A_81, %dma_start3A_82] : memref<1920x32xf32, #tpu.memory_space<vmem>> -> memref<128x32xf32, #tpu.memory_space<vmem>>
    %dma_start3A_84 = arith.constant 0 : i32
    %dma_start3A_85 = tpu.memref_slice %arg5[%dma_start3A_80, %dma_start3A_84] : memref<15x128xi32, #tpu.memory_space<vmem>> -> memref<1x128xi32, #tpu.memory_space<vmem>>
    %dma_start3A_86 = tpu.memref_squeeze %dma_start3A_85 : memref<1x128xi32, #tpu.memory_space<vmem>> -> memref<128xi32, #tpu.memory_space<vmem>>
    %dma_start3A_87 = arith.constant 0 : i32
    %dma_start3A_88 = arith.constant 0 : i32
    %dma_start3A_89 = tpu.memref_slice %arg2[%dma_start3A_87, %dma_start3A_88] : memref<10240x32xf32, #tpu.memory_space<hbm>> -> memref<10240x32xf32, #tpu.memory_space<hbm>>
    tpu.enqueue_indirect_dma source(%dma_start3A_89 : memref<10240x32xf32, #tpu.memory_space<hbm>>) target(%dma_start3A_83 : memref<128x32xf32, #tpu.memory_space<vmem>>) offsets(%dma_start3A_86 : memref<128xi32, #tpu.memory_space<vmem>>) semaphore(%arg8 : memref<!tpu.dma_semaphore, #tpu.memory_space<semaphore_mem>>)
    %dma_start3A_90 = arith.constant 9 : i32
    %dma_start3A_91 = arith.constant 1152 : i32
    %dma_start3A_92 = arith.constant 0 : i32
    %dma_start3A_93 = tpu.memref_slice %arg6[%dma_start3A_91, %dma_start3A_92] : memref<1920x32xf32, #tpu.memory_space<vmem>> -> memref<128x32xf32, #tpu.memory_space<vmem>>
    %dma_start3A_94 = arith.constant 0 : i32
    %dma_start3A_95 = tpu.memref_slice %arg5[%dma_start3A_90, %dma_start3A_94] : memref<15x128xi32, #tpu.memory_space<vmem>> -> memref<1x128xi32, #tpu.memory_space<vmem>>
    %dma_start3A_96 = tpu.memref_squeeze %dma_start3A_95 : memref<1x128xi32, #tpu.memory_space<vmem>> -> memref<128xi32, #tpu.memory_space<vmem>>
    %dma_start3A_97 = arith.constant 0 : i32
    %dma_start3A_98 = arith.constant 0 : i32
    %dma_start3A_99 = tpu.memref_slice %arg2[%dma_start3A_97, %dma_start3A_98] : memref<10240x32xf32, #tpu.memory_space<hbm>> -> memref<10240x32xf32, #tpu.memory_space<hbm>>
    tpu.enqueue_indirect_dma source(%dma_start3A_99 : memref<10240x32xf32, #tpu.memory_space<hbm>>) target(%dma_start3A_93 : memref<128x32xf32, #tpu.memory_space<vmem>>) offsets(%dma_start3A_96 : memref<128xi32, #tpu.memory_space<vmem>>) semaphore(%arg8 : memref<!tpu.dma_semaphore, #tpu.memory_space<semaphore_mem>>)
    %dma_start3A_100 = arith.constant 10 : i32
    %dma_start3A_101 = arith.constant 1280 : i32
    %dma_start3A_102 = arith.constant 0 : i32
    %dma_start3A_103 = tpu.memref_slice %arg6[%dma_start3A_101, %dma_start3A_102] : memref<1920x32xf32, #tpu.memory_space<vmem>> -> memref<128x32xf32, #tpu.memory_space<vmem>>
    %dma_start3A_104 = arith.constant 0 : i32
    %dma_start3A_105 = tpu.memref_slice %arg5[%dma_start3A_100, %dma_start3A_104] : memref<15x128xi32, #tpu.memory_space<vmem>> -> memref<1x128xi32, #tpu.memory_space<vmem>>
    %dma_start3A_106 = tpu.memref_squeeze %dma_start3A_105 : memref<1x128xi32, #tpu.memory_space<vmem>> -> memref<128xi32, #tpu.memory_space<vmem>>
    %dma_start3A_107 = arith.constant 0 : i32
    %dma_start3A_108 = arith.constant 0 : i32
    %dma_start3A_109 = tpu.memref_slice %arg2[%dma_start3A_107, %dma_start3A_108] : memref<10240x32xf32, #tpu.memory_space<hbm>> -> memref<10240x32xf32, #tpu.memory_space<hbm>>
    tpu.enqueue_indirect_dma source(%dma_start3A_109 : memref<10240x32xf32, #tpu.memory_space<hbm>>) target(%dma_start3A_103 : memref<128x32xf32, #tpu.memory_space<vmem>>) offsets(%dma_start3A_106 : memref<128xi32, #tpu.memory_space<vmem>>) semaphore(%arg8 : memref<!tpu.dma_semaphore, #tpu.memory_space<semaphore_mem>>)
    %dma_start3A_110 = arith.constant 11 : i32
    %dma_start3A_111 = arith.constant 1408 : i32
    %dma_start3A_112 = arith.constant 0 : i32
    %dma_start3A_113 = tpu.memref_slice %arg6[%dma_start3A_111, %dma_start3A_112] : memref<1920x32xf32, #tpu.memory_space<vmem>> -> memref<128x32xf32, #tpu.memory_space<vmem>>
    %dma_start3A_114 = arith.constant 0 : i32
    %dma_start3A_115 = tpu.memref_slice %arg5[%dma_start3A_110, %dma_start3A_114] : memref<15x128xi32, #tpu.memory_space<vmem>> -> memref<1x128xi32, #tpu.memory_space<vmem>>
    %dma_start3A_116 = tpu.memref_squeeze %dma_start3A_115 : memref<1x128xi32, #tpu.memory_space<vmem>> -> memref<128xi32, #tpu.memory_space<vmem>>
    %dma_start3A_117 = arith.constant 0 : i32
    %dma_start3A_118 = arith.constant 0 : i32
    %dma_start3A_119 = tpu.memref_slice %arg2[%dma_start3A_117, %dma_start3A_118] : memref<10240x32xf32, #tpu.memory_space<hbm>> -> memref<10240x32xf32, #tpu.memory_space<hbm>>
    tpu.enqueue_indirect_dma source(%dma_start3A_119 : memref<10240x32xf32, #tpu.memory_space<hbm>>) target(%dma_start3A_113 : memref<128x32xf32, #tpu.memory_space<vmem>>) offsets(%dma_start3A_116 : memref<128xi32, #tpu.memory_space<vmem>>) semaphore(%arg8 : memref<!tpu.dma_semaphore, #tpu.memory_space<semaphore_mem>>)
    %dma_start3A_120 = arith.constant 12 : i32
    %dma_start3A_121 = arith.constant 1536 : i32
    %dma_start3A_122 = arith.constant 0 : i32
    %dma_start3A_123 = tpu.memref_slice %arg6[%dma_start3A_121, %dma_start3A_122] : memref<1920x32xf32, #tpu.memory_space<vmem>> -> memref<128x32xf32, #tpu.memory_space<vmem>>
    %dma_start3A_124 = arith.constant 0 : i32
    %dma_start3A_125 = tpu.memref_slice %arg5[%dma_start3A_120, %dma_start3A_124] : memref<15x128xi32, #tpu.memory_space<vmem>> -> memref<1x128xi32, #tpu.memory_space<vmem>>
    %dma_start3A_126 = tpu.memref_squeeze %dma_start3A_125 : memref<1x128xi32, #tpu.memory_space<vmem>> -> memref<128xi32, #tpu.memory_space<vmem>>
    %dma_start3A_127 = arith.constant 0 : i32
    %dma_start3A_128 = arith.constant 0 : i32
    %dma_start3A_129 = tpu.memref_slice %arg2[%dma_start3A_127, %dma_start3A_128] : memref<10240x32xf32, #tpu.memory_space<hbm>> -> memref<10240x32xf32, #tpu.memory_space<hbm>>
    tpu.enqueue_indirect_dma source(%dma_start3A_129 : memref<10240x32xf32, #tpu.memory_space<hbm>>) target(%dma_start3A_123 : memref<128x32xf32, #tpu.memory_space<vmem>>) offsets(%dma_start3A_126 : memref<128xi32, #tpu.memory_space<vmem>>) semaphore(%arg8 : memref<!tpu.dma_semaphore, #tpu.memory_space<semaphore_mem>>)
    %dma_start3A_130 = arith.constant 13 : i32
    %dma_start3A_131 = arith.constant 1664 : i32
    %dma_start3A_132 = arith.constant 0 : i32
    %dma_start3A_133 = tpu.memref_slice %arg6[%dma_start3A_131, %dma_start3A_132] : memref<1920x32xf32, #tpu.memory_space<vmem>> -> memref<128x32xf32, #tpu.memory_space<vmem>>
    %dma_start3A_134 = arith.constant 0 : i32
    %dma_start3A_135 = tpu.memref_slice %arg5[%dma_start3A_130, %dma_start3A_134] : memref<15x128xi32, #tpu.memory_space<vmem>> -> memref<1x128xi32, #tpu.memory_space<vmem>>
    %dma_start3A_136 = tpu.memref_squeeze %dma_start3A_135 : memref<1x128xi32, #tpu.memory_space<vmem>> -> memref<128xi32, #tpu.memory_space<vmem>>
    %dma_start3A_137 = arith.constant 0 : i32
    %dma_start3A_138 = arith.constant 0 : i32
    %dma_start3A_139 = tpu.memref_slice %arg2[%dma_start3A_137, %dma_start3A_138] : memref<10240x32xf32, #tpu.memory_space<hbm>> -> memref<10240x32xf32, #tpu.memory_space<hbm>>
    tpu.enqueue_indirect_dma source(%dma_start3A_139 : memref<10240x32xf32, #tpu.memory_space<hbm>>) target(%dma_start3A_133 : memref<128x32xf32, #tpu.memory_space<vmem>>) offsets(%dma_start3A_136 : memref<128xi32, #tpu.memory_space<vmem>>) semaphore(%arg8 : memref<!tpu.dma_semaphore, #tpu.memory_space<semaphore_mem>>)
    %dma_start3A_140 = arith.constant 14 : i32
    %dma_start3A_141 = arith.constant 1792 : i32
    %dma_start3A_142 = arith.constant 0 : i32
    %dma_start3A_143 = tpu.memref_slice %arg6[%dma_start3A_141, %dma_start3A_142] : memref<1920x32xf32, #tpu.memory_space<vmem>> -> memref<128x32xf32, #tpu.memory_space<vmem>>
    %dma_start3A_144 = arith.constant 0 : i32
    %dma_start3A_145 = tpu.memref_slice %arg5[%dma_start3A_140, %dma_start3A_144] : memref<15x128xi32, #tpu.memory_space<vmem>> -> memref<1x128xi32, #tpu.memory_space<vmem>>
    %dma_start3A_146 = tpu.memref_squeeze %dma_start3A_145 : memref<1x128xi32, #tpu.memory_space<vmem>> -> memref<128xi32, #tpu.memory_space<vmem>>
    %dma_start3A_147 = arith.constant 0 : i32
    %dma_start3A_148 = arith.constant 0 : i32
    %dma_start3A_149 = tpu.memref_slice %arg2[%dma_start3A_147, %dma_start3A_148] : memref<10240x32xf32, #tpu.memory_space<hbm>> -> memref<10240x32xf32, #tpu.memory_space<hbm>>
    tpu.enqueue_indirect_dma source(%dma_start3A_149 : memref<10240x32xf32, #tpu.memory_space<hbm>>) target(%dma_start3A_143 : memref<128x32xf32, #tpu.memory_space<vmem>>) offsets(%dma_start3A_146 : memref<128xi32, #tpu.memory_space<vmem>>) semaphore(%arg8 : memref<!tpu.dma_semaphore, #tpu.memory_space<semaphore_mem>>)
    %dma_wait3A = arith.constant 0 : i32
    %dma_wait3A_150 = arith.constant 0 : i32
    %dma_wait3A_151 = arith.constant 0 : i32
    %dma_wait3A_152 = tpu.memref_slice %arg6[%dma_wait3A_150, %dma_wait3A_151] : memref<1920x32xf32, #tpu.memory_space<vmem>> -> memref<128x32xf32, #tpu.memory_space<vmem>>
    %dma_wait3A_153 = arith.constant 0 : i32
    %dma_wait3A_154 = tpu.memref_slice %arg5[%dma_wait3A, %dma_wait3A_153] : memref<15x128xi32, #tpu.memory_space<vmem>> -> memref<1x128xi32, #tpu.memory_space<vmem>>
    %dma_wait3A_155 = tpu.memref_squeeze %dma_wait3A_154 : memref<1x128xi32, #tpu.memory_space<vmem>> -> memref<128xi32, #tpu.memory_space<vmem>>
    %dma_wait3A_156 = arith.constant 0 : i32
    %dma_wait3A_157 = arith.constant 0 : i32
    %dma_wait3A_158 = tpu.memref_slice %arg2[%dma_wait3A_156, %dma_wait3A_157] : memref<10240x32xf32, #tpu.memory_space<hbm>> -> memref<10240x32xf32, #tpu.memory_space<hbm>>
    tpu.wait_indirect_dma semaphore(%arg8 : memref<!tpu.dma_semaphore, #tpu.memory_space<semaphore_mem>>) src(%dma_wait3A_158 : memref<10240x32xf32, #tpu.memory_space<hbm>>) dst(%dma_wait3A_152 : memref<128x32xf32, #tpu.memory_space<vmem>>)
    %dma_wait3A_159 = arith.constant 1 : i32
    %dma_wait3A_160 = arith.constant 128 : i32
    %dma_wait3A_161 = arith.constant 0 : i32
    %dma_wait3A_162 = tpu.memref_slice %arg6[%dma_wait3A_160, %dma_wait3A_161] : memref<1920x32xf32, #tpu.memory_space<vmem>> -> memref<128x32xf32, #tpu.memory_space<vmem>>
    %dma_wait3A_163 = arith.constant 0 : i32
    %dma_wait3A_164 = tpu.memref_slice %arg5[%dma_wait3A_159, %dma_wait3A_163] : memref<15x128xi32, #tpu.memory_space<vmem>> -> memref<1x128xi32, #tpu.memory_space<vmem>>
    %dma_wait3A_165 = tpu.memref_squeeze %dma_wait3A_164 : memref<1x128xi32, #tpu.memory_space<vmem>> -> memref<128xi32, #tpu.memory_space<vmem>>
    %dma_wait3A_166 = arith.constant 0 : i32
    %dma_wait3A_167 = arith.constant 0 : i32
    %dma_wait3A_168 = tpu.memref_slice %arg2[%dma_wait3A_166, %dma_wait3A_167] : memref<10240x32xf32, #tpu.memory_space<hbm>> -> memref<10240x32xf32, #tpu.memory_space<hbm>>
    tpu.wait_indirect_dma semaphore(%arg8 : memref<!tpu.dma_semaphore, #tpu.memory_space<semaphore_mem>>) src(%dma_wait3A_168 : memref<10240x32xf32, #tpu.memory_space<hbm>>) dst(%dma_wait3A_162 : memref<128x32xf32, #tpu.memory_space<vmem>>)
    %dma_wait3A_169 = arith.constant 2 : i32
    %dma_wait3A_170 = arith.constant 256 : i32
    %dma_wait3A_171 = arith.constant 0 : i32
    %dma_wait3A_172 = tpu.memref_slice %arg6[%dma_wait3A_170, %dma_wait3A_171] : memref<1920x32xf32, #tpu.memory_space<vmem>> -> memref<128x32xf32, #tpu.memory_space<vmem>>
    %dma_wait3A_173 = arith.constant 0 : i32
    %dma_wait3A_174 = tpu.memref_slice %arg5[%dma_wait3A_169, %dma_wait3A_173] : memref<15x128xi32, #tpu.memory_space<vmem>> -> memref<1x128xi32, #tpu.memory_space<vmem>>
    %dma_wait3A_175 = tpu.memref_squeeze %dma_wait3A_174 : memref<1x128xi32, #tpu.memory_space<vmem>> -> memref<128xi32, #tpu.memory_space<vmem>>
    %dma_wait3A_176 = arith.constant 0 : i32
    %dma_wait3A_177 = arith.constant 0 : i32
    %dma_wait3A_178 = tpu.memref_slice %arg2[%dma_wait3A_176, %dma_wait3A_177] : memref<10240x32xf32, #tpu.memory_space<hbm>> -> memref<10240x32xf32, #tpu.memory_space<hbm>>
    tpu.wait_indirect_dma semaphore(%arg8 : memref<!tpu.dma_semaphore, #tpu.memory_space<semaphore_mem>>) src(%dma_wait3A_178 : memref<10240x32xf32, #tpu.memory_space<hbm>>) dst(%dma_wait3A_172 : memref<128x32xf32, #tpu.memory_space<vmem>>)
    %dma_wait3A_179 = arith.constant 3 : i32
    %dma_wait3A_180 = arith.constant 384 : i32
    %dma_wait3A_181 = arith.constant 0 : i32
    %dma_wait3A_182 = tpu.memref_slice %arg6[%dma_wait3A_180, %dma_wait3A_181] : memref<1920x32xf32, #tpu.memory_space<vmem>> -> memref<128x32xf32, #tpu.memory_space<vmem>>
    %dma_wait3A_183 = arith.constant 0 : i32
    %dma_wait3A_184 = tpu.memref_slice %arg5[%dma_wait3A_179, %dma_wait3A_183] : memref<15x128xi32, #tpu.memory_space<vmem>> -> memref<1x128xi32, #tpu.memory_space<vmem>>
    %dma_wait3A_185 = tpu.memref_squeeze %dma_wait3A_184 : memref<1x128xi32, #tpu.memory_space<vmem>> -> memref<128xi32, #tpu.memory_space<vmem>>
    %dma_wait3A_186 = arith.constant 0 : i32
    %dma_wait3A_187 = arith.constant 0 : i32
    %dma_wait3A_188 = tpu.memref_slice %arg2[%dma_wait3A_186, %dma_wait3A_187] : memref<10240x32xf32, #tpu.memory_space<hbm>> -> memref<10240x32xf32, #tpu.memory_space<hbm>>
    tpu.wait_indirect_dma semaphore(%arg8 : memref<!tpu.dma_semaphore, #tpu.memory_space<semaphore_mem>>) src(%dma_wait3A_188 : memref<10240x32xf32, #tpu.memory_space<hbm>>) dst(%dma_wait3A_182 : memref<128x32xf32, #tpu.memory_space<vmem>>)
    %dma_wait3A_189 = arith.constant 4 : i32
    %dma_wait3A_190 = arith.constant 512 : i32
    %dma_wait3A_191 = arith.constant 0 : i32
    %dma_wait3A_192 = tpu.memref_slice %arg6[%dma_wait3A_190, %dma_wait3A_191] : memref<1920x32xf32, #tpu.memory_space<vmem>> -> memref<128x32xf32, #tpu.memory_space<vmem>>
    %dma_wait3A_193 = arith.constant 0 : i32
    %dma_wait3A_194 = tpu.memref_slice %arg5[%dma_wait3A_189, %dma_wait3A_193] : memref<15x128xi32, #tpu.memory_space<vmem>> -> memref<1x128xi32, #tpu.memory_space<vmem>>
    %dma_wait3A_195 = tpu.memref_squeeze %dma_wait3A_194 : memref<1x128xi32, #tpu.memory_space<vmem>> -> memref<128xi32, #tpu.memory_space<vmem>>
    %dma_wait3A_196 = arith.constant 0 : i32
    %dma_wait3A_197 = arith.constant 0 : i32
    %dma_wait3A_198 = tpu.memref_slice %arg2[%dma_wait3A_196, %dma_wait3A_197] : memref<10240x32xf32, #tpu.memory_space<hbm>> -> memref<10240x32xf32, #tpu.memory_space<hbm>>
    tpu.wait_indirect_dma semaphore(%arg8 : memref<!tpu.dma_semaphore, #tpu.memory_space<semaphore_mem>>) src(%dma_wait3A_198 : memref<10240x32xf32, #tpu.memory_space<hbm>>) dst(%dma_wait3A_192 : memref<128x32xf32, #tpu.memory_space<vmem>>)
    %dma_wait3A_199 = arith.constant 5 : i32
    %dma_wait3A_200 = arith.constant 640 : i32
    %dma_wait3A_201 = arith.constant 0 : i32
    %dma_wait3A_202 = tpu.memref_slice %arg6[%dma_wait3A_200, %dma_wait3A_201] : memref<1920x32xf32, #tpu.memory_space<vmem>> -> memref<128x32xf32, #tpu.memory_space<vmem>>
    %dma_wait3A_203 = arith.constant 0 : i32
    %dma_wait3A_204 = tpu.memref_slice %arg5[%dma_wait3A_199, %dma_wait3A_203] : memref<15x128xi32, #tpu.memory_space<vmem>> -> memref<1x128xi32, #tpu.memory_space<vmem>>
    %dma_wait3A_205 = tpu.memref_squeeze %dma_wait3A_204 : memref<1x128xi32, #tpu.memory_space<vmem>> -> memref<128xi32, #tpu.memory_space<vmem>>
    %dma_wait3A_206 = arith.constant 0 : i32
    %dma_wait3A_207 = arith.constant 0 : i32
    %dma_wait3A_208 = tpu.memref_slice %arg2[%dma_wait3A_206, %dma_wait3A_207] : memref<10240x32xf32, #tpu.memory_space<hbm>> -> memref<10240x32xf32, #tpu.memory_space<hbm>>
    tpu.wait_indirect_dma semaphore(%arg8 : memref<!tpu.dma_semaphore, #tpu.memory_space<semaphore_mem>>) src(%dma_wait3A_208 : memref<10240x32xf32, #tpu.memory_space<hbm>>) dst(%dma_wait3A_202 : memref<128x32xf32, #tpu.memory_space<vmem>>)
    %dma_wait3A_209 = arith.constant 6 : i32
    %dma_wait3A_210 = arith.constant 768 : i32
    %dma_wait3A_211 = arith.constant 0 : i32
    %dma_wait3A_212 = tpu.memref_slice %arg6[%dma_wait3A_210, %dma_wait3A_211] : memref<1920x32xf32, #tpu.memory_space<vmem>> -> memref<128x32xf32, #tpu.memory_space<vmem>>
    %dma_wait3A_213 = arith.constant 0 : i32
    %dma_wait3A_214 = tpu.memref_slice %arg5[%dma_wait3A_209, %dma_wait3A_213] : memref<15x128xi32, #tpu.memory_space<vmem>> -> memref<1x128xi32, #tpu.memory_space<vmem>>
    %dma_wait3A_215 = tpu.memref_squeeze %dma_wait3A_214 : memref<1x128xi32, #tpu.memory_space<vmem>> -> memref<128xi32, #tpu.memory_space<vmem>>
    %dma_wait3A_216 = arith.constant 0 : i32
    %dma_wait3A_217 = arith.constant 0 : i32
    %dma_wait3A_218 = tpu.memref_slice %arg2[%dma_wait3A_216, %dma_wait3A_217] : memref<10240x32xf32, #tpu.memory_space<hbm>> -> memref<10240x32xf32, #tpu.memory_space<hbm>>
    tpu.wait_indirect_dma semaphore(%arg8 : memref<!tpu.dma_semaphore, #tpu.memory_space<semaphore_mem>>) src(%dma_wait3A_218 : memref<10240x32xf32, #tpu.memory_space<hbm>>) dst(%dma_wait3A_212 : memref<128x32xf32, #tpu.memory_space<vmem>>)
    %dma_wait3A_219 = arith.constant 7 : i32
    %dma_wait3A_220 = arith.constant 896 : i32
    %dma_wait3A_221 = arith.constant 0 : i32
    %dma_wait3A_222 = tpu.memref_slice %arg6[%dma_wait3A_220, %dma_wait3A_221] : memref<1920x32xf32, #tpu.memory_space<vmem>> -> memref<128x32xf32, #tpu.memory_space<vmem>>
    %dma_wait3A_223 = arith.constant 0 : i32
    %dma_wait3A_224 = tpu.memref_slice %arg5[%dma_wait3A_219, %dma_wait3A_223] : memref<15x128xi32, #tpu.memory_space<vmem>> -> memref<1x128xi32, #tpu.memory_space<vmem>>
    %dma_wait3A_225 = tpu.memref_squeeze %dma_wait3A_224 : memref<1x128xi32, #tpu.memory_space<vmem>> -> memref<128xi32, #tpu.memory_space<vmem>>
    %dma_wait3A_226 = arith.constant 0 : i32
    %dma_wait3A_227 = arith.constant 0 : i32
    %dma_wait3A_228 = tpu.memref_slice %arg2[%dma_wait3A_226, %dma_wait3A_227] : memref<10240x32xf32, #tpu.memory_space<hbm>> -> memref<10240x32xf32, #tpu.memory_space<hbm>>
    tpu.wait_indirect_dma semaphore(%arg8 : memref<!tpu.dma_semaphore, #tpu.memory_space<semaphore_mem>>) src(%dma_wait3A_228 : memref<10240x32xf32, #tpu.memory_space<hbm>>) dst(%dma_wait3A_222 : memref<128x32xf32, #tpu.memory_space<vmem>>)
    %dma_wait3A_229 = arith.constant 8 : i32
    %dma_wait3A_230 = arith.constant 1024 : i32
    %dma_wait3A_231 = arith.constant 0 : i32
    %dma_wait3A_232 = tpu.memref_slice %arg6[%dma_wait3A_230, %dma_wait3A_231] : memref<1920x32xf32, #tpu.memory_space<vmem>> -> memref<128x32xf32, #tpu.memory_space<vmem>>
    %dma_wait3A_233 = arith.constant 0 : i32
    %dma_wait3A_234 = tpu.memref_slice %arg5[%dma_wait3A_229, %dma_wait3A_233] : memref<15x128xi32, #tpu.memory_space<vmem>> -> memref<1x128xi32, #tpu.memory_space<vmem>>
    %dma_wait3A_235 = tpu.memref_squeeze %dma_wait3A_234 : memref<1x128xi32, #tpu.memory_space<vmem>> -> memref<128xi32, #tpu.memory_space<vmem>>
    %dma_wait3A_236 = arith.constant 0 : i32
    %dma_wait3A_237 = arith.constant 0 : i32
    %dma_wait3A_238 = tpu.memref_slice %arg2[%dma_wait3A_236, %dma_wait3A_237] : memref<10240x32xf32, #tpu.memory_space<hbm>> -> memref<10240x32xf32, #tpu.memory_space<hbm>>
    tpu.wait_indirect_dma semaphore(%arg8 : memref<!tpu.dma_semaphore, #tpu.memory_space<semaphore_mem>>) src(%dma_wait3A_238 : memref<10240x32xf32, #tpu.memory_space<hbm>>) dst(%dma_wait3A_232 : memref<128x32xf32, #tpu.memory_space<vmem>>)
    %dma_wait3A_239 = arith.constant 9 : i32
    %dma_wait3A_240 = arith.constant 1152 : i32
    %dma_wait3A_241 = arith.constant 0 : i32
    %dma_wait3A_242 = tpu.memref_slice %arg6[%dma_wait3A_240, %dma_wait3A_241] : memref<1920x32xf32, #tpu.memory_space<vmem>> -> memref<128x32xf32, #tpu.memory_space<vmem>>
    %dma_wait3A_243 = arith.constant 0 : i32
    %dma_wait3A_244 = tpu.memref_slice %arg5[%dma_wait3A_239, %dma_wait3A_243] : memref<15x128xi32, #tpu.memory_space<vmem>> -> memref<1x128xi32, #tpu.memory_space<vmem>>
    %dma_wait3A_245 = tpu.memref_squeeze %dma_wait3A_244 : memref<1x128xi32, #tpu.memory_space<vmem>> -> memref<128xi32, #tpu.memory_space<vmem>>
    %dma_wait3A_246 = arith.constant 0 : i32
    %dma_wait3A_247 = arith.constant 0 : i32
    %dma_wait3A_248 = tpu.memref_slice %arg2[%dma_wait3A_246, %dma_wait3A_247] : memref<10240x32xf32, #tpu.memory_space<hbm>> -> memref<10240x32xf32, #tpu.memory_space<hbm>>
    tpu.wait_indirect_dma semaphore(%arg8 : memref<!tpu.dma_semaphore, #tpu.memory_space<semaphore_mem>>) src(%dma_wait3A_248 : memref<10240x32xf32, #tpu.memory_space<hbm>>) dst(%dma_wait3A_242 : memref<128x32xf32, #tpu.memory_space<vmem>>)
    %dma_wait3A_249 = arith.constant 10 : i32
    %dma_wait3A_250 = arith.constant 1280 : i32
    %dma_wait3A_251 = arith.constant 0 : i32
    %dma_wait3A_252 = tpu.memref_slice %arg6[%dma_wait3A_250, %dma_wait3A_251] : memref<1920x32xf32, #tpu.memory_space<vmem>> -> memref<128x32xf32, #tpu.memory_space<vmem>>
    %dma_wait3A_253 = arith.constant 0 : i32
    %dma_wait3A_254 = tpu.memref_slice %arg5[%dma_wait3A_249, %dma_wait3A_253] : memref<15x128xi32, #tpu.memory_space<vmem>> -> memref<1x128xi32, #tpu.memory_space<vmem>>
    %dma_wait3A_255 = tpu.memref_squeeze %dma_wait3A_254 : memref<1x128xi32, #tpu.memory_space<vmem>> -> memref<128xi32, #tpu.memory_space<vmem>>
    %dma_wait3A_256 = arith.constant 0 : i32
    %dma_wait3A_257 = arith.constant 0 : i32
    %dma_wait3A_258 = tpu.memref_slice %arg2[%dma_wait3A_256, %dma_wait3A_257] : memref<10240x32xf32, #tpu.memory_space<hbm>> -> memref<10240x32xf32, #tpu.memory_space<hbm>>
    tpu.wait_indirect_dma semaphore(%arg8 : memref<!tpu.dma_semaphore, #tpu.memory_space<semaphore_mem>>) src(%dma_wait3A_258 : memref<10240x32xf32, #tpu.memory_space<hbm>>) dst(%dma_wait3A_252 : memref<128x32xf32, #tpu.memory_space<vmem>>)
    %dma_wait3A_259 = arith.constant 11 : i32
    %dma_wait3A_260 = arith.constant 1408 : i32
    %dma_wait3A_261 = arith.constant 0 : i32
    %dma_wait3A_262 = tpu.memref_slice %arg6[%dma_wait3A_260, %dma_wait3A_261] : memref<1920x32xf32, #tpu.memory_space<vmem>> -> memref<128x32xf32, #tpu.memory_space<vmem>>
    %dma_wait3A_263 = arith.constant 0 : i32
    %dma_wait3A_264 = tpu.memref_slice %arg5[%dma_wait3A_259, %dma_wait3A_263] : memref<15x128xi32, #tpu.memory_space<vmem>> -> memref<1x128xi32, #tpu.memory_space<vmem>>
    %dma_wait3A_265 = tpu.memref_squeeze %dma_wait3A_264 : memref<1x128xi32, #tpu.memory_space<vmem>> -> memref<128xi32, #tpu.memory_space<vmem>>
    %dma_wait3A_266 = arith.constant 0 : i32
    %dma_wait3A_267 = arith.constant 0 : i32
    %dma_wait3A_268 = tpu.memref_slice %arg2[%dma_wait3A_266, %dma_wait3A_267] : memref<10240x32xf32, #tpu.memory_space<hbm>> -> memref<10240x32xf32, #tpu.memory_space<hbm>>
    tpu.wait_indirect_dma semaphore(%arg8 : memref<!tpu.dma_semaphore, #tpu.memory_space<semaphore_mem>>) src(%dma_wait3A_268 : memref<10240x32xf32, #tpu.memory_space<hbm>>) dst(%dma_wait3A_262 : memref<128x32xf32, #tpu.memory_space<vmem>>)
    %dma_wait3A_269 = arith.constant 12 : i32
    %dma_wait3A_270 = arith.constant 1536 : i32
    %dma_wait3A_271 = arith.constant 0 : i32
    %dma_wait3A_272 = tpu.memref_slice %arg6[%dma_wait3A_270, %dma_wait3A_271] : memref<1920x32xf32, #tpu.memory_space<vmem>> -> memref<128x32xf32, #tpu.memory_space<vmem>>
    %dma_wait3A_273 = arith.constant 0 : i32
    %dma_wait3A_274 = tpu.memref_slice %arg5[%dma_wait3A_269, %dma_wait3A_273] : memref<15x128xi32, #tpu.memory_space<vmem>> -> memref<1x128xi32, #tpu.memory_space<vmem>>
    %dma_wait3A_275 = tpu.memref_squeeze %dma_wait3A_274 : memref<1x128xi32, #tpu.memory_space<vmem>> -> memref<128xi32, #tpu.memory_space<vmem>>
    %dma_wait3A_276 = arith.constant 0 : i32
    %dma_wait3A_277 = arith.constant 0 : i32
    %dma_wait3A_278 = tpu.memref_slice %arg2[%dma_wait3A_276, %dma_wait3A_277] : memref<10240x32xf32, #tpu.memory_space<hbm>> -> memref<10240x32xf32, #tpu.memory_space<hbm>>
    tpu.wait_indirect_dma semaphore(%arg8 : memref<!tpu.dma_semaphore, #tpu.memory_space<semaphore_mem>>) src(%dma_wait3A_278 : memref<10240x32xf32, #tpu.memory_space<hbm>>) dst(%dma_wait3A_272 : memref<128x32xf32, #tpu.memory_space<vmem>>)
    %dma_wait3A_279 = arith.constant 13 : i32
    %dma_wait3A_280 = arith.constant 1664 : i32
    %dma_wait3A_281 = arith.constant 0 : i32
    %dma_wait3A_282 = tpu.memref_slice %arg6[%dma_wait3A_280, %dma_wait3A_281] : memref<1920x32xf32, #tpu.memory_space<vmem>> -> memref<128x32xf32, #tpu.memory_space<vmem>>
    %dma_wait3A_283 = arith.constant 0 : i32
    %dma_wait3A_284 = tpu.memref_slice %arg5[%dma_wait3A_279, %dma_wait3A_283] : memref<15x128xi32, #tpu.memory_space<vmem>> -> memref<1x128xi32, #tpu.memory_space<vmem>>
    %dma_wait3A_285 = tpu.memref_squeeze %dma_wait3A_284 : memref<1x128xi32, #tpu.memory_space<vmem>> -> memref<128xi32, #tpu.memory_space<vmem>>
    %dma_wait3A_286 = arith.constant 0 : i32
    %dma_wait3A_287 = arith.constant 0 : i32
    %dma_wait3A_288 = tpu.memref_slice %arg2[%dma_wait3A_286, %dma_wait3A_287] : memref<10240x32xf32, #tpu.memory_space<hbm>> -> memref<10240x32xf32, #tpu.memory_space<hbm>>
    tpu.wait_indirect_dma semaphore(%arg8 : memref<!tpu.dma_semaphore, #tpu.memory_space<semaphore_mem>>) src(%dma_wait3A_288 : memref<10240x32xf32, #tpu.memory_space<hbm>>) dst(%dma_wait3A_282 : memref<128x32xf32, #tpu.memory_space<vmem>>)
    %dma_wait3A_289 = arith.constant 14 : i32
    %dma_wait3A_290 = arith.constant 1792 : i32
    %dma_wait3A_291 = arith.constant 0 : i32
    %dma_wait3A_292 = tpu.memref_slice %arg6[%dma_wait3A_290, %dma_wait3A_291] : memref<1920x32xf32, #tpu.memory_space<vmem>> -> memref<128x32xf32, #tpu.memory_space<vmem>>
    %dma_wait3A_293 = arith.constant 0 : i32
    %dma_wait3A_294 = tpu.memref_slice %arg5[%dma_wait3A_289, %dma_wait3A_293] : memref<15x128xi32, #tpu.memory_space<vmem>> -> memref<1x128xi32, #tpu.memory_space<vmem>>
    %dma_wait3A_295 = tpu.memref_squeeze %dma_wait3A_294 : memref<1x128xi32, #tpu.memory_space<vmem>> -> memref<128xi32, #tpu.memory_space<vmem>>
    %dma_wait3A_296 = arith.constant 0 : i32
    %dma_wait3A_297 = arith.constant 0 : i32
    %dma_wait3A_298 = tpu.memref_slice %arg2[%dma_wait3A_296, %dma_wait3A_297] : memref<10240x32xf32, #tpu.memory_space<hbm>> -> memref<10240x32xf32, #tpu.memory_space<hbm>>
    tpu.wait_indirect_dma semaphore(%arg8 : memref<!tpu.dma_semaphore, #tpu.memory_space<semaphore_mem>>) src(%dma_wait3A_298 : memref<10240x32xf32, #tpu.memory_space<hbm>>) dst(%dma_wait3A_292 : memref<128x32xf32, #tpu.memory_space<vmem>>)
    %scan3A = arith.constant 0 : i32
    %scan3A_299 = arith.constant 0 : i32
    %scan3A_300 = arith.constant 320 : i32
    %scan3A_301 = arith.addi %scan3A_299, %scan3A_300 : i32
    %scan3A_302 = arith.constant 1 : i32
    scf.for %scan3A_306 = %scan3A_299 to %scan3A_301 step %scan3A_302  : i32 {
      %mul3A_307 = arith.constant 6 : i32
      %mul3A_308 = arith.muli %scan3A_306, %mul3A_307 : i32
      %get3A = arith.index_cast %mul3A_308 : i32 to index
      %get3A_309 = arith.constant 0 : index
      %get3A_310 = tpu.vector_load %arg6[%get3A, %get3A_309] {strides = array<i32>} : memref<1920x32xf32, #tpu.memory_space<vmem>>, vector<1x16xf32>,
      %get3A_311 = vector.shape_cast %get3A_310 : vector<1x16xf32> to vector<16xf32>
      %add3A_312 = arith.constant 1 : i32
      %add3A_313 = arith.addi %mul3A_308, %add3A_312 : i32
      %get3A_314 = arith.index_cast %add3A_313 : i32 to index
      %get3A_315 = arith.constant 0 : index
      %get3A_316 = tpu.vector_load %arg6[%get3A_314, %get3A_315] {strides = array<i32>} : memref<1920x32xf32, #tpu.memory_space<vmem>>, vector<1x16xf32>,
      %get3A_317 = vector.shape_cast %get3A_316 : vector<1x16xf32> to vector<16xf32>
      %max3A = arith.maximumf %get3A_311, %get3A_317 : vector<16xf32>
      %add3A_318 = arith.constant 2 : i32
      %add3A_319 = arith.addi %mul3A_308, %add3A_318 : i32
      %get3A_320 = arith.index_cast %add3A_319 : i32 to index
      %get3A_321 = arith.constant 0 : index
      %get3A_322 = tpu.vector_load %arg6[%get3A_320, %get3A_321] {strides = array<i32>} : memref<1920x32xf32, #tpu.memory_space<vmem>>, vector<1x16xf32>,
      %get3A_323 = vector.shape_cast %get3A_322 : vector<1x16xf32> to vector<16xf32>
      %max3A_324 = arith.maximumf %max3A, %get3A_323 : vector<16xf32>
      %add3A_325 = arith.constant 3 : i32
      %add3A_326 = arith.addi %mul3A_308, %add3A_325 : i32
      %get3A_327 = arith.index_cast %add3A_326 : i32 to index
      %get3A_328 = arith.constant 0 : index
      %get3A_329 = tpu.vector_load %arg6[%get3A_327, %get3A_328] {strides = array<i32>} : memref<1920x32xf32, #tpu.memory_space<vmem>>, vector<1x16xf32>,
      %get3A_330 = vector.shape_cast %get3A_329 : vector<1x16xf32> to vector<16xf32>
      %max3A_331 = arith.maximumf %max3A_324, %get3A_330 : vector<16xf32>
      %add3A_332 = arith.constant 4 : i32
      %add3A_333 = arith.addi %mul3A_308, %add3A_332 : i32
      %get3A_334 = arith.index_cast %add3A_333 : i32 to index
      %get3A_335 = arith.constant 0 : index
      %get3A_336 = tpu.vector_load %arg6[%get3A_334, %get3A_335] {strides = array<i32>} : memref<1920x32xf32, #tpu.memory_space<vmem>>, vector<1x16xf32>,
      %get3A_337 = vector.shape_cast %get3A_336 : vector<1x16xf32> to vector<16xf32>
      %max3A_338 = arith.maximumf %max3A_331, %get3A_337 : vector<16xf32>
      %add3A_339 = arith.constant 5 : i32
      %add3A_340 = arith.addi %mul3A_308, %add3A_339 : i32
      %get3A_341 = arith.index_cast %add3A_340 : i32 to index
      %get3A_342 = arith.constant 0 : index
      %get3A_343 = tpu.vector_load %arg6[%get3A_341, %get3A_342] {strides = array<i32>} : memref<1920x32xf32, #tpu.memory_space<vmem>>, vector<1x16xf32>,
      %get3A_344 = vector.shape_cast %get3A_343 : vector<1x16xf32> to vector<16xf32>
      %max3A_345 = arith.maximumf %max3A_338, %get3A_344 : vector<16xf32>
      %max3A_346 = arith.constant 0.000000e+00 : f32
      %max3A_347 = vector.broadcast %max3A_346 : f32 to vector<16xf32>
      %max3A_348 = arith.maximumf %max3A_345, %max3A_347 : vector<16xf32>
      %swap3A = arith.index_cast %scan3A_306 : i32 to index
      %swap3A_349 = arith.constant 0 : index
      %swap3A_350 = tpu.vector_load %arg7[%swap3A, %swap3A_349] {strides = array<i32>} : memref<320x32xf32, #tpu.memory_space<vmem>>, vector<1x16xf32>,
      %swap3A_351 = vector.shape_cast %swap3A_350 : vector<1x16xf32> to vector<16xf32>
      %swap3A_352 = vector.shape_cast %max3A_348 : vector<16xf32> to vector<1x16xf32>
      tpu.vector_store %arg7[%swap3A, %swap3A_349], %swap3A_352 {strides = array<i32>} : memref<320x32xf32, #tpu.memory_space<vmem>>, vector<1x16xf32>,
      %get3A_353 = arith.index_cast %mul3A_308 : i32 to index
      %get3A_354 = arith.constant 16 : index
      %get3A_355 = tpu.vector_load %arg6[%get3A_353, %get3A_354] {strides = array<i32>} : memref<1920x32xf32, #tpu.memory_space<vmem>>, vector<1x16xf32>,
      %get3A_356 = vector.shape_cast %get3A_355 : vector<1x16xf32> to vector<16xf32>
      %add3A_357 = arith.constant 1 : i32
      %add3A_358 = arith.addi %mul3A_308, %add3A_357 : i32
      %get3A_359 = arith.index_cast %add3A_358 : i32 to index
      %get3A_360 = arith.constant 16 : index
      %get3A_361 = tpu.vector_load %arg6[%get3A_359, %get3A_360] {strides = array<i32>} : memref<1920x32xf32, #tpu.memory_space<vmem>>, vector<1x16xf32>,
      %get3A_362 = vector.shape_cast %get3A_361 : vector<1x16xf32> to vector<16xf32>
      %max3A_363 = arith.maximumf %get3A_356, %get3A_362 : vector<16xf32>
      %add3A_364 = arith.constant 2 : i32
      %add3A_365 = arith.addi %mul3A_308, %add3A_364 : i32
      %get3A_366 = arith.index_cast %add3A_365 : i32 to index
      %get3A_367 = arith.constant 16 : index
      %get3A_368 = tpu.vector_load %arg6[%get3A_366, %get3A_367] {strides = array<i32>} : memref<1920x32xf32, #tpu.memory_space<vmem>>, vector<1x16xf32>,
      %get3A_369 = vector.shape_cast %get3A_368 : vector<1x16xf32> to vector<16xf32>
      %max3A_370 = arith.maximumf %max3A_363, %get3A_369 : vector<16xf32>
      %add3A_371 = arith.constant 3 : i32
      %add3A_372 = arith.addi %mul3A_308, %add3A_371 : i32
      %get3A_373 = arith.index_cast %add3A_372 : i32 to index
      %get3A_374 = arith.constant 16 : index
      %get3A_375 = tpu.vector_load %arg6[%get3A_373, %get3A_374] {strides = array<i32>} : memref<1920x32xf32, #tpu.memory_space<vmem>>, vector<1x16xf32>,
      %get3A_376 = vector.shape_cast %get3A_375 : vector<1x16xf32> to vector<16xf32>
      %max3A_377 = arith.maximumf %max3A_370, %get3A_376 : vector<16xf32>
      %add3A_378 = arith.constant 4 : i32
      %add3A_379 = arith.addi %mul3A_308, %add3A_378 : i32
      %get3A_380 = arith.index_cast %add3A_379 : i32 to index
      %get3A_381 = arith.constant 16 : index
      %get3A_382 = tpu.vector_load %arg6[%get3A_380, %get3A_381] {strides = array<i32>} : memref<1920x32xf32, #tpu.memory_space<vmem>>, vector<1x16xf32>,
      %get3A_383 = vector.shape_cast %get3A_382 : vector<1x16xf32> to vector<16xf32>
      %max3A_384 = arith.maximumf %max3A_377, %get3A_383 : vector<16xf32>
      %add3A_385 = arith.constant 5 : i32
      %add3A_386 = arith.addi %mul3A_308, %add3A_385 : i32
      %get3A_387 = arith.index_cast %add3A_386 : i32 to index
      %get3A_388 = arith.constant 16 : index
      %get3A_389 = tpu.vector_load %arg6[%get3A_387, %get3A_388] {strides = array<i32>} : memref<1920x32xf32, #tpu.memory_space<vmem>>, vector<1x16xf32>,
      %get3A_390 = vector.shape_cast %get3A_389 : vector<1x16xf32> to vector<16xf32>
      %max3A_391 = arith.maximumf %max3A_384, %get3A_390 : vector<16xf32>
      %max3A_392 = arith.constant 0.000000e+00 : f32
      %max3A_393 = vector.broadcast %max3A_392 : f32 to vector<16xf32>
      %max3A_394 = arith.maximumf %max3A_391, %max3A_393 : vector<16xf32>
      %swap3A_395 = arith.index_cast %scan3A_306 : i32 to index
      %swap3A_396 = arith.constant 16 : index
      %swap3A_397 = tpu.vector_load %arg7[%swap3A_395, %swap3A_396] {strides = array<i32>} : memref<320x32xf32, #tpu.memory_space<vmem>>, vector<1x16xf32>,
      %swap3A_398 = vector.shape_cast %swap3A_397 : vector<1x16xf32> to vector<16xf32>
      %swap3A_399 = vector.shape_cast %max3A_394 : vector<16xf32> to vector<1x16xf32>
      tpu.vector_store %arg7[%swap3A_395, %swap3A_396], %swap3A_399 {strides = array<i32>} : memref<320x32xf32, #tpu.memory_space<vmem>>, vector<1x16xf32>,
    }
    %scan3A_303 = arith.constant 320 : i32
    %mul3A_304 = arith.constant 320 : i32
    %mul3A_305 = arith.muli %add3A, %mul3A_304 : i32
    "tpu.region"() ({
      %run_scoped3A = tpu.sem_alloc : memref<!tpu.dma_semaphore, #tpu.memory_space<semaphore_mem>>
      %dma_start3A_306 = arith.constant 0 : i32
      %dma_start3A_307 = tpu.memref_slice %arg4[%mul3A_305, %dma_start3A_306] : memref<10240x32xf32, #tpu.memory_space<hbm>> -> memref<320x32xf32, #tpu.memory_space<hbm>>
      %dma_start3A_308 = arith.constant 0 : i32
      %dma_start3A_309 = tpu.memref_slice %arg4[%mul3A_305, %dma_start3A_308] : memref<10240x32xf32, #tpu.memory_space<hbm>> -> memref<320x32xf32, #tpu.memory_space<hbm>>
      tpu.enqueue_dma source(%arg7 : memref<320x32xf32, #tpu.memory_space<vmem>>) target(%dma_start3A_309 : memref<320x32xf32, #tpu.memory_space<hbm>>) target_semaphore(%run_scoped3A : memref<!tpu.dma_semaphore, #tpu.memory_space<semaphore_mem>>)
      %dma_wait3A_310 = arith.constant 0 : i32
      %dma_wait3A_311 = tpu.memref_slice %arg4[%mul3A_305, %dma_wait3A_310] : memref<10240x32xf32, #tpu.memory_space<hbm>> -> memref<320x32xf32, #tpu.memory_space<hbm>>
      %dma_wait3A_312 = arith.constant 0 : i32
      %dma_wait3A_313 = tpu.memref_slice %arg4[%mul3A_305, %dma_wait3A_312] : memref<10240x32xf32, #tpu.memory_space<hbm>> -> memref<320x32xf32, #tpu.memory_space<hbm>>
      tpu.wait_dma2 semaphore(%run_scoped3A : memref<!tpu.dma_semaphore, #tpu.memory_space<semaphore_mem>>) src(%arg7 : memref<320x32xf32, #tpu.memory_space<vmem>>) dst(%dma_wait3A_313 : memref<320x32xf32, #tpu.memory_space<hbm>>)
      tpu.yield
    }) : () -> ()
    return
  }
}

#map = affine_map<(d0, d1) -> (0, 0)>
#map1 = affine_map<(d0, d1) -> (0, 0, 0)>
module attributes {stable_mosaic.version = 14 : i64} {
  func.func @_sc_gather_body(%arg0: i32, %arg1: i32, %arg2: memref<10240x32xf32, #tpu.memory_space<hbm>>, %arg3: memref<32x15x128xi32, #tpu.memory_space<hbm>>, %arg4: memref<10240x32xf32, #tpu.memory_space<hbm>>, %arg5: memref<15x128xi32, #tpu.memory_space<vmem>>, %arg6: memref<1920x32xf32, #tpu.memory_space<vmem>>, %arg7: memref<320x32xf32, #tpu.memory_space<vmem>>, %arg8: memref<!tpu.dma_semaphore, #tpu.memory_space<semaphore_mem>>) attributes {dimension_semantics = [#tpu.dimension_semantics<core_parallel>, #tpu.dimension_semantics<subcore_parallel>], iteration_bounds = array<i64: 2, 16>, scalar_prefetch = 0 : i64, scratch_operands = 4 : i64, tpu.core_type = #tpu.core_type<sc_vector_subcore>, window_params = [{transform_indices = #map}, {transform_indices = #map1}, {transform_indices = #map}]} {
    %mul3A = arith.constant 2 : i32
    %mul3A_0 = arith.muli %arg1, %mul3A : i32
    %add3A = arith.addi %mul3A_0, %arg0 : i32
    "tpu.region"() ({
      %run_scoped3A = tpu.sem_alloc : memref<!tpu.dma_semaphore, #tpu.memory_space<semaphore_mem>>
      %dma_start3A_306 = arith.constant 0 : i32
      %dma_start3A_307 = arith.constant 0 : i32
      %dma_start3A_308 = tpu.memref_slice %arg3[%add3A, %dma_start3A_306, %dma_start3A_307] : memref<32x15x128xi32, #tpu.memory_space<hbm>> -> memref<1x15x128xi32, #tpu.memory_space<hbm>>
      %dma_start3A_309 = tpu.memref_squeeze %dma_start3A_308 : memref<1x15x128xi32, #tpu.memory_space<hbm>> -> memref<15x128xi32, #tpu.memory_space<hbm>>
      %dma_start3A_310 = arith.constant 0 : i32
      %dma_start3A_311 = arith.constant 0 : i32
      %dma_start3A_312 = tpu.memref_slice %arg3[%add3A, %dma_start3A_310, %dma_start3A_311] : memref<32x15x128xi32, #tpu.memory_space<hbm>> -> memref<1x15x128xi32, #tpu.memory_space<hbm>>
      %dma_start3A_313 = tpu.memref_squeeze %dma_start3A_312 : memref<1x15x128xi32, #tpu.memory_space<hbm>> -> memref<15x128xi32, #tpu.memory_space<hbm>>
      tpu.enqueue_dma source(%dma_start3A_313 : memref<15x128xi32, #tpu.memory_space<hbm>>) target(%arg5 : memref<15x128xi32, #tpu.memory_space<vmem>>) target_semaphore(%run_scoped3A : memref<!tpu.dma_semaphore, #tpu.memory_space<semaphore_mem>>)
      %dma_wait3A_314 = arith.constant 0 : i32
      %dma_wait3A_315 = arith.constant 0 : i32
      %dma_wait3A_316 = tpu.memref_slice %arg3[%add3A, %dma_wait3A_314, %dma_wait3A_315] : memref<32x15x128xi32, #tpu.memory_space<hbm>> -> memref<1x15x128xi32, #tpu.memory_space<hbm>>
      %dma_wait3A_317 = tpu.memref_squeeze %dma_wait3A_316 : memref<1x15x128xi32, #tpu.memory_space<hbm>> -> memref<15x128xi32, #tpu.memory_space<hbm>>
      %dma_wait3A_318 = arith.constant 0 : i32
      %dma_wait3A_319 = arith.constant 0 : i32
      %dma_wait3A_320 = tpu.memref_slice %arg3[%add3A, %dma_wait3A_318, %dma_wait3A_319] : memref<32x15x128xi32, #tpu.memory_space<hbm>> -> memref<1x15x128xi32, #tpu.memory_space<hbm>>
      %dma_wait3A_321 = tpu.memref_squeeze %dma_wait3A_320 : memref<1x15x128xi32, #tpu.memory_space<hbm>> -> memref<15x128xi32, #tpu.memory_space<hbm>>
      tpu.wait_dma2 semaphore(%run_scoped3A : memref<!tpu.dma_semaphore, #tpu.memory_space<semaphore_mem>>) src(%dma_wait3A_321 : memref<15x128xi32, #tpu.memory_space<hbm>>) dst(%arg5 : memref<15x128xi32, #tpu.memory_space<vmem>>)
      tpu.yield
    }) : () -> ()
    %dma_start3A = arith.constant 0 : i32
    %dma_start3A_1 = arith.constant 0 : i32
    %dma_start3A_2 = arith.constant 0 : i32
    %dma_start3A_3 = tpu.memref_slice %arg6[%dma_start3A_1, %dma_start3A_2] : memref<1920x32xf32, #tpu.memory_space<vmem>> -> memref<128x32xf32, #tpu.memory_space<vmem>>
    %dma_start3A_4 = arith.constant 0 : i32
    %dma_start3A_5 = tpu.memref_slice %arg5[%dma_start3A, %dma_start3A_4] : memref<15x128xi32, #tpu.memory_space<vmem>> -> memref<1x128xi32, #tpu.memory_space<vmem>>
    %dma_start3A_6 = tpu.memref_squeeze %dma_start3A_5 : memref<1x128xi32, #tpu.memory_space<vmem>> -> memref<128xi32, #tpu.memory_space<vmem>>
    %dma_start3A_7 = arith.constant 0 : i32
    %dma_start3A_8 = arith.constant 0 : i32
    %dma_start3A_9 = tpu.memref_slice %arg2[%dma_start3A_7, %dma_start3A_8] : memref<10240x32xf32, #tpu.memory_space<hbm>> -> memref<10240x32xf32, #tpu.memory_space<hbm>>
    tpu.enqueue_indirect_dma source(%dma_start3A_9 : memref<10240x32xf32, #tpu.memory_space<hbm>>) target(%dma_start3A_3 : memref<128x32xf32, #tpu.memory_space<vmem>>) offsets(%dma_start3A_6 : memref<128xi32, #tpu.memory_space<vmem>>) semaphore(%arg8 : memref<!tpu.dma_semaphore, #tpu.memory_space<semaphore_mem>>)
    %dma_start3A_10 = arith.constant 1 : i32
    %dma_start3A_11 = arith.constant 128 : i32
    %dma_start3A_12 = arith.constant 0 : i32
    %dma_start3A_13 = tpu.memref_slice %arg6[%dma_start3A_11, %dma_start3A_12] : memref<1920x32xf32, #tpu.memory_space<vmem>> -> memref<128x32xf32, #tpu.memory_space<vmem>>
    %dma_start3A_14 = arith.constant 0 : i32
    %dma_start3A_15 = tpu.memref_slice %arg5[%dma_start3A_10, %dma_start3A_14] : memref<15x128xi32, #tpu.memory_space<vmem>> -> memref<1x128xi32, #tpu.memory_space<vmem>>
    %dma_start3A_16 = tpu.memref_squeeze %dma_start3A_15 : memref<1x128xi32, #tpu.memory_space<vmem>> -> memref<128xi32, #tpu.memory_space<vmem>>
    %dma_start3A_17 = arith.constant 0 : i32
    %dma_start3A_18 = arith.constant 0 : i32
    %dma_start3A_19 = tpu.memref_slice %arg2[%dma_start3A_17, %dma_start3A_18] : memref<10240x32xf32, #tpu.memory_space<hbm>> -> memref<10240x32xf32, #tpu.memory_space<hbm>>
    tpu.enqueue_indirect_dma source(%dma_start3A_19 : memref<10240x32xf32, #tpu.memory_space<hbm>>) target(%dma_start3A_13 : memref<128x32xf32, #tpu.memory_space<vmem>>) offsets(%dma_start3A_16 : memref<128xi32, #tpu.memory_space<vmem>>) semaphore(%arg8 : memref<!tpu.dma_semaphore, #tpu.memory_space<semaphore_mem>>)
    %dma_start3A_20 = arith.constant 2 : i32
    %dma_start3A_21 = arith.constant 256 : i32
    %dma_start3A_22 = arith.constant 0 : i32
    %dma_start3A_23 = tpu.memref_slice %arg6[%dma_start3A_21, %dma_start3A_22] : memref<1920x32xf32, #tpu.memory_space<vmem>> -> memref<128x32xf32, #tpu.memory_space<vmem>>
    %dma_start3A_24 = arith.constant 0 : i32
    %dma_start3A_25 = tpu.memref_slice %arg5[%dma_start3A_20, %dma_start3A_24] : memref<15x128xi32, #tpu.memory_space<vmem>> -> memref<1x128xi32, #tpu.memory_space<vmem>>
    %dma_start3A_26 = tpu.memref_squeeze %dma_start3A_25 : memref<1x128xi32, #tpu.memory_space<vmem>> -> memref<128xi32, #tpu.memory_space<vmem>>
    %dma_start3A_27 = arith.constant 0 : i32
    %dma_start3A_28 = arith.constant 0 : i32
    %dma_start3A_29 = tpu.memref_slice %arg2[%dma_start3A_27, %dma_start3A_28] : memref<10240x32xf32, #tpu.memory_space<hbm>> -> memref<10240x32xf32, #tpu.memory_space<hbm>>
    tpu.enqueue_indirect_dma source(%dma_start3A_29 : memref<10240x32xf32, #tpu.memory_space<hbm>>) target(%dma_start3A_23 : memref<128x32xf32, #tpu.memory_space<vmem>>) offsets(%dma_start3A_26 : memref<128xi32, #tpu.memory_space<vmem>>) semaphore(%arg8 : memref<!tpu.dma_semaphore, #tpu.memory_space<semaphore_mem>>)
    %dma_start3A_30 = arith.constant 3 : i32
    %dma_start3A_31 = arith.constant 384 : i32
    %dma_start3A_32 = arith.constant 0 : i32
    %dma_start3A_33 = tpu.memref_slice %arg6[%dma_start3A_31, %dma_start3A_32] : memref<1920x32xf32, #tpu.memory_space<vmem>> -> memref<128x32xf32, #tpu.memory_space<vmem>>
    %dma_start3A_34 = arith.constant 0 : i32
    %dma_start3A_35 = tpu.memref_slice %arg5[%dma_start3A_30, %dma_start3A_34] : memref<15x128xi32, #tpu.memory_space<vmem>> -> memref<1x128xi32, #tpu.memory_space<vmem>>
    %dma_start3A_36 = tpu.memref_squeeze %dma_start3A_35 : memref<1x128xi32, #tpu.memory_space<vmem>> -> memref<128xi32, #tpu.memory_space<vmem>>
    %dma_start3A_37 = arith.constant 0 : i32
    %dma_start3A_38 = arith.constant 0 : i32
    %dma_start3A_39 = tpu.memref_slice %arg2[%dma_start3A_37, %dma_start3A_38] : memref<10240x32xf32, #tpu.memory_space<hbm>> -> memref<10240x32xf32, #tpu.memory_space<hbm>>
    tpu.enqueue_indirect_dma source(%dma_start3A_39 : memref<10240x32xf32, #tpu.memory_space<hbm>>) target(%dma_start3A_33 : memref<128x32xf32, #tpu.memory_space<vmem>>) offsets(%dma_start3A_36 : memref<128xi32, #tpu.memory_space<vmem>>) semaphore(%arg8 : memref<!tpu.dma_semaphore, #tpu.memory_space<semaphore_mem>>)
    %dma_start3A_40 = arith.constant 4 : i32
    %dma_start3A_41 = arith.constant 512 : i32
    %dma_start3A_42 = arith.constant 0 : i32
    %dma_start3A_43 = tpu.memref_slice %arg6[%dma_start3A_41, %dma_start3A_42] : memref<1920x32xf32, #tpu.memory_space<vmem>> -> memref<128x32xf32, #tpu.memory_space<vmem>>
    %dma_start3A_44 = arith.constant 0 : i32
    %dma_start3A_45 = tpu.memref_slice %arg5[%dma_start3A_40, %dma_start3A_44] : memref<15x128xi32, #tpu.memory_space<vmem>> -> memref<1x128xi32, #tpu.memory_space<vmem>>
    %dma_start3A_46 = tpu.memref_squeeze %dma_start3A_45 : memref<1x128xi32, #tpu.memory_space<vmem>> -> memref<128xi32, #tpu.memory_space<vmem>>
    %dma_start3A_47 = arith.constant 0 : i32
    %dma_start3A_48 = arith.constant 0 : i32
    %dma_start3A_49 = tpu.memref_slice %arg2[%dma_start3A_47, %dma_start3A_48] : memref<10240x32xf32, #tpu.memory_space<hbm>> -> memref<10240x32xf32, #tpu.memory_space<hbm>>
    tpu.enqueue_indirect_dma source(%dma_start3A_49 : memref<10240x32xf32, #tpu.memory_space<hbm>>) target(%dma_start3A_43 : memref<128x32xf32, #tpu.memory_space<vmem>>) offsets(%dma_start3A_46 : memref<128xi32, #tpu.memory_space<vmem>>) semaphore(%arg8 : memref<!tpu.dma_semaphore, #tpu.memory_space<semaphore_mem>>)
    %dma_start3A_50 = arith.constant 5 : i32
    %dma_start3A_51 = arith.constant 640 : i32
    %dma_start3A_52 = arith.constant 0 : i32
    %dma_start3A_53 = tpu.memref_slice %arg6[%dma_start3A_51, %dma_start3A_52] : memref<1920x32xf32, #tpu.memory_space<vmem>> -> memref<128x32xf32, #tpu.memory_space<vmem>>
    %dma_start3A_54 = arith.constant 0 : i32
    %dma_start3A_55 = tpu.memref_slice %arg5[%dma_start3A_50, %dma_start3A_54] : memref<15x128xi32, #tpu.memory_space<vmem>> -> memref<1x128xi32, #tpu.memory_space<vmem>>
    %dma_start3A_56 = tpu.memref_squeeze %dma_start3A_55 : memref<1x128xi32, #tpu.memory_space<vmem>> -> memref<128xi32, #tpu.memory_space<vmem>>
    %dma_start3A_57 = arith.constant 0 : i32
    %dma_start3A_58 = arith.constant 0 : i32
    %dma_start3A_59 = tpu.memref_slice %arg2[%dma_start3A_57, %dma_start3A_58] : memref<10240x32xf32, #tpu.memory_space<hbm>> -> memref<10240x32xf32, #tpu.memory_space<hbm>>
    tpu.enqueue_indirect_dma source(%dma_start3A_59 : memref<10240x32xf32, #tpu.memory_space<hbm>>) target(%dma_start3A_53 : memref<128x32xf32, #tpu.memory_space<vmem>>) offsets(%dma_start3A_56 : memref<128xi32, #tpu.memory_space<vmem>>) semaphore(%arg8 : memref<!tpu.dma_semaphore, #tpu.memory_space<semaphore_mem>>)
    %dma_start3A_60 = arith.constant 6 : i32
    %dma_start3A_61 = arith.constant 768 : i32
    %dma_start3A_62 = arith.constant 0 : i32
    %dma_start3A_63 = tpu.memref_slice %arg6[%dma_start3A_61, %dma_start3A_62] : memref<1920x32xf32, #tpu.memory_space<vmem>> -> memref<128x32xf32, #tpu.memory_space<vmem>>
    %dma_start3A_64 = arith.constant 0 : i32
    %dma_start3A_65 = tpu.memref_slice %arg5[%dma_start3A_60, %dma_start3A_64] : memref<15x128xi32, #tpu.memory_space<vmem>> -> memref<1x128xi32, #tpu.memory_space<vmem>>
    %dma_start3A_66 = tpu.memref_squeeze %dma_start3A_65 : memref<1x128xi32, #tpu.memory_space<vmem>> -> memref<128xi32, #tpu.memory_space<vmem>>
    %dma_start3A_67 = arith.constant 0 : i32
    %dma_start3A_68 = arith.constant 0 : i32
    %dma_start3A_69 = tpu.memref_slice %arg2[%dma_start3A_67, %dma_start3A_68] : memref<10240x32xf32, #tpu.memory_space<hbm>> -> memref<10240x32xf32, #tpu.memory_space<hbm>>
    tpu.enqueue_indirect_dma source(%dma_start3A_69 : memref<10240x32xf32, #tpu.memory_space<hbm>>) target(%dma_start3A_63 : memref<128x32xf32, #tpu.memory_space<vmem>>) offsets(%dma_start3A_66 : memref<128xi32, #tpu.memory_space<vmem>>) semaphore(%arg8 : memref<!tpu.dma_semaphore, #tpu.memory_space<semaphore_mem>>)
    %dma_start3A_70 = arith.constant 7 : i32
    %dma_start3A_71 = arith.constant 896 : i32
    %dma_start3A_72 = arith.constant 0 : i32
    %dma_start3A_73 = tpu.memref_slice %arg6[%dma_start3A_71, %dma_start3A_72] : memref<1920x32xf32, #tpu.memory_space<vmem>> -> memref<128x32xf32, #tpu.memory_space<vmem>>
    %dma_start3A_74 = arith.constant 0 : i32
    %dma_start3A_75 = tpu.memref_slice %arg5[%dma_start3A_70, %dma_start3A_74] : memref<15x128xi32, #tpu.memory_space<vmem>> -> memref<1x128xi32, #tpu.memory_space<vmem>>
    %dma_start3A_76 = tpu.memref_squeeze %dma_start3A_75 : memref<1x128xi32, #tpu.memory_space<vmem>> -> memref<128xi32, #tpu.memory_space<vmem>>
    %dma_start3A_77 = arith.constant 0 : i32
    %dma_start3A_78 = arith.constant 0 : i32
    %dma_start3A_79 = tpu.memref_slice %arg2[%dma_start3A_77, %dma_start3A_78] : memref<10240x32xf32, #tpu.memory_space<hbm>> -> memref<10240x32xf32, #tpu.memory_space<hbm>>
    tpu.enqueue_indirect_dma source(%dma_start3A_79 : memref<10240x32xf32, #tpu.memory_space<hbm>>) target(%dma_start3A_73 : memref<128x32xf32, #tpu.memory_space<vmem>>) offsets(%dma_start3A_76 : memref<128xi32, #tpu.memory_space<vmem>>) semaphore(%arg8 : memref<!tpu.dma_semaphore, #tpu.memory_space<semaphore_mem>>)
    %dma_start3A_80 = arith.constant 8 : i32
    %dma_start3A_81 = arith.constant 1024 : i32
    %dma_start3A_82 = arith.constant 0 : i32
    %dma_start3A_83 = tpu.memref_slice %arg6[%dma_start3A_81, %dma_start3A_82] : memref<1920x32xf32, #tpu.memory_space<vmem>> -> memref<128x32xf32, #tpu.memory_space<vmem>>
    %dma_start3A_84 = arith.constant 0 : i32
    %dma_start3A_85 = tpu.memref_slice %arg5[%dma_start3A_80, %dma_start3A_84] : memref<15x128xi32, #tpu.memory_space<vmem>> -> memref<1x128xi32, #tpu.memory_space<vmem>>
    %dma_start3A_86 = tpu.memref_squeeze %dma_start3A_85 : memref<1x128xi32, #tpu.memory_space<vmem>> -> memref<128xi32, #tpu.memory_space<vmem>>
    %dma_start3A_87 = arith.constant 0 : i32
    %dma_start3A_88 = arith.constant 0 : i32
    %dma_start3A_89 = tpu.memref_slice %arg2[%dma_start3A_87, %dma_start3A_88] : memref<10240x32xf32, #tpu.memory_space<hbm>> -> memref<10240x32xf32, #tpu.memory_space<hbm>>
    tpu.enqueue_indirect_dma source(%dma_start3A_89 : memref<10240x32xf32, #tpu.memory_space<hbm>>) target(%dma_start3A_83 : memref<128x32xf32, #tpu.memory_space<vmem>>) offsets(%dma_start3A_86 : memref<128xi32, #tpu.memory_space<vmem>>) semaphore(%arg8 : memref<!tpu.dma_semaphore, #tpu.memory_space<semaphore_mem>>)
    %dma_start3A_90 = arith.constant 9 : i32
    %dma_start3A_91 = arith.constant 1152 : i32
    %dma_start3A_92 = arith.constant 0 : i32
    %dma_start3A_93 = tpu.memref_slice %arg6[%dma_start3A_91, %dma_start3A_92] : memref<1920x32xf32, #tpu.memory_space<vmem>> -> memref<128x32xf32, #tpu.memory_space<vmem>>
    %dma_start3A_94 = arith.constant 0 : i32
    %dma_start3A_95 = tpu.memref_slice %arg5[%dma_start3A_90, %dma_start3A_94] : memref<15x128xi32, #tpu.memory_space<vmem>> -> memref<1x128xi32, #tpu.memory_space<vmem>>
    %dma_start3A_96 = tpu.memref_squeeze %dma_start3A_95 : memref<1x128xi32, #tpu.memory_space<vmem>> -> memref<128xi32, #tpu.memory_space<vmem>>
    %dma_start3A_97 = arith.constant 0 : i32
    %dma_start3A_98 = arith.constant 0 : i32
    %dma_start3A_99 = tpu.memref_slice %arg2[%dma_start3A_97, %dma_start3A_98] : memref<10240x32xf32, #tpu.memory_space<hbm>> -> memref<10240x32xf32, #tpu.memory_space<hbm>>
    tpu.enqueue_indirect_dma source(%dma_start3A_99 : memref<10240x32xf32, #tpu.memory_space<hbm>>) target(%dma_start3A_93 : memref<128x32xf32, #tpu.memory_space<vmem>>) offsets(%dma_start3A_96 : memref<128xi32, #tpu.memory_space<vmem>>) semaphore(%arg8 : memref<!tpu.dma_semaphore, #tpu.memory_space<semaphore_mem>>)
    %dma_start3A_100 = arith.constant 10 : i32
    %dma_start3A_101 = arith.constant 1280 : i32
    %dma_start3A_102 = arith.constant 0 : i32
    %dma_start3A_103 = tpu.memref_slice %arg6[%dma_start3A_101, %dma_start3A_102] : memref<1920x32xf32, #tpu.memory_space<vmem>> -> memref<128x32xf32, #tpu.memory_space<vmem>>
    %dma_start3A_104 = arith.constant 0 : i32
    %dma_start3A_105 = tpu.memref_slice %arg5[%dma_start3A_100, %dma_start3A_104] : memref<15x128xi32, #tpu.memory_space<vmem>> -> memref<1x128xi32, #tpu.memory_space<vmem>>
    %dma_start3A_106 = tpu.memref_squeeze %dma_start3A_105 : memref<1x128xi32, #tpu.memory_space<vmem>> -> memref<128xi32, #tpu.memory_space<vmem>>
    %dma_start3A_107 = arith.constant 0 : i32
    %dma_start3A_108 = arith.constant 0 : i32
    %dma_start3A_109 = tpu.memref_slice %arg2[%dma_start3A_107, %dma_start3A_108] : memref<10240x32xf32, #tpu.memory_space<hbm>> -> memref<10240x32xf32, #tpu.memory_space<hbm>>
    tpu.enqueue_indirect_dma source(%dma_start3A_109 : memref<10240x32xf32, #tpu.memory_space<hbm>>) target(%dma_start3A_103 : memref<128x32xf32, #tpu.memory_space<vmem>>) offsets(%dma_start3A_106 : memref<128xi32, #tpu.memory_space<vmem>>) semaphore(%arg8 : memref<!tpu.dma_semaphore, #tpu.memory_space<semaphore_mem>>)
    %dma_start3A_110 = arith.constant 11 : i32
    %dma_start3A_111 = arith.constant 1408 : i32
    %dma_start3A_112 = arith.constant 0 : i32
    %dma_start3A_113 = tpu.memref_slice %arg6[%dma_start3A_111, %dma_start3A_112] : memref<1920x32xf32, #tpu.memory_space<vmem>> -> memref<128x32xf32, #tpu.memory_space<vmem>>
    %dma_start3A_114 = arith.constant 0 : i32
    %dma_start3A_115 = tpu.memref_slice %arg5[%dma_start3A_110, %dma_start3A_114] : memref<15x128xi32, #tpu.memory_space<vmem>> -> memref<1x128xi32, #tpu.memory_space<vmem>>
    %dma_start3A_116 = tpu.memref_squeeze %dma_start3A_115 : memref<1x128xi32, #tpu.memory_space<vmem>> -> memref<128xi32, #tpu.memory_space<vmem>>
    %dma_start3A_117 = arith.constant 0 : i32
    %dma_start3A_118 = arith.constant 0 : i32
    %dma_start3A_119 = tpu.memref_slice %arg2[%dma_start3A_117, %dma_start3A_118] : memref<10240x32xf32, #tpu.memory_space<hbm>> -> memref<10240x32xf32, #tpu.memory_space<hbm>>
    tpu.enqueue_indirect_dma source(%dma_start3A_119 : memref<10240x32xf32, #tpu.memory_space<hbm>>) target(%dma_start3A_113 : memref<128x32xf32, #tpu.memory_space<vmem>>) offsets(%dma_start3A_116 : memref<128xi32, #tpu.memory_space<vmem>>) semaphore(%arg8 : memref<!tpu.dma_semaphore, #tpu.memory_space<semaphore_mem>>)
    %dma_start3A_120 = arith.constant 12 : i32
    %dma_start3A_121 = arith.constant 1536 : i32
    %dma_start3A_122 = arith.constant 0 : i32
    %dma_start3A_123 = tpu.memref_slice %arg6[%dma_start3A_121, %dma_start3A_122] : memref<1920x32xf32, #tpu.memory_space<vmem>> -> memref<128x32xf32, #tpu.memory_space<vmem>>
    %dma_start3A_124 = arith.constant 0 : i32
    %dma_start3A_125 = tpu.memref_slice %arg5[%dma_start3A_120, %dma_start3A_124] : memref<15x128xi32, #tpu.memory_space<vmem>> -> memref<1x128xi32, #tpu.memory_space<vmem>>
    %dma_start3A_126 = tpu.memref_squeeze %dma_start3A_125 : memref<1x128xi32, #tpu.memory_space<vmem>> -> memref<128xi32, #tpu.memory_space<vmem>>
    %dma_start3A_127 = arith.constant 0 : i32
    %dma_start3A_128 = arith.constant 0 : i32
    %dma_start3A_129 = tpu.memref_slice %arg2[%dma_start3A_127, %dma_start3A_128] : memref<10240x32xf32, #tpu.memory_space<hbm>> -> memref<10240x32xf32, #tpu.memory_space<hbm>>
    tpu.enqueue_indirect_dma source(%dma_start3A_129 : memref<10240x32xf32, #tpu.memory_space<hbm>>) target(%dma_start3A_123 : memref<128x32xf32, #tpu.memory_space<vmem>>) offsets(%dma_start3A_126 : memref<128xi32, #tpu.memory_space<vmem>>) semaphore(%arg8 : memref<!tpu.dma_semaphore, #tpu.memory_space<semaphore_mem>>)
    %dma_start3A_130 = arith.constant 13 : i32
    %dma_start3A_131 = arith.constant 1664 : i32
    %dma_start3A_132 = arith.constant 0 : i32
    %dma_start3A_133 = tpu.memref_slice %arg6[%dma_start3A_131, %dma_start3A_132] : memref<1920x32xf32, #tpu.memory_space<vmem>> -> memref<128x32xf32, #tpu.memory_space<vmem>>
    %dma_start3A_134 = arith.constant 0 : i32
    %dma_start3A_135 = tpu.memref_slice %arg5[%dma_start3A_130, %dma_start3A_134] : memref<15x128xi32, #tpu.memory_space<vmem>> -> memref<1x128xi32, #tpu.memory_space<vmem>>
    %dma_start3A_136 = tpu.memref_squeeze %dma_start3A_135 : memref<1x128xi32, #tpu.memory_space<vmem>> -> memref<128xi32, #tpu.memory_space<vmem>>
    %dma_start3A_137 = arith.constant 0 : i32
    %dma_start3A_138 = arith.constant 0 : i32
    %dma_start3A_139 = tpu.memref_slice %arg2[%dma_start3A_137, %dma_start3A_138] : memref<10240x32xf32, #tpu.memory_space<hbm>> -> memref<10240x32xf32, #tpu.memory_space<hbm>>
    tpu.enqueue_indirect_dma source(%dma_start3A_139 : memref<10240x32xf32, #tpu.memory_space<hbm>>) target(%dma_start3A_133 : memref<128x32xf32, #tpu.memory_space<vmem>>) offsets(%dma_start3A_136 : memref<128xi32, #tpu.memory_space<vmem>>) semaphore(%arg8 : memref<!tpu.dma_semaphore, #tpu.memory_space<semaphore_mem>>)
    %dma_start3A_140 = arith.constant 14 : i32
    %dma_start3A_141 = arith.constant 1792 : i32
    %dma_start3A_142 = arith.constant 0 : i32
    %dma_start3A_143 = tpu.memref_slice %arg6[%dma_start3A_141, %dma_start3A_142] : memref<1920x32xf32, #tpu.memory_space<vmem>> -> memref<128x32xf32, #tpu.memory_space<vmem>>
    %dma_start3A_144 = arith.constant 0 : i32
    %dma_start3A_145 = tpu.memref_slice %arg5[%dma_start3A_140, %dma_start3A_144] : memref<15x128xi32, #tpu.memory_space<vmem>> -> memref<1x128xi32, #tpu.memory_space<vmem>>
    %dma_start3A_146 = tpu.memref_squeeze %dma_start3A_145 : memref<1x128xi32, #tpu.memory_space<vmem>> -> memref<128xi32, #tpu.memory_space<vmem>>
    %dma_start3A_147 = arith.constant 0 : i32
    %dma_start3A_148 = arith.constant 0 : i32
    %dma_start3A_149 = tpu.memref_slice %arg2[%dma_start3A_147, %dma_start3A_148] : memref<10240x32xf32, #tpu.memory_space<hbm>> -> memref<10240x32xf32, #tpu.memory_space<hbm>>
    tpu.enqueue_indirect_dma source(%dma_start3A_149 : memref<10240x32xf32, #tpu.memory_space<hbm>>) target(%dma_start3A_143 : memref<128x32xf32, #tpu.memory_space<vmem>>) offsets(%dma_start3A_146 : memref<128xi32, #tpu.memory_space<vmem>>) semaphore(%arg8 : memref<!tpu.dma_semaphore, #tpu.memory_space<semaphore_mem>>)
    %dma_wait3A = arith.constant 0 : i32
    %dma_wait3A_150 = arith.constant 0 : i32
    %dma_wait3A_151 = arith.constant 0 : i32
    %dma_wait3A_152 = tpu.memref_slice %arg6[%dma_wait3A_150, %dma_wait3A_151] : memref<1920x32xf32, #tpu.memory_space<vmem>> -> memref<128x32xf32, #tpu.memory_space<vmem>>
    %dma_wait3A_153 = arith.constant 0 : i32
    %dma_wait3A_154 = tpu.memref_slice %arg5[%dma_wait3A, %dma_wait3A_153] : memref<15x128xi32, #tpu.memory_space<vmem>> -> memref<1x128xi32, #tpu.memory_space<vmem>>
    %dma_wait3A_155 = tpu.memref_squeeze %dma_wait3A_154 : memref<1x128xi32, #tpu.memory_space<vmem>> -> memref<128xi32, #tpu.memory_space<vmem>>
    %dma_wait3A_156 = arith.constant 0 : i32
    %dma_wait3A_157 = arith.constant 0 : i32
    %dma_wait3A_158 = tpu.memref_slice %arg2[%dma_wait3A_156, %dma_wait3A_157] : memref<10240x32xf32, #tpu.memory_space<hbm>> -> memref<10240x32xf32, #tpu.memory_space<hbm>>
    tpu.wait_indirect_dma semaphore(%arg8 : memref<!tpu.dma_semaphore, #tpu.memory_space<semaphore_mem>>) src(%dma_wait3A_158 : memref<10240x32xf32, #tpu.memory_space<hbm>>) dst(%dma_wait3A_152 : memref<128x32xf32, #tpu.memory_space<vmem>>)
    %dma_wait3A_159 = arith.constant 1 : i32
    %dma_wait3A_160 = arith.constant 128 : i32
    %dma_wait3A_161 = arith.constant 0 : i32
    %dma_wait3A_162 = tpu.memref_slice %arg6[%dma_wait3A_160, %dma_wait3A_161] : memref<1920x32xf32, #tpu.memory_space<vmem>> -> memref<128x32xf32, #tpu.memory_space<vmem>>
    %dma_wait3A_163 = arith.constant 0 : i32
    %dma_wait3A_164 = tpu.memref_slice %arg5[%dma_wait3A_159, %dma_wait3A_163] : memref<15x128xi32, #tpu.memory_space<vmem>> -> memref<1x128xi32, #tpu.memory_space<vmem>>
    %dma_wait3A_165 = tpu.memref_squeeze %dma_wait3A_164 : memref<1x128xi32, #tpu.memory_space<vmem>> -> memref<128xi32, #tpu.memory_space<vmem>>
    %dma_wait3A_166 = arith.constant 0 : i32
    %dma_wait3A_167 = arith.constant 0 : i32
    %dma_wait3A_168 = tpu.memref_slice %arg2[%dma_wait3A_166, %dma_wait3A_167] : memref<10240x32xf32, #tpu.memory_space<hbm>> -> memref<10240x32xf32, #tpu.memory_space<hbm>>
    tpu.wait_indirect_dma semaphore(%arg8 : memref<!tpu.dma_semaphore, #tpu.memory_space<semaphore_mem>>) src(%dma_wait3A_168 : memref<10240x32xf32, #tpu.memory_space<hbm>>) dst(%dma_wait3A_162 : memref<128x32xf32, #tpu.memory_space<vmem>>)
    %dma_wait3A_169 = arith.constant 2 : i32
    %dma_wait3A_170 = arith.constant 256 : i32
    %dma_wait3A_171 = arith.constant 0 : i32
    %dma_wait3A_172 = tpu.memref_slice %arg6[%dma_wait3A_170, %dma_wait3A_171] : memref<1920x32xf32, #tpu.memory_space<vmem>> -> memref<128x32xf32, #tpu.memory_space<vmem>>
    %dma_wait3A_173 = arith.constant 0 : i32
    %dma_wait3A_174 = tpu.memref_slice %arg5[%dma_wait3A_169, %dma_wait3A_173] : memref<15x128xi32, #tpu.memory_space<vmem>> -> memref<1x128xi32, #tpu.memory_space<vmem>>
    %dma_wait3A_175 = tpu.memref_squeeze %dma_wait3A_174 : memref<1x128xi32, #tpu.memory_space<vmem>> -> memref<128xi32, #tpu.memory_space<vmem>>
    %dma_wait3A_176 = arith.constant 0 : i32
    %dma_wait3A_177 = arith.constant 0 : i32
    %dma_wait3A_178 = tpu.memref_slice %arg2[%dma_wait3A_176, %dma_wait3A_177] : memref<10240x32xf32, #tpu.memory_space<hbm>> -> memref<10240x32xf32, #tpu.memory_space<hbm>>
    tpu.wait_indirect_dma semaphore(%arg8 : memref<!tpu.dma_semaphore, #tpu.memory_space<semaphore_mem>>) src(%dma_wait3A_178 : memref<10240x32xf32, #tpu.memory_space<hbm>>) dst(%dma_wait3A_172 : memref<128x32xf32, #tpu.memory_space<vmem>>)
    %dma_wait3A_179 = arith.constant 3 : i32
    %dma_wait3A_180 = arith.constant 384 : i32
    %dma_wait3A_181 = arith.constant 0 : i32
    %dma_wait3A_182 = tpu.memref_slice %arg6[%dma_wait3A_180, %dma_wait3A_181] : memref<1920x32xf32, #tpu.memory_space<vmem>> -> memref<128x32xf32, #tpu.memory_space<vmem>>
    %dma_wait3A_183 = arith.constant 0 : i32
    %dma_wait3A_184 = tpu.memref_slice %arg5[%dma_wait3A_179, %dma_wait3A_183] : memref<15x128xi32, #tpu.memory_space<vmem>> -> memref<1x128xi32, #tpu.memory_space<vmem>>
    %dma_wait3A_185 = tpu.memref_squeeze %dma_wait3A_184 : memref<1x128xi32, #tpu.memory_space<vmem>> -> memref<128xi32, #tpu.memory_space<vmem>>
    %dma_wait3A_186 = arith.constant 0 : i32
    %dma_wait3A_187 = arith.constant 0 : i32
    %dma_wait3A_188 = tpu.memref_slice %arg2[%dma_wait3A_186, %dma_wait3A_187] : memref<10240x32xf32, #tpu.memory_space<hbm>> -> memref<10240x32xf32, #tpu.memory_space<hbm>>
    tpu.wait_indirect_dma semaphore(%arg8 : memref<!tpu.dma_semaphore, #tpu.memory_space<semaphore_mem>>) src(%dma_wait3A_188 : memref<10240x32xf32, #tpu.memory_space<hbm>>) dst(%dma_wait3A_182 : memref<128x32xf32, #tpu.memory_space<vmem>>)
    %dma_wait3A_189 = arith.constant 4 : i32
    %dma_wait3A_190 = arith.constant 512 : i32
    %dma_wait3A_191 = arith.constant 0 : i32
    %dma_wait3A_192 = tpu.memref_slice %arg6[%dma_wait3A_190, %dma_wait3A_191] : memref<1920x32xf32, #tpu.memory_space<vmem>> -> memref<128x32xf32, #tpu.memory_space<vmem>>
    %dma_wait3A_193 = arith.constant 0 : i32
    %dma_wait3A_194 = tpu.memref_slice %arg5[%dma_wait3A_189, %dma_wait3A_193] : memref<15x128xi32, #tpu.memory_space<vmem>> -> memref<1x128xi32, #tpu.memory_space<vmem>>
    %dma_wait3A_195 = tpu.memref_squeeze %dma_wait3A_194 : memref<1x128xi32, #tpu.memory_space<vmem>> -> memref<128xi32, #tpu.memory_space<vmem>>
    %dma_wait3A_196 = arith.constant 0 : i32
    %dma_wait3A_197 = arith.constant 0 : i32
    %dma_wait3A_198 = tpu.memref_slice %arg2[%dma_wait3A_196, %dma_wait3A_197] : memref<10240x32xf32, #tpu.memory_space<hbm>> -> memref<10240x32xf32, #tpu.memory_space<hbm>>
    tpu.wait_indirect_dma semaphore(%arg8 : memref<!tpu.dma_semaphore, #tpu.memory_space<semaphore_mem>>) src(%dma_wait3A_198 : memref<10240x32xf32, #tpu.memory_space<hbm>>) dst(%dma_wait3A_192 : memref<128x32xf32, #tpu.memory_space<vmem>>)
    %dma_wait3A_199 = arith.constant 5 : i32
    %dma_wait3A_200 = arith.constant 640 : i32
    %dma_wait3A_201 = arith.constant 0 : i32
    %dma_wait3A_202 = tpu.memref_slice %arg6[%dma_wait3A_200, %dma_wait3A_201] : memref<1920x32xf32, #tpu.memory_space<vmem>> -> memref<128x32xf32, #tpu.memory_space<vmem>>
    %dma_wait3A_203 = arith.constant 0 : i32
    %dma_wait3A_204 = tpu.memref_slice %arg5[%dma_wait3A_199, %dma_wait3A_203] : memref<15x128xi32, #tpu.memory_space<vmem>> -> memref<1x128xi32, #tpu.memory_space<vmem>>
    %dma_wait3A_205 = tpu.memref_squeeze %dma_wait3A_204 : memref<1x128xi32, #tpu.memory_space<vmem>> -> memref<128xi32, #tpu.memory_space<vmem>>
    %dma_wait3A_206 = arith.constant 0 : i32
    %dma_wait3A_207 = arith.constant 0 : i32
    %dma_wait3A_208 = tpu.memref_slice %arg2[%dma_wait3A_206, %dma_wait3A_207] : memref<10240x32xf32, #tpu.memory_space<hbm>> -> memref<10240x32xf32, #tpu.memory_space<hbm>>
    tpu.wait_indirect_dma semaphore(%arg8 : memref<!tpu.dma_semaphore, #tpu.memory_space<semaphore_mem>>) src(%dma_wait3A_208 : memref<10240x32xf32, #tpu.memory_space<hbm>>) dst(%dma_wait3A_202 : memref<128x32xf32, #tpu.memory_space<vmem>>)
    %dma_wait3A_209 = arith.constant 6 : i32
    %dma_wait3A_210 = arith.constant 768 : i32
    %dma_wait3A_211 = arith.constant 0 : i32
    %dma_wait3A_212 = tpu.memref_slice %arg6[%dma_wait3A_210, %dma_wait3A_211] : memref<1920x32xf32, #tpu.memory_space<vmem>> -> memref<128x32xf32, #tpu.memory_space<vmem>>
    %dma_wait3A_213 = arith.constant 0 : i32
    %dma_wait3A_214 = tpu.memref_slice %arg5[%dma_wait3A_209, %dma_wait3A_213] : memref<15x128xi32, #tpu.memory_space<vmem>> -> memref<1x128xi32, #tpu.memory_space<vmem>>
    %dma_wait3A_215 = tpu.memref_squeeze %dma_wait3A_214 : memref<1x128xi32, #tpu.memory_space<vmem>> -> memref<128xi32, #tpu.memory_space<vmem>>
    %dma_wait3A_216 = arith.constant 0 : i32
    %dma_wait3A_217 = arith.constant 0 : i32
    %dma_wait3A_218 = tpu.memref_slice %arg2[%dma_wait3A_216, %dma_wait3A_217] : memref<10240x32xf32, #tpu.memory_space<hbm>> -> memref<10240x32xf32, #tpu.memory_space<hbm>>
    tpu.wait_indirect_dma semaphore(%arg8 : memref<!tpu.dma_semaphore, #tpu.memory_space<semaphore_mem>>) src(%dma_wait3A_218 : memref<10240x32xf32, #tpu.memory_space<hbm>>) dst(%dma_wait3A_212 : memref<128x32xf32, #tpu.memory_space<vmem>>)
    %dma_wait3A_219 = arith.constant 7 : i32
    %dma_wait3A_220 = arith.constant 896 : i32
    %dma_wait3A_221 = arith.constant 0 : i32
    %dma_wait3A_222 = tpu.memref_slice %arg6[%dma_wait3A_220, %dma_wait3A_221] : memref<1920x32xf32, #tpu.memory_space<vmem>> -> memref<128x32xf32, #tpu.memory_space<vmem>>
    %dma_wait3A_223 = arith.constant 0 : i32
    %dma_wait3A_224 = tpu.memref_slice %arg5[%dma_wait3A_219, %dma_wait3A_223] : memref<15x128xi32, #tpu.memory_space<vmem>> -> memref<1x128xi32, #tpu.memory_space<vmem>>
    %dma_wait3A_225 = tpu.memref_squeeze %dma_wait3A_224 : memref<1x128xi32, #tpu.memory_space<vmem>> -> memref<128xi32, #tpu.memory_space<vmem>>
    %dma_wait3A_226 = arith.constant 0 : i32
    %dma_wait3A_227 = arith.constant 0 : i32
    %dma_wait3A_228 = tpu.memref_slice %arg2[%dma_wait3A_226, %dma_wait3A_227] : memref<10240x32xf32, #tpu.memory_space<hbm>> -> memref<10240x32xf32, #tpu.memory_space<hbm>>
    tpu.wait_indirect_dma semaphore(%arg8 : memref<!tpu.dma_semaphore, #tpu.memory_space<semaphore_mem>>) src(%dma_wait3A_228 : memref<10240x32xf32, #tpu.memory_space<hbm>>) dst(%dma_wait3A_222 : memref<128x32xf32, #tpu.memory_space<vmem>>)
    %dma_wait3A_229 = arith.constant 8 : i32
    %dma_wait3A_230 = arith.constant 1024 : i32
    %dma_wait3A_231 = arith.constant 0 : i32
    %dma_wait3A_232 = tpu.memref_slice %arg6[%dma_wait3A_230, %dma_wait3A_231] : memref<1920x32xf32, #tpu.memory_space<vmem>> -> memref<128x32xf32, #tpu.memory_space<vmem>>
    %dma_wait3A_233 = arith.constant 0 : i32
    %dma_wait3A_234 = tpu.memref_slice %arg5[%dma_wait3A_229, %dma_wait3A_233] : memref<15x128xi32, #tpu.memory_space<vmem>> -> memref<1x128xi32, #tpu.memory_space<vmem>>
    %dma_wait3A_235 = tpu.memref_squeeze %dma_wait3A_234 : memref<1x128xi32, #tpu.memory_space<vmem>> -> memref<128xi32, #tpu.memory_space<vmem>>
    %dma_wait3A_236 = arith.constant 0 : i32
    %dma_wait3A_237 = arith.constant 0 : i32
    %dma_wait3A_238 = tpu.memref_slice %arg2[%dma_wait3A_236, %dma_wait3A_237] : memref<10240x32xf32, #tpu.memory_space<hbm>> -> memref<10240x32xf32, #tpu.memory_space<hbm>>
    tpu.wait_indirect_dma semaphore(%arg8 : memref<!tpu.dma_semaphore, #tpu.memory_space<semaphore_mem>>) src(%dma_wait3A_238 : memref<10240x32xf32, #tpu.memory_space<hbm>>) dst(%dma_wait3A_232 : memref<128x32xf32, #tpu.memory_space<vmem>>)
    %dma_wait3A_239 = arith.constant 9 : i32
    %dma_wait3A_240 = arith.constant 1152 : i32
    %dma_wait3A_241 = arith.constant 0 : i32
    %dma_wait3A_242 = tpu.memref_slice %arg6[%dma_wait3A_240, %dma_wait3A_241] : memref<1920x32xf32, #tpu.memory_space<vmem>> -> memref<128x32xf32, #tpu.memory_space<vmem>>
    %dma_wait3A_243 = arith.constant 0 : i32
    %dma_wait3A_244 = tpu.memref_slice %arg5[%dma_wait3A_239, %dma_wait3A_243] : memref<15x128xi32, #tpu.memory_space<vmem>> -> memref<1x128xi32, #tpu.memory_space<vmem>>
    %dma_wait3A_245 = tpu.memref_squeeze %dma_wait3A_244 : memref<1x128xi32, #tpu.memory_space<vmem>> -> memref<128xi32, #tpu.memory_space<vmem>>
    %dma_wait3A_246 = arith.constant 0 : i32
    %dma_wait3A_247 = arith.constant 0 : i32
    %dma_wait3A_248 = tpu.memref_slice %arg2[%dma_wait3A_246, %dma_wait3A_247] : memref<10240x32xf32, #tpu.memory_space<hbm>> -> memref<10240x32xf32, #tpu.memory_space<hbm>>
    tpu.wait_indirect_dma semaphore(%arg8 : memref<!tpu.dma_semaphore, #tpu.memory_space<semaphore_mem>>) src(%dma_wait3A_248 : memref<10240x32xf32, #tpu.memory_space<hbm>>) dst(%dma_wait3A_242 : memref<128x32xf32, #tpu.memory_space<vmem>>)
    %dma_wait3A_249 = arith.constant 10 : i32
    %dma_wait3A_250 = arith.constant 1280 : i32
    %dma_wait3A_251 = arith.constant 0 : i32
    %dma_wait3A_252 = tpu.memref_slice %arg6[%dma_wait3A_250, %dma_wait3A_251] : memref<1920x32xf32, #tpu.memory_space<vmem>> -> memref<128x32xf32, #tpu.memory_space<vmem>>
    %dma_wait3A_253 = arith.constant 0 : i32
    %dma_wait3A_254 = tpu.memref_slice %arg5[%dma_wait3A_249, %dma_wait3A_253] : memref<15x128xi32, #tpu.memory_space<vmem>> -> memref<1x128xi32, #tpu.memory_space<vmem>>
    %dma_wait3A_255 = tpu.memref_squeeze %dma_wait3A_254 : memref<1x128xi32, #tpu.memory_space<vmem>> -> memref<128xi32, #tpu.memory_space<vmem>>
    %dma_wait3A_256 = arith.constant 0 : i32
    %dma_wait3A_257 = arith.constant 0 : i32
    %dma_wait3A_258 = tpu.memref_slice %arg2[%dma_wait3A_256, %dma_wait3A_257] : memref<10240x32xf32, #tpu.memory_space<hbm>> -> memref<10240x32xf32, #tpu.memory_space<hbm>>
    tpu.wait_indirect_dma semaphore(%arg8 : memref<!tpu.dma_semaphore, #tpu.memory_space<semaphore_mem>>) src(%dma_wait3A_258 : memref<10240x32xf32, #tpu.memory_space<hbm>>) dst(%dma_wait3A_252 : memref<128x32xf32, #tpu.memory_space<vmem>>)
    %dma_wait3A_259 = arith.constant 11 : i32
    %dma_wait3A_260 = arith.constant 1408 : i32
    %dma_wait3A_261 = arith.constant 0 : i32
    %dma_wait3A_262 = tpu.memref_slice %arg6[%dma_wait3A_260, %dma_wait3A_261] : memref<1920x32xf32, #tpu.memory_space<vmem>> -> memref<128x32xf32, #tpu.memory_space<vmem>>
    %dma_wait3A_263 = arith.constant 0 : i32
    %dma_wait3A_264 = tpu.memref_slice %arg5[%dma_wait3A_259, %dma_wait3A_263] : memref<15x128xi32, #tpu.memory_space<vmem>> -> memref<1x128xi32, #tpu.memory_space<vmem>>
    %dma_wait3A_265 = tpu.memref_squeeze %dma_wait3A_264 : memref<1x128xi32, #tpu.memory_space<vmem>> -> memref<128xi32, #tpu.memory_space<vmem>>
    %dma_wait3A_266 = arith.constant 0 : i32
    %dma_wait3A_267 = arith.constant 0 : i32
    %dma_wait3A_268 = tpu.memref_slice %arg2[%dma_wait3A_266, %dma_wait3A_267] : memref<10240x32xf32, #tpu.memory_space<hbm>> -> memref<10240x32xf32, #tpu.memory_space<hbm>>
    tpu.wait_indirect_dma semaphore(%arg8 : memref<!tpu.dma_semaphore, #tpu.memory_space<semaphore_mem>>) src(%dma_wait3A_268 : memref<10240x32xf32, #tpu.memory_space<hbm>>) dst(%dma_wait3A_262 : memref<128x32xf32, #tpu.memory_space<vmem>>)
    %dma_wait3A_269 = arith.constant 12 : i32
    %dma_wait3A_270 = arith.constant 1536 : i32
    %dma_wait3A_271 = arith.constant 0 : i32
    %dma_wait3A_272 = tpu.memref_slice %arg6[%dma_wait3A_270, %dma_wait3A_271] : memref<1920x32xf32, #tpu.memory_space<vmem>> -> memref<128x32xf32, #tpu.memory_space<vmem>>
    %dma_wait3A_273 = arith.constant 0 : i32
    %dma_wait3A_274 = tpu.memref_slice %arg5[%dma_wait3A_269, %dma_wait3A_273] : memref<15x128xi32, #tpu.memory_space<vmem>> -> memref<1x128xi32, #tpu.memory_space<vmem>>
    %dma_wait3A_275 = tpu.memref_squeeze %dma_wait3A_274 : memref<1x128xi32, #tpu.memory_space<vmem>> -> memref<128xi32, #tpu.memory_space<vmem>>
    %dma_wait3A_276 = arith.constant 0 : i32
    %dma_wait3A_277 = arith.constant 0 : i32
    %dma_wait3A_278 = tpu.memref_slice %arg2[%dma_wait3A_276, %dma_wait3A_277] : memref<10240x32xf32, #tpu.memory_space<hbm>> -> memref<10240x32xf32, #tpu.memory_space<hbm>>
    tpu.wait_indirect_dma semaphore(%arg8 : memref<!tpu.dma_semaphore, #tpu.memory_space<semaphore_mem>>) src(%dma_wait3A_278 : memref<10240x32xf32, #tpu.memory_space<hbm>>) dst(%dma_wait3A_272 : memref<128x32xf32, #tpu.memory_space<vmem>>)
    %dma_wait3A_279 = arith.constant 13 : i32
    %dma_wait3A_280 = arith.constant 1664 : i32
    %dma_wait3A_281 = arith.constant 0 : i32
    %dma_wait3A_282 = tpu.memref_slice %arg6[%dma_wait3A_280, %dma_wait3A_281] : memref<1920x32xf32, #tpu.memory_space<vmem>> -> memref<128x32xf32, #tpu.memory_space<vmem>>
    %dma_wait3A_283 = arith.constant 0 : i32
    %dma_wait3A_284 = tpu.memref_slice %arg5[%dma_wait3A_279, %dma_wait3A_283] : memref<15x128xi32, #tpu.memory_space<vmem>> -> memref<1x128xi32, #tpu.memory_space<vmem>>
    %dma_wait3A_285 = tpu.memref_squeeze %dma_wait3A_284 : memref<1x128xi32, #tpu.memory_space<vmem>> -> memref<128xi32, #tpu.memory_space<vmem>>
    %dma_wait3A_286 = arith.constant 0 : i32
    %dma_wait3A_287 = arith.constant 0 : i32
    %dma_wait3A_288 = tpu.memref_slice %arg2[%dma_wait3A_286, %dma_wait3A_287] : memref<10240x32xf32, #tpu.memory_space<hbm>> -> memref<10240x32xf32, #tpu.memory_space<hbm>>
    tpu.wait_indirect_dma semaphore(%arg8 : memref<!tpu.dma_semaphore, #tpu.memory_space<semaphore_mem>>) src(%dma_wait3A_288 : memref<10240x32xf32, #tpu.memory_space<hbm>>) dst(%dma_wait3A_282 : memref<128x32xf32, #tpu.memory_space<vmem>>)
    %dma_wait3A_289 = arith.constant 14 : i32
    %dma_wait3A_290 = arith.constant 1792 : i32
    %dma_wait3A_291 = arith.constant 0 : i32
    %dma_wait3A_292 = tpu.memref_slice %arg6[%dma_wait3A_290, %dma_wait3A_291] : memref<1920x32xf32, #tpu.memory_space<vmem>> -> memref<128x32xf32, #tpu.memory_space<vmem>>
    %dma_wait3A_293 = arith.constant 0 : i32
    %dma_wait3A_294 = tpu.memref_slice %arg5[%dma_wait3A_289, %dma_wait3A_293] : memref<15x128xi32, #tpu.memory_space<vmem>> -> memref<1x128xi32, #tpu.memory_space<vmem>>
    %dma_wait3A_295 = tpu.memref_squeeze %dma_wait3A_294 : memref<1x128xi32, #tpu.memory_space<vmem>> -> memref<128xi32, #tpu.memory_space<vmem>>
    %dma_wait3A_296 = arith.constant 0 : i32
    %dma_wait3A_297 = arith.constant 0 : i32
    %dma_wait3A_298 = tpu.memref_slice %arg2[%dma_wait3A_296, %dma_wait3A_297] : memref<10240x32xf32, #tpu.memory_space<hbm>> -> memref<10240x32xf32, #tpu.memory_space<hbm>>
    tpu.wait_indirect_dma semaphore(%arg8 : memref<!tpu.dma_semaphore, #tpu.memory_space<semaphore_mem>>) src(%dma_wait3A_298 : memref<10240x32xf32, #tpu.memory_space<hbm>>) dst(%dma_wait3A_292 : memref<128x32xf32, #tpu.memory_space<vmem>>)
    %scan3A = arith.constant 0 : i32
    %scan3A_299 = arith.constant 0 : i32
    %scan3A_300 = arith.constant 320 : i32
    %scan3A_301 = arith.addi %scan3A_299, %scan3A_300 : i32
    %scan3A_302 = arith.constant 1 : i32
    scf.for %scan3A_306 = %scan3A_299 to %scan3A_301 step %scan3A_302  : i32 {
      %mul3A_307 = arith.constant 6 : i32
      %mul3A_308 = arith.muli %scan3A_306, %mul3A_307 : i32
      %get3A = arith.index_cast %mul3A_308 : i32 to index
      %get3A_309 = arith.constant 0 : index
      %get3A_310 = tpu.vector_load %arg6[%get3A, %get3A_309] {strides = array<i32>} : memref<1920x32xf32, #tpu.memory_space<vmem>>, vector<1x16xf32>,
      %get3A_311 = vector.shape_cast %get3A_310 : vector<1x16xf32> to vector<16xf32>
      %add3A_312 = arith.constant 1 : i32
      %add3A_313 = arith.addi %mul3A_308, %add3A_312 : i32
      %get3A_314 = arith.index_cast %add3A_313 : i32 to index
      %get3A_315 = arith.constant 0 : index
      %get3A_316 = tpu.vector_load %arg6[%get3A_314, %get3A_315] {strides = array<i32>} : memref<1920x32xf32, #tpu.memory_space<vmem>>, vector<1x16xf32>,
      %get3A_317 = vector.shape_cast %get3A_316 : vector<1x16xf32> to vector<16xf32>
      %max3A = arith.maximumf %get3A_311, %get3A_317 : vector<16xf32>
      %add3A_318 = arith.constant 2 : i32
      %add3A_319 = arith.addi %mul3A_308, %add3A_318 : i32
      %get3A_320 = arith.index_cast %add3A_319 : i32 to index
      %get3A_321 = arith.constant 0 : index
      %get3A_322 = tpu.vector_load %arg6[%get3A_320, %get3A_321] {strides = array<i32>} : memref<1920x32xf32, #tpu.memory_space<vmem>>, vector<1x16xf32>,
      %get3A_323 = vector.shape_cast %get3A_322 : vector<1x16xf32> to vector<16xf32>
      %max3A_324 = arith.maximumf %max3A, %get3A_323 : vector<16xf32>
      %add3A_325 = arith.constant 3 : i32
      %add3A_326 = arith.addi %mul3A_308, %add3A_325 : i32
      %get3A_327 = arith.index_cast %add3A_326 : i32 to index
      %get3A_328 = arith.constant 0 : index
      %get3A_329 = tpu.vector_load %arg6[%get3A_327, %get3A_328] {strides = array<i32>} : memref<1920x32xf32, #tpu.memory_space<vmem>>, vector<1x16xf32>,
      %get3A_330 = vector.shape_cast %get3A_329 : vector<1x16xf32> to vector<16xf32>
      %max3A_331 = arith.maximumf %max3A_324, %get3A_330 : vector<16xf32>
      %add3A_332 = arith.constant 4 : i32
      %add3A_333 = arith.addi %mul3A_308, %add3A_332 : i32
      %get3A_334 = arith.index_cast %add3A_333 : i32 to index
      %get3A_335 = arith.constant 0 : index
      %get3A_336 = tpu.vector_load %arg6[%get3A_334, %get3A_335] {strides = array<i32>} : memref<1920x32xf32, #tpu.memory_space<vmem>>, vector<1x16xf32>,
      %get3A_337 = vector.shape_cast %get3A_336 : vector<1x16xf32> to vector<16xf32>
      %max3A_338 = arith.maximumf %max3A_331, %get3A_337 : vector<16xf32>
      %add3A_339 = arith.constant 5 : i32
      %add3A_340 = arith.addi %mul3A_308, %add3A_339 : i32
      %get3A_341 = arith.index_cast %add3A_340 : i32 to index
      %get3A_342 = arith.constant 0 : index
      %get3A_343 = tpu.vector_load %arg6[%get3A_341, %get3A_342] {strides = array<i32>} : memref<1920x32xf32, #tpu.memory_space<vmem>>, vector<1x16xf32>,
      %get3A_344 = vector.shape_cast %get3A_343 : vector<1x16xf32> to vector<16xf32>
      %max3A_345 = arith.maximumf %max3A_338, %get3A_344 : vector<16xf32>
      %max3A_346 = arith.constant 0.000000e+00 : f32
      %max3A_347 = vector.broadcast %max3A_346 : f32 to vector<16xf32>
      %max3A_348 = arith.maximumf %max3A_345, %max3A_347 : vector<16xf32>
      %swap3A = arith.index_cast %scan3A_306 : i32 to index
      %swap3A_349 = arith.constant 0 : index
      %swap3A_350 = tpu.vector_load %arg7[%swap3A, %swap3A_349] {strides = array<i32>} : memref<320x32xf32, #tpu.memory_space<vmem>>, vector<1x16xf32>,
      %swap3A_351 = vector.shape_cast %swap3A_350 : vector<1x16xf32> to vector<16xf32>
      %swap3A_352 = vector.shape_cast %max3A_348 : vector<16xf32> to vector<1x16xf32>
      tpu.vector_store %arg7[%swap3A, %swap3A_349], %swap3A_352 {strides = array<i32>} : memref<320x32xf32, #tpu.memory_space<vmem>>, vector<1x16xf32>,
      %get3A_353 = arith.index_cast %mul3A_308 : i32 to index
      %get3A_354 = arith.constant 16 : index
      %get3A_355 = tpu.vector_load %arg6[%get3A_353, %get3A_354] {strides = array<i32>} : memref<1920x32xf32, #tpu.memory_space<vmem>>, vector<1x16xf32>,
      %get3A_356 = vector.shape_cast %get3A_355 : vector<1x16xf32> to vector<16xf32>
      %add3A_357 = arith.constant 1 : i32
      %add3A_358 = arith.addi %mul3A_308, %add3A_357 : i32
      %get3A_359 = arith.index_cast %add3A_358 : i32 to index
      %get3A_360 = arith.constant 16 : index
      %get3A_361 = tpu.vector_load %arg6[%get3A_359, %get3A_360] {strides = array<i32>} : memref<1920x32xf32, #tpu.memory_space<vmem>>, vector<1x16xf32>,
      %get3A_362 = vector.shape_cast %get3A_361 : vector<1x16xf32> to vector<16xf32>
      %max3A_363 = arith.maximumf %get3A_356, %get3A_362 : vector<16xf32>
      %add3A_364 = arith.constant 2 : i32
      %add3A_365 = arith.addi %mul3A_308, %add3A_364 : i32
      %get3A_366 = arith.index_cast %add3A_365 : i32 to index
      %get3A_367 = arith.constant 16 : index
      %get3A_368 = tpu.vector_load %arg6[%get3A_366, %get3A_367] {strides = array<i32>} : memref<1920x32xf32, #tpu.memory_space<vmem>>, vector<1x16xf32>,
      %get3A_369 = vector.shape_cast %get3A_368 : vector<1x16xf32> to vector<16xf32>
      %max3A_370 = arith.maximumf %max3A_363, %get3A_369 : vector<16xf32>
      %add3A_371 = arith.constant 3 : i32
      %add3A_372 = arith.addi %mul3A_308, %add3A_371 : i32
      %get3A_373 = arith.index_cast %add3A_372 : i32 to index
      %get3A_374 = arith.constant 16 : index
      %get3A_375 = tpu.vector_load %arg6[%get3A_373, %get3A_374] {strides = array<i32>} : memref<1920x32xf32, #tpu.memory_space<vmem>>, vector<1x16xf32>,
      %get3A_376 = vector.shape_cast %get3A_375 : vector<1x16xf32> to vector<16xf32>
      %max3A_377 = arith.maximumf %max3A_370, %get3A_376 : vector<16xf32>
      %add3A_378 = arith.constant 4 : i32
      %add3A_379 = arith.addi %mul3A_308, %add3A_378 : i32
      %get3A_380 = arith.index_cast %add3A_379 : i32 to index
      %get3A_381 = arith.constant 16 : index
      %get3A_382 = tpu.vector_load %arg6[%get3A_380, %get3A_381] {strides = array<i32>} : memref<1920x32xf32, #tpu.memory_space<vmem>>, vector<1x16xf32>,
      %get3A_383 = vector.shape_cast %get3A_382 : vector<1x16xf32> to vector<16xf32>
      %max3A_384 = arith.maximumf %max3A_377, %get3A_383 : vector<16xf32>
      %add3A_385 = arith.constant 5 : i32
      %add3A_386 = arith.addi %mul3A_308, %add3A_385 : i32
      %get3A_387 = arith.index_cast %add3A_386 : i32 to index
      %get3A_388 = arith.constant 16 : index
      %get3A_389 = tpu.vector_load %arg6[%get3A_387, %get3A_388] {strides = array<i32>} : memref<1920x32xf32, #tpu.memory_space<vmem>>, vector<1x16xf32>,
      %get3A_390 = vector.shape_cast %get3A_389 : vector<1x16xf32> to vector<16xf32>
      %max3A_391 = arith.maximumf %max3A_384, %get3A_390 : vector<16xf32>
      %max3A_392 = arith.constant 0.000000e+00 : f32
      %max3A_393 = vector.broadcast %max3A_392 : f32 to vector<16xf32>
      %max3A_394 = arith.maximumf %max3A_391, %max3A_393 : vector<16xf32>
      %swap3A_395 = arith.index_cast %scan3A_306 : i32 to index
      %swap3A_396 = arith.constant 16 : index
      %swap3A_397 = tpu.vector_load %arg7[%swap3A_395, %swap3A_396] {strides = array<i32>} : memref<320x32xf32, #tpu.memory_space<vmem>>, vector<1x16xf32>,
      %swap3A_398 = vector.shape_cast %swap3A_397 : vector<1x16xf32> to vector<16xf32>
      %swap3A_399 = vector.shape_cast %max3A_394 : vector<16xf32> to vector<1x16xf32>
      tpu.vector_store %arg7[%swap3A_395, %swap3A_396], %swap3A_399 {strides = array<i32>} : memref<320x32xf32, #tpu.memory_space<vmem>>, vector<1x16xf32>,
    }
    %scan3A_303 = arith.constant 320 : i32
    %mul3A_304 = arith.constant 320 : i32
    %mul3A_305 = arith.muli %add3A, %mul3A_304 : i32
    "tpu.region"() ({
      %run_scoped3A = tpu.sem_alloc : memref<!tpu.dma_semaphore, #tpu.memory_space<semaphore_mem>>
      %dma_start3A_306 = arith.constant 0 : i32
      %dma_start3A_307 = tpu.memref_slice %arg4[%mul3A_305, %dma_start3A_306] : memref<10240x32xf32, #tpu.memory_space<hbm>> -> memref<320x32xf32, #tpu.memory_space<hbm>>
      %dma_start3A_308 = arith.constant 0 : i32
      %dma_start3A_309 = tpu.memref_slice %arg4[%mul3A_305, %dma_start3A_308] : memref<10240x32xf32, #tpu.memory_space<hbm>> -> memref<320x32xf32, #tpu.memory_space<hbm>>
      tpu.enqueue_dma source(%arg7 : memref<320x32xf32, #tpu.memory_space<vmem>>) target(%dma_start3A_309 : memref<320x32xf32, #tpu.memory_space<hbm>>) target_semaphore(%run_scoped3A : memref<!tpu.dma_semaphore, #tpu.memory_space<semaphore_mem>>)
      %dma_wait3A_310 = arith.constant 0 : i32
      %dma_wait3A_311 = tpu.memref_slice %arg4[%mul3A_305, %dma_wait3A_310] : memref<10240x32xf32, #tpu.memory_space<hbm>> -> memref<320x32xf32, #tpu.memory_space<hbm>>
      %dma_wait3A_312 = arith.constant 0 : i32
      %dma_wait3A_313 = tpu.memref_slice %arg4[%mul3A_305, %dma_wait3A_312] : memref<10240x32xf32, #tpu.memory_space<hbm>> -> memref<320x32xf32, #tpu.memory_space<hbm>>
      tpu.wait_dma2 semaphore(%run_scoped3A : memref<!tpu.dma_semaphore, #tpu.memory_space<semaphore_mem>>) src(%arg7 : memref<320x32xf32, #tpu.memory_space<vmem>>) dst(%dma_wait3A_313 : memref<320x32xf32, #tpu.memory_space<hbm>>)
      tpu.yield
    }) : () -> ()
    return
  }
}

#map = affine_map<(d0, d1) -> (0, 0)>
#map1 = affine_map<(d0, d1) -> (0, 0, 0)>
module attributes {stable_mosaic.version = 14 : i64} {
  func.func @_sc_gather_body(%arg0: i32, %arg1: i32, %arg2: memref<10240x32xf32, #tpu.memory_space<hbm>>, %arg3: memref<32x15x128xi32, #tpu.memory_space<hbm>>, %arg4: memref<10240x32xf32, #tpu.memory_space<hbm>>, %arg5: memref<15x128xi32, #tpu.memory_space<vmem>>, %arg6: memref<1920x32xf32, #tpu.memory_space<vmem>>, %arg7: memref<320x32xf32, #tpu.memory_space<vmem>>, %arg8: memref<!tpu.dma_semaphore, #tpu.memory_space<semaphore_mem>>) attributes {dimension_semantics = [#tpu.dimension_semantics<core_parallel>, #tpu.dimension_semantics<subcore_parallel>], iteration_bounds = array<i64: 2, 16>, scalar_prefetch = 0 : i64, scratch_operands = 4 : i64, tpu.core_type = #tpu.core_type<sc_vector_subcore>, window_params = [{transform_indices = #map}, {transform_indices = #map1}, {transform_indices = #map}]} {
    %mul3A = arith.constant 2 : i32
    %mul3A_0 = arith.muli %arg1, %mul3A : i32
    %add3A = arith.addi %mul3A_0, %arg0 : i32
    "tpu.region"() ({
      %run_scoped3A = tpu.sem_alloc : memref<!tpu.dma_semaphore, #tpu.memory_space<semaphore_mem>>
      %dma_start3A_306 = arith.constant 0 : i32
      %dma_start3A_307 = arith.constant 0 : i32
      %dma_start3A_308 = tpu.memref_slice %arg3[%add3A, %dma_start3A_306, %dma_start3A_307] : memref<32x15x128xi32, #tpu.memory_space<hbm>> -> memref<1x15x128xi32, #tpu.memory_space<hbm>>
      %dma_start3A_309 = tpu.memref_squeeze %dma_start3A_308 : memref<1x15x128xi32, #tpu.memory_space<hbm>> -> memref<15x128xi32, #tpu.memory_space<hbm>>
      %dma_start3A_310 = arith.constant 0 : i32
      %dma_start3A_311 = arith.constant 0 : i32
      %dma_start3A_312 = tpu.memref_slice %arg3[%add3A, %dma_start3A_310, %dma_start3A_311] : memref<32x15x128xi32, #tpu.memory_space<hbm>> -> memref<1x15x128xi32, #tpu.memory_space<hbm>>
      %dma_start3A_313 = tpu.memref_squeeze %dma_start3A_312 : memref<1x15x128xi32, #tpu.memory_space<hbm>> -> memref<15x128xi32, #tpu.memory_space<hbm>>
      tpu.enqueue_dma source(%dma_start3A_313 : memref<15x128xi32, #tpu.memory_space<hbm>>) target(%arg5 : memref<15x128xi32, #tpu.memory_space<vmem>>) target_semaphore(%run_scoped3A : memref<!tpu.dma_semaphore, #tpu.memory_space<semaphore_mem>>)
      %dma_wait3A_314 = arith.constant 0 : i32
      %dma_wait3A_315 = arith.constant 0 : i32
      %dma_wait3A_316 = tpu.memref_slice %arg3[%add3A, %dma_wait3A_314, %dma_wait3A_315] : memref<32x15x128xi32, #tpu.memory_space<hbm>> -> memref<1x15x128xi32, #tpu.memory_space<hbm>>
      %dma_wait3A_317 = tpu.memref_squeeze %dma_wait3A_316 : memref<1x15x128xi32, #tpu.memory_space<hbm>> -> memref<15x128xi32, #tpu.memory_space<hbm>>
      %dma_wait3A_318 = arith.constant 0 : i32
      %dma_wait3A_319 = arith.constant 0 : i32
      %dma_wait3A_320 = tpu.memref_slice %arg3[%add3A, %dma_wait3A_318, %dma_wait3A_319] : memref<32x15x128xi32, #tpu.memory_space<hbm>> -> memref<1x15x128xi32, #tpu.memory_space<hbm>>
      %dma_wait3A_321 = tpu.memref_squeeze %dma_wait3A_320 : memref<1x15x128xi32, #tpu.memory_space<hbm>> -> memref<15x128xi32, #tpu.memory_space<hbm>>
      tpu.wait_dma2 semaphore(%run_scoped3A : memref<!tpu.dma_semaphore, #tpu.memory_space<semaphore_mem>>) src(%dma_wait3A_321 : memref<15x128xi32, #tpu.memory_space<hbm>>) dst(%arg5 : memref<15x128xi32, #tpu.memory_space<vmem>>)
      tpu.yield
    }) : () -> ()
    %dma_start3A = arith.constant 0 : i32
    %dma_start3A_1 = arith.constant 0 : i32
    %dma_start3A_2 = arith.constant 0 : i32
    %dma_start3A_3 = tpu.memref_slice %arg6[%dma_start3A_1, %dma_start3A_2] : memref<1920x32xf32, #tpu.memory_space<vmem>> -> memref<128x32xf32, #tpu.memory_space<vmem>>
    %dma_start3A_4 = arith.constant 0 : i32
    %dma_start3A_5 = tpu.memref_slice %arg5[%dma_start3A, %dma_start3A_4] : memref<15x128xi32, #tpu.memory_space<vmem>> -> memref<1x128xi32, #tpu.memory_space<vmem>>
    %dma_start3A_6 = tpu.memref_squeeze %dma_start3A_5 : memref<1x128xi32, #tpu.memory_space<vmem>> -> memref<128xi32, #tpu.memory_space<vmem>>
    %dma_start3A_7 = arith.constant 0 : i32
    %dma_start3A_8 = arith.constant 0 : i32
    %dma_start3A_9 = tpu.memref_slice %arg2[%dma_start3A_7, %dma_start3A_8] : memref<10240x32xf32, #tpu.memory_space<hbm>> -> memref<10240x32xf32, #tpu.memory_space<hbm>>
    tpu.enqueue_indirect_dma source(%dma_start3A_9 : memref<10240x32xf32, #tpu.memory_space<hbm>>) target(%dma_start3A_3 : memref<128x32xf32, #tpu.memory_space<vmem>>) offsets(%dma_start3A_6 : memref<128xi32, #tpu.memory_space<vmem>>) semaphore(%arg8 : memref<!tpu.dma_semaphore, #tpu.memory_space<semaphore_mem>>)
    %dma_start3A_10 = arith.constant 1 : i32
    %dma_start3A_11 = arith.constant 128 : i32
    %dma_start3A_12 = arith.constant 0 : i32
    %dma_start3A_13 = tpu.memref_slice %arg6[%dma_start3A_11, %dma_start3A_12] : memref<1920x32xf32, #tpu.memory_space<vmem>> -> memref<128x32xf32, #tpu.memory_space<vmem>>
    %dma_start3A_14 = arith.constant 0 : i32
    %dma_start3A_15 = tpu.memref_slice %arg5[%dma_start3A_10, %dma_start3A_14] : memref<15x128xi32, #tpu.memory_space<vmem>> -> memref<1x128xi32, #tpu.memory_space<vmem>>
    %dma_start3A_16 = tpu.memref_squeeze %dma_start3A_15 : memref<1x128xi32, #tpu.memory_space<vmem>> -> memref<128xi32, #tpu.memory_space<vmem>>
    %dma_start3A_17 = arith.constant 0 : i32
    %dma_start3A_18 = arith.constant 0 : i32
    %dma_start3A_19 = tpu.memref_slice %arg2[%dma_start3A_17, %dma_start3A_18] : memref<10240x32xf32, #tpu.memory_space<hbm>> -> memref<10240x32xf32, #tpu.memory_space<hbm>>
    tpu.enqueue_indirect_dma source(%dma_start3A_19 : memref<10240x32xf32, #tpu.memory_space<hbm>>) target(%dma_start3A_13 : memref<128x32xf32, #tpu.memory_space<vmem>>) offsets(%dma_start3A_16 : memref<128xi32, #tpu.memory_space<vmem>>) semaphore(%arg8 : memref<!tpu.dma_semaphore, #tpu.memory_space<semaphore_mem>>)
    %dma_start3A_20 = arith.constant 2 : i32
    %dma_start3A_21 = arith.constant 256 : i32
    %dma_start3A_22 = arith.constant 0 : i32
    %dma_start3A_23 = tpu.memref_slice %arg6[%dma_start3A_21, %dma_start3A_22] : memref<1920x32xf32, #tpu.memory_space<vmem>> -> memref<128x32xf32, #tpu.memory_space<vmem>>
    %dma_start3A_24 = arith.constant 0 : i32
    %dma_start3A_25 = tpu.memref_slice %arg5[%dma_start3A_20, %dma_start3A_24] : memref<15x128xi32, #tpu.memory_space<vmem>> -> memref<1x128xi32, #tpu.memory_space<vmem>>
    %dma_start3A_26 = tpu.memref_squeeze %dma_start3A_25 : memref<1x128xi32, #tpu.memory_space<vmem>> -> memref<128xi32, #tpu.memory_space<vmem>>
    %dma_start3A_27 = arith.constant 0 : i32
    %dma_start3A_28 = arith.constant 0 : i32
    %dma_start3A_29 = tpu.memref_slice %arg2[%dma_start3A_27, %dma_start3A_28] : memref<10240x32xf32, #tpu.memory_space<hbm>> -> memref<10240x32xf32, #tpu.memory_space<hbm>>
    tpu.enqueue_indirect_dma source(%dma_start3A_29 : memref<10240x32xf32, #tpu.memory_space<hbm>>) target(%dma_start3A_23 : memref<128x32xf32, #tpu.memory_space<vmem>>) offsets(%dma_start3A_26 : memref<128xi32, #tpu.memory_space<vmem>>) semaphore(%arg8 : memref<!tpu.dma_semaphore, #tpu.memory_space<semaphore_mem>>)
    %dma_start3A_30 = arith.constant 3 : i32
    %dma_start3A_31 = arith.constant 384 : i32
    %dma_start3A_32 = arith.constant 0 : i32
    %dma_start3A_33 = tpu.memref_slice %arg6[%dma_start3A_31, %dma_start3A_32] : memref<1920x32xf32, #tpu.memory_space<vmem>> -> memref<128x32xf32, #tpu.memory_space<vmem>>
    %dma_start3A_34 = arith.constant 0 : i32
    %dma_start3A_35 = tpu.memref_slice %arg5[%dma_start3A_30, %dma_start3A_34] : memref<15x128xi32, #tpu.memory_space<vmem>> -> memref<1x128xi32, #tpu.memory_space<vmem>>
    %dma_start3A_36 = tpu.memref_squeeze %dma_start3A_35 : memref<1x128xi32, #tpu.memory_space<vmem>> -> memref<128xi32, #tpu.memory_space<vmem>>
    %dma_start3A_37 = arith.constant 0 : i32
    %dma_start3A_38 = arith.constant 0 : i32
    %dma_start3A_39 = tpu.memref_slice %arg2[%dma_start3A_37, %dma_start3A_38] : memref<10240x32xf32, #tpu.memory_space<hbm>> -> memref<10240x32xf32, #tpu.memory_space<hbm>>
    tpu.enqueue_indirect_dma source(%dma_start3A_39 : memref<10240x32xf32, #tpu.memory_space<hbm>>) target(%dma_start3A_33 : memref<128x32xf32, #tpu.memory_space<vmem>>) offsets(%dma_start3A_36 : memref<128xi32, #tpu.memory_space<vmem>>) semaphore(%arg8 : memref<!tpu.dma_semaphore, #tpu.memory_space<semaphore_mem>>)
    %dma_start3A_40 = arith.constant 4 : i32
    %dma_start3A_41 = arith.constant 512 : i32
    %dma_start3A_42 = arith.constant 0 : i32
    %dma_start3A_43 = tpu.memref_slice %arg6[%dma_start3A_41, %dma_start3A_42] : memref<1920x32xf32, #tpu.memory_space<vmem>> -> memref<128x32xf32, #tpu.memory_space<vmem>>
    %dma_start3A_44 = arith.constant 0 : i32
    %dma_start3A_45 = tpu.memref_slice %arg5[%dma_start3A_40, %dma_start3A_44] : memref<15x128xi32, #tpu.memory_space<vmem>> -> memref<1x128xi32, #tpu.memory_space<vmem>>
    %dma_start3A_46 = tpu.memref_squeeze %dma_start3A_45 : memref<1x128xi32, #tpu.memory_space<vmem>> -> memref<128xi32, #tpu.memory_space<vmem>>
    %dma_start3A_47 = arith.constant 0 : i32
    %dma_start3A_48 = arith.constant 0 : i32
    %dma_start3A_49 = tpu.memref_slice %arg2[%dma_start3A_47, %dma_start3A_48] : memref<10240x32xf32, #tpu.memory_space<hbm>> -> memref<10240x32xf32, #tpu.memory_space<hbm>>
    tpu.enqueue_indirect_dma source(%dma_start3A_49 : memref<10240x32xf32, #tpu.memory_space<hbm>>) target(%dma_start3A_43 : memref<128x32xf32, #tpu.memory_space<vmem>>) offsets(%dma_start3A_46 : memref<128xi32, #tpu.memory_space<vmem>>) semaphore(%arg8 : memref<!tpu.dma_semaphore, #tpu.memory_space<semaphore_mem>>)
    %dma_start3A_50 = arith.constant 5 : i32
    %dma_start3A_51 = arith.constant 640 : i32
    %dma_start3A_52 = arith.constant 0 : i32
    %dma_start3A_53 = tpu.memref_slice %arg6[%dma_start3A_51, %dma_start3A_52] : memref<1920x32xf32, #tpu.memory_space<vmem>> -> memref<128x32xf32, #tpu.memory_space<vmem>>
    %dma_start3A_54 = arith.constant 0 : i32
    %dma_start3A_55 = tpu.memref_slice %arg5[%dma_start3A_50, %dma_start3A_54] : memref<15x128xi32, #tpu.memory_space<vmem>> -> memref<1x128xi32, #tpu.memory_space<vmem>>
    %dma_start3A_56 = tpu.memref_squeeze %dma_start3A_55 : memref<1x128xi32, #tpu.memory_space<vmem>> -> memref<128xi32, #tpu.memory_space<vmem>>
    %dma_start3A_57 = arith.constant 0 : i32
    %dma_start3A_58 = arith.constant 0 : i32
    %dma_start3A_59 = tpu.memref_slice %arg2[%dma_start3A_57, %dma_start3A_58] : memref<10240x32xf32, #tpu.memory_space<hbm>> -> memref<10240x32xf32, #tpu.memory_space<hbm>>
    tpu.enqueue_indirect_dma source(%dma_start3A_59 : memref<10240x32xf32, #tpu.memory_space<hbm>>) target(%dma_start3A_53 : memref<128x32xf32, #tpu.memory_space<vmem>>) offsets(%dma_start3A_56 : memref<128xi32, #tpu.memory_space<vmem>>) semaphore(%arg8 : memref<!tpu.dma_semaphore, #tpu.memory_space<semaphore_mem>>)
    %dma_start3A_60 = arith.constant 6 : i32
    %dma_start3A_61 = arith.constant 768 : i32
    %dma_start3A_62 = arith.constant 0 : i32
    %dma_start3A_63 = tpu.memref_slice %arg6[%dma_start3A_61, %dma_start3A_62] : memref<1920x32xf32, #tpu.memory_space<vmem>> -> memref<128x32xf32, #tpu.memory_space<vmem>>
    %dma_start3A_64 = arith.constant 0 : i32
    %dma_start3A_65 = tpu.memref_slice %arg5[%dma_start3A_60, %dma_start3A_64] : memref<15x128xi32, #tpu.memory_space<vmem>> -> memref<1x128xi32, #tpu.memory_space<vmem>>
    %dma_start3A_66 = tpu.memref_squeeze %dma_start3A_65 : memref<1x128xi32, #tpu.memory_space<vmem>> -> memref<128xi32, #tpu.memory_space<vmem>>
    %dma_start3A_67 = arith.constant 0 : i32
    %dma_start3A_68 = arith.constant 0 : i32
    %dma_start3A_69 = tpu.memref_slice %arg2[%dma_start3A_67, %dma_start3A_68] : memref<10240x32xf32, #tpu.memory_space<hbm>> -> memref<10240x32xf32, #tpu.memory_space<hbm>>
    tpu.enqueue_indirect_dma source(%dma_start3A_69 : memref<10240x32xf32, #tpu.memory_space<hbm>>) target(%dma_start3A_63 : memref<128x32xf32, #tpu.memory_space<vmem>>) offsets(%dma_start3A_66 : memref<128xi32, #tpu.memory_space<vmem>>) semaphore(%arg8 : memref<!tpu.dma_semaphore, #tpu.memory_space<semaphore_mem>>)
    %dma_start3A_70 = arith.constant 7 : i32
    %dma_start3A_71 = arith.constant 896 : i32
    %dma_start3A_72 = arith.constant 0 : i32
    %dma_start3A_73 = tpu.memref_slice %arg6[%dma_start3A_71, %dma_start3A_72] : memref<1920x32xf32, #tpu.memory_space<vmem>> -> memref<128x32xf32, #tpu.memory_space<vmem>>
    %dma_start3A_74 = arith.constant 0 : i32
    %dma_start3A_75 = tpu.memref_slice %arg5[%dma_start3A_70, %dma_start3A_74] : memref<15x128xi32, #tpu.memory_space<vmem>> -> memref<1x128xi32, #tpu.memory_space<vmem>>
    %dma_start3A_76 = tpu.memref_squeeze %dma_start3A_75 : memref<1x128xi32, #tpu.memory_space<vmem>> -> memref<128xi32, #tpu.memory_space<vmem>>
    %dma_start3A_77 = arith.constant 0 : i32
    %dma_start3A_78 = arith.constant 0 : i32
    %dma_start3A_79 = tpu.memref_slice %arg2[%dma_start3A_77, %dma_start3A_78] : memref<10240x32xf32, #tpu.memory_space<hbm>> -> memref<10240x32xf32, #tpu.memory_space<hbm>>
    tpu.enqueue_indirect_dma source(%dma_start3A_79 : memref<10240x32xf32, #tpu.memory_space<hbm>>) target(%dma_start3A_73 : memref<128x32xf32, #tpu.memory_space<vmem>>) offsets(%dma_start3A_76 : memref<128xi32, #tpu.memory_space<vmem>>) semaphore(%arg8 : memref<!tpu.dma_semaphore, #tpu.memory_space<semaphore_mem>>)
    %dma_start3A_80 = arith.constant 8 : i32
    %dma_start3A_81 = arith.constant 1024 : i32
    %dma_start3A_82 = arith.constant 0 : i32
    %dma_start3A_83 = tpu.memref_slice %arg6[%dma_start3A_81, %dma_start3A_82] : memref<1920x32xf32, #tpu.memory_space<vmem>> -> memref<128x32xf32, #tpu.memory_space<vmem>>
    %dma_start3A_84 = arith.constant 0 : i32
    %dma_start3A_85 = tpu.memref_slice %arg5[%dma_start3A_80, %dma_start3A_84] : memref<15x128xi32, #tpu.memory_space<vmem>> -> memref<1x128xi32, #tpu.memory_space<vmem>>
    %dma_start3A_86 = tpu.memref_squeeze %dma_start3A_85 : memref<1x128xi32, #tpu.memory_space<vmem>> -> memref<128xi32, #tpu.memory_space<vmem>>
    %dma_start3A_87 = arith.constant 0 : i32
    %dma_start3A_88 = arith.constant 0 : i32
    %dma_start3A_89 = tpu.memref_slice %arg2[%dma_start3A_87, %dma_start3A_88] : memref<10240x32xf32, #tpu.memory_space<hbm>> -> memref<10240x32xf32, #tpu.memory_space<hbm>>
    tpu.enqueue_indirect_dma source(%dma_start3A_89 : memref<10240x32xf32, #tpu.memory_space<hbm>>) target(%dma_start3A_83 : memref<128x32xf32, #tpu.memory_space<vmem>>) offsets(%dma_start3A_86 : memref<128xi32, #tpu.memory_space<vmem>>) semaphore(%arg8 : memref<!tpu.dma_semaphore, #tpu.memory_space<semaphore_mem>>)
    %dma_start3A_90 = arith.constant 9 : i32
    %dma_start3A_91 = arith.constant 1152 : i32
    %dma_start3A_92 = arith.constant 0 : i32
    %dma_start3A_93 = tpu.memref_slice %arg6[%dma_start3A_91, %dma_start3A_92] : memref<1920x32xf32, #tpu.memory_space<vmem>> -> memref<128x32xf32, #tpu.memory_space<vmem>>
    %dma_start3A_94 = arith.constant 0 : i32
    %dma_start3A_95 = tpu.memref_slice %arg5[%dma_start3A_90, %dma_start3A_94] : memref<15x128xi32, #tpu.memory_space<vmem>> -> memref<1x128xi32, #tpu.memory_space<vmem>>
    %dma_start3A_96 = tpu.memref_squeeze %dma_start3A_95 : memref<1x128xi32, #tpu.memory_space<vmem>> -> memref<128xi32, #tpu.memory_space<vmem>>
    %dma_start3A_97 = arith.constant 0 : i32
    %dma_start3A_98 = arith.constant 0 : i32
    %dma_start3A_99 = tpu.memref_slice %arg2[%dma_start3A_97, %dma_start3A_98] : memref<10240x32xf32, #tpu.memory_space<hbm>> -> memref<10240x32xf32, #tpu.memory_space<hbm>>
    tpu.enqueue_indirect_dma source(%dma_start3A_99 : memref<10240x32xf32, #tpu.memory_space<hbm>>) target(%dma_start3A_93 : memref<128x32xf32, #tpu.memory_space<vmem>>) offsets(%dma_start3A_96 : memref<128xi32, #tpu.memory_space<vmem>>) semaphore(%arg8 : memref<!tpu.dma_semaphore, #tpu.memory_space<semaphore_mem>>)
    %dma_start3A_100 = arith.constant 10 : i32
    %dma_start3A_101 = arith.constant 1280 : i32
    %dma_start3A_102 = arith.constant 0 : i32
    %dma_start3A_103 = tpu.memref_slice %arg6[%dma_start3A_101, %dma_start3A_102] : memref<1920x32xf32, #tpu.memory_space<vmem>> -> memref<128x32xf32, #tpu.memory_space<vmem>>
    %dma_start3A_104 = arith.constant 0 : i32
    %dma_start3A_105 = tpu.memref_slice %arg5[%dma_start3A_100, %dma_start3A_104] : memref<15x128xi32, #tpu.memory_space<vmem>> -> memref<1x128xi32, #tpu.memory_space<vmem>>
    %dma_start3A_106 = tpu.memref_squeeze %dma_start3A_105 : memref<1x128xi32, #tpu.memory_space<vmem>> -> memref<128xi32, #tpu.memory_space<vmem>>
    %dma_start3A_107 = arith.constant 0 : i32
    %dma_start3A_108 = arith.constant 0 : i32
    %dma_start3A_109 = tpu.memref_slice %arg2[%dma_start3A_107, %dma_start3A_108] : memref<10240x32xf32, #tpu.memory_space<hbm>> -> memref<10240x32xf32, #tpu.memory_space<hbm>>
    tpu.enqueue_indirect_dma source(%dma_start3A_109 : memref<10240x32xf32, #tpu.memory_space<hbm>>) target(%dma_start3A_103 : memref<128x32xf32, #tpu.memory_space<vmem>>) offsets(%dma_start3A_106 : memref<128xi32, #tpu.memory_space<vmem>>) semaphore(%arg8 : memref<!tpu.dma_semaphore, #tpu.memory_space<semaphore_mem>>)
    %dma_start3A_110 = arith.constant 11 : i32
    %dma_start3A_111 = arith.constant 1408 : i32
    %dma_start3A_112 = arith.constant 0 : i32
    %dma_start3A_113 = tpu.memref_slice %arg6[%dma_start3A_111, %dma_start3A_112] : memref<1920x32xf32, #tpu.memory_space<vmem>> -> memref<128x32xf32, #tpu.memory_space<vmem>>
    %dma_start3A_114 = arith.constant 0 : i32
    %dma_start3A_115 = tpu.memref_slice %arg5[%dma_start3A_110, %dma_start3A_114] : memref<15x128xi32, #tpu.memory_space<vmem>> -> memref<1x128xi32, #tpu.memory_space<vmem>>
    %dma_start3A_116 = tpu.memref_squeeze %dma_start3A_115 : memref<1x128xi32, #tpu.memory_space<vmem>> -> memref<128xi32, #tpu.memory_space<vmem>>
    %dma_start3A_117 = arith.constant 0 : i32
    %dma_start3A_118 = arith.constant 0 : i32
    %dma_start3A_119 = tpu.memref_slice %arg2[%dma_start3A_117, %dma_start3A_118] : memref<10240x32xf32, #tpu.memory_space<hbm>> -> memref<10240x32xf32, #tpu.memory_space<hbm>>
    tpu.enqueue_indirect_dma source(%dma_start3A_119 : memref<10240x32xf32, #tpu.memory_space<hbm>>) target(%dma_start3A_113 : memref<128x32xf32, #tpu.memory_space<vmem>>) offsets(%dma_start3A_116 : memref<128xi32, #tpu.memory_space<vmem>>) semaphore(%arg8 : memref<!tpu.dma_semaphore, #tpu.memory_space<semaphore_mem>>)
    %dma_start3A_120 = arith.constant 12 : i32
    %dma_start3A_121 = arith.constant 1536 : i32
    %dma_start3A_122 = arith.constant 0 : i32
    %dma_start3A_123 = tpu.memref_slice %arg6[%dma_start3A_121, %dma_start3A_122] : memref<1920x32xf32, #tpu.memory_space<vmem>> -> memref<128x32xf32, #tpu.memory_space<vmem>>
    %dma_start3A_124 = arith.constant 0 : i32
    %dma_start3A_125 = tpu.memref_slice %arg5[%dma_start3A_120, %dma_start3A_124] : memref<15x128xi32, #tpu.memory_space<vmem>> -> memref<1x128xi32, #tpu.memory_space<vmem>>
    %dma_start3A_126 = tpu.memref_squeeze %dma_start3A_125 : memref<1x128xi32, #tpu.memory_space<vmem>> -> memref<128xi32, #tpu.memory_space<vmem>>
    %dma_start3A_127 = arith.constant 0 : i32
    %dma_start3A_128 = arith.constant 0 : i32
    %dma_start3A_129 = tpu.memref_slice %arg2[%dma_start3A_127, %dma_start3A_128] : memref<10240x32xf32, #tpu.memory_space<hbm>> -> memref<10240x32xf32, #tpu.memory_space<hbm>>
    tpu.enqueue_indirect_dma source(%dma_start3A_129 : memref<10240x32xf32, #tpu.memory_space<hbm>>) target(%dma_start3A_123 : memref<128x32xf32, #tpu.memory_space<vmem>>) offsets(%dma_start3A_126 : memref<128xi32, #tpu.memory_space<vmem>>) semaphore(%arg8 : memref<!tpu.dma_semaphore, #tpu.memory_space<semaphore_mem>>)
    %dma_start3A_130 = arith.constant 13 : i32
    %dma_start3A_131 = arith.constant 1664 : i32
    %dma_start3A_132 = arith.constant 0 : i32
    %dma_start3A_133 = tpu.memref_slice %arg6[%dma_start3A_131, %dma_start3A_132] : memref<1920x32xf32, #tpu.memory_space<vmem>> -> memref<128x32xf32, #tpu.memory_space<vmem>>
    %dma_start3A_134 = arith.constant 0 : i32
    %dma_start3A_135 = tpu.memref_slice %arg5[%dma_start3A_130, %dma_start3A_134] : memref<15x128xi32, #tpu.memory_space<vmem>> -> memref<1x128xi32, #tpu.memory_space<vmem>>
    %dma_start3A_136 = tpu.memref_squeeze %dma_start3A_135 : memref<1x128xi32, #tpu.memory_space<vmem>> -> memref<128xi32, #tpu.memory_space<vmem>>
    %dma_start3A_137 = arith.constant 0 : i32
    %dma_start3A_138 = arith.constant 0 : i32
    %dma_start3A_139 = tpu.memref_slice %arg2[%dma_start3A_137, %dma_start3A_138] : memref<10240x32xf32, #tpu.memory_space<hbm>> -> memref<10240x32xf32, #tpu.memory_space<hbm>>
    tpu.enqueue_indirect_dma source(%dma_start3A_139 : memref<10240x32xf32, #tpu.memory_space<hbm>>) target(%dma_start3A_133 : memref<128x32xf32, #tpu.memory_space<vmem>>) offsets(%dma_start3A_136 : memref<128xi32, #tpu.memory_space<vmem>>) semaphore(%arg8 : memref<!tpu.dma_semaphore, #tpu.memory_space<semaphore_mem>>)
    %dma_start3A_140 = arith.constant 14 : i32
    %dma_start3A_141 = arith.constant 1792 : i32
    %dma_start3A_142 = arith.constant 0 : i32
    %dma_start3A_143 = tpu.memref_slice %arg6[%dma_start3A_141, %dma_start3A_142] : memref<1920x32xf32, #tpu.memory_space<vmem>> -> memref<128x32xf32, #tpu.memory_space<vmem>>
    %dma_start3A_144 = arith.constant 0 : i32
    %dma_start3A_145 = tpu.memref_slice %arg5[%dma_start3A_140, %dma_start3A_144] : memref<15x128xi32, #tpu.memory_space<vmem>> -> memref<1x128xi32, #tpu.memory_space<vmem>>
    %dma_start3A_146 = tpu.memref_squeeze %dma_start3A_145 : memref<1x128xi32, #tpu.memory_space<vmem>> -> memref<128xi32, #tpu.memory_space<vmem>>
    %dma_start3A_147 = arith.constant 0 : i32
    %dma_start3A_148 = arith.constant 0 : i32
    %dma_start3A_149 = tpu.memref_slice %arg2[%dma_start3A_147, %dma_start3A_148] : memref<10240x32xf32, #tpu.memory_space<hbm>> -> memref<10240x32xf32, #tpu.memory_space<hbm>>
    tpu.enqueue_indirect_dma source(%dma_start3A_149 : memref<10240x32xf32, #tpu.memory_space<hbm>>) target(%dma_start3A_143 : memref<128x32xf32, #tpu.memory_space<vmem>>) offsets(%dma_start3A_146 : memref<128xi32, #tpu.memory_space<vmem>>) semaphore(%arg8 : memref<!tpu.dma_semaphore, #tpu.memory_space<semaphore_mem>>)
    %dma_wait3A = arith.constant 0 : i32
    %dma_wait3A_150 = arith.constant 0 : i32
    %dma_wait3A_151 = arith.constant 0 : i32
    %dma_wait3A_152 = tpu.memref_slice %arg6[%dma_wait3A_150, %dma_wait3A_151] : memref<1920x32xf32, #tpu.memory_space<vmem>> -> memref<128x32xf32, #tpu.memory_space<vmem>>
    %dma_wait3A_153 = arith.constant 0 : i32
    %dma_wait3A_154 = tpu.memref_slice %arg5[%dma_wait3A, %dma_wait3A_153] : memref<15x128xi32, #tpu.memory_space<vmem>> -> memref<1x128xi32, #tpu.memory_space<vmem>>
    %dma_wait3A_155 = tpu.memref_squeeze %dma_wait3A_154 : memref<1x128xi32, #tpu.memory_space<vmem>> -> memref<128xi32, #tpu.memory_space<vmem>>
    %dma_wait3A_156 = arith.constant 0 : i32
    %dma_wait3A_157 = arith.constant 0 : i32
    %dma_wait3A_158 = tpu.memref_slice %arg2[%dma_wait3A_156, %dma_wait3A_157] : memref<10240x32xf32, #tpu.memory_space<hbm>> -> memref<10240x32xf32, #tpu.memory_space<hbm>>
    tpu.wait_indirect_dma semaphore(%arg8 : memref<!tpu.dma_semaphore, #tpu.memory_space<semaphore_mem>>) src(%dma_wait3A_158 : memref<10240x32xf32, #tpu.memory_space<hbm>>) dst(%dma_wait3A_152 : memref<128x32xf32, #tpu.memory_space<vmem>>)
    %dma_wait3A_159 = arith.constant 1 : i32
    %dma_wait3A_160 = arith.constant 128 : i32
    %dma_wait3A_161 = arith.constant 0 : i32
    %dma_wait3A_162 = tpu.memref_slice %arg6[%dma_wait3A_160, %dma_wait3A_161] : memref<1920x32xf32, #tpu.memory_space<vmem>> -> memref<128x32xf32, #tpu.memory_space<vmem>>
    %dma_wait3A_163 = arith.constant 0 : i32
    %dma_wait3A_164 = tpu.memref_slice %arg5[%dma_wait3A_159, %dma_wait3A_163] : memref<15x128xi32, #tpu.memory_space<vmem>> -> memref<1x128xi32, #tpu.memory_space<vmem>>
    %dma_wait3A_165 = tpu.memref_squeeze %dma_wait3A_164 : memref<1x128xi32, #tpu.memory_space<vmem>> -> memref<128xi32, #tpu.memory_space<vmem>>
    %dma_wait3A_166 = arith.constant 0 : i32
    %dma_wait3A_167 = arith.constant 0 : i32
    %dma_wait3A_168 = tpu.memref_slice %arg2[%dma_wait3A_166, %dma_wait3A_167] : memref<10240x32xf32, #tpu.memory_space<hbm>> -> memref<10240x32xf32, #tpu.memory_space<hbm>>
    tpu.wait_indirect_dma semaphore(%arg8 : memref<!tpu.dma_semaphore, #tpu.memory_space<semaphore_mem>>) src(%dma_wait3A_168 : memref<10240x32xf32, #tpu.memory_space<hbm>>) dst(%dma_wait3A_162 : memref<128x32xf32, #tpu.memory_space<vmem>>)
    %dma_wait3A_169 = arith.constant 2 : i32
    %dma_wait3A_170 = arith.constant 256 : i32
    %dma_wait3A_171 = arith.constant 0 : i32
    %dma_wait3A_172 = tpu.memref_slice %arg6[%dma_wait3A_170, %dma_wait3A_171] : memref<1920x32xf32, #tpu.memory_space<vmem>> -> memref<128x32xf32, #tpu.memory_space<vmem>>
    %dma_wait3A_173 = arith.constant 0 : i32
    %dma_wait3A_174 = tpu.memref_slice %arg5[%dma_wait3A_169, %dma_wait3A_173] : memref<15x128xi32, #tpu.memory_space<vmem>> -> memref<1x128xi32, #tpu.memory_space<vmem>>
    %dma_wait3A_175 = tpu.memref_squeeze %dma_wait3A_174 : memref<1x128xi32, #tpu.memory_space<vmem>> -> memref<128xi32, #tpu.memory_space<vmem>>
    %dma_wait3A_176 = arith.constant 0 : i32
    %dma_wait3A_177 = arith.constant 0 : i32
    %dma_wait3A_178 = tpu.memref_slice %arg2[%dma_wait3A_176, %dma_wait3A_177] : memref<10240x32xf32, #tpu.memory_space<hbm>> -> memref<10240x32xf32, #tpu.memory_space<hbm>>
    tpu.wait_indirect_dma semaphore(%arg8 : memref<!tpu.dma_semaphore, #tpu.memory_space<semaphore_mem>>) src(%dma_wait3A_178 : memref<10240x32xf32, #tpu.memory_space<hbm>>) dst(%dma_wait3A_172 : memref<128x32xf32, #tpu.memory_space<vmem>>)
    %dma_wait3A_179 = arith.constant 3 : i32
    %dma_wait3A_180 = arith.constant 384 : i32
    %dma_wait3A_181 = arith.constant 0 : i32
    %dma_wait3A_182 = tpu.memref_slice %arg6[%dma_wait3A_180, %dma_wait3A_181] : memref<1920x32xf32, #tpu.memory_space<vmem>> -> memref<128x32xf32, #tpu.memory_space<vmem>>
    %dma_wait3A_183 = arith.constant 0 : i32
    %dma_wait3A_184 = tpu.memref_slice %arg5[%dma_wait3A_179, %dma_wait3A_183] : memref<15x128xi32, #tpu.memory_space<vmem>> -> memref<1x128xi32, #tpu.memory_space<vmem>>
    %dma_wait3A_185 = tpu.memref_squeeze %dma_wait3A_184 : memref<1x128xi32, #tpu.memory_space<vmem>> -> memref<128xi32, #tpu.memory_space<vmem>>
    %dma_wait3A_186 = arith.constant 0 : i32
    %dma_wait3A_187 = arith.constant 0 : i32
    %dma_wait3A_188 = tpu.memref_slice %arg2[%dma_wait3A_186, %dma_wait3A_187] : memref<10240x32xf32, #tpu.memory_space<hbm>> -> memref<10240x32xf32, #tpu.memory_space<hbm>>
    tpu.wait_indirect_dma semaphore(%arg8 : memref<!tpu.dma_semaphore, #tpu.memory_space<semaphore_mem>>) src(%dma_wait3A_188 : memref<10240x32xf32, #tpu.memory_space<hbm>>) dst(%dma_wait3A_182 : memref<128x32xf32, #tpu.memory_space<vmem>>)
    %dma_wait3A_189 = arith.constant 4 : i32
    %dma_wait3A_190 = arith.constant 512 : i32
    %dma_wait3A_191 = arith.constant 0 : i32
    %dma_wait3A_192 = tpu.memref_slice %arg6[%dma_wait3A_190, %dma_wait3A_191] : memref<1920x32xf32, #tpu.memory_space<vmem>> -> memref<128x32xf32, #tpu.memory_space<vmem>>
    %dma_wait3A_193 = arith.constant 0 : i32
    %dma_wait3A_194 = tpu.memref_slice %arg5[%dma_wait3A_189, %dma_wait3A_193] : memref<15x128xi32, #tpu.memory_space<vmem>> -> memref<1x128xi32, #tpu.memory_space<vmem>>
    %dma_wait3A_195 = tpu.memref_squeeze %dma_wait3A_194 : memref<1x128xi32, #tpu.memory_space<vmem>> -> memref<128xi32, #tpu.memory_space<vmem>>
    %dma_wait3A_196 = arith.constant 0 : i32
    %dma_wait3A_197 = arith.constant 0 : i32
    %dma_wait3A_198 = tpu.memref_slice %arg2[%dma_wait3A_196, %dma_wait3A_197] : memref<10240x32xf32, #tpu.memory_space<hbm>> -> memref<10240x32xf32, #tpu.memory_space<hbm>>
    tpu.wait_indirect_dma semaphore(%arg8 : memref<!tpu.dma_semaphore, #tpu.memory_space<semaphore_mem>>) src(%dma_wait3A_198 : memref<10240x32xf32, #tpu.memory_space<hbm>>) dst(%dma_wait3A_192 : memref<128x32xf32, #tpu.memory_space<vmem>>)
    %dma_wait3A_199 = arith.constant 5 : i32
    %dma_wait3A_200 = arith.constant 640 : i32
    %dma_wait3A_201 = arith.constant 0 : i32
    %dma_wait3A_202 = tpu.memref_slice %arg6[%dma_wait3A_200, %dma_wait3A_201] : memref<1920x32xf32, #tpu.memory_space<vmem>> -> memref<128x32xf32, #tpu.memory_space<vmem>>
    %dma_wait3A_203 = arith.constant 0 : i32
    %dma_wait3A_204 = tpu.memref_slice %arg5[%dma_wait3A_199, %dma_wait3A_203] : memref<15x128xi32, #tpu.memory_space<vmem>> -> memref<1x128xi32, #tpu.memory_space<vmem>>
    %dma_wait3A_205 = tpu.memref_squeeze %dma_wait3A_204 : memref<1x128xi32, #tpu.memory_space<vmem>> -> memref<128xi32, #tpu.memory_space<vmem>>
    %dma_wait3A_206 = arith.constant 0 : i32
    %dma_wait3A_207 = arith.constant 0 : i32
    %dma_wait3A_208 = tpu.memref_slice %arg2[%dma_wait3A_206, %dma_wait3A_207] : memref<10240x32xf32, #tpu.memory_space<hbm>> -> memref<10240x32xf32, #tpu.memory_space<hbm>>
    tpu.wait_indirect_dma semaphore(%arg8 : memref<!tpu.dma_semaphore, #tpu.memory_space<semaphore_mem>>) src(%dma_wait3A_208 : memref<10240x32xf32, #tpu.memory_space<hbm>>) dst(%dma_wait3A_202 : memref<128x32xf32, #tpu.memory_space<vmem>>)
    %dma_wait3A_209 = arith.constant 6 : i32
    %dma_wait3A_210 = arith.constant 768 : i32
    %dma_wait3A_211 = arith.constant 0 : i32
    %dma_wait3A_212 = tpu.memref_slice %arg6[%dma_wait3A_210, %dma_wait3A_211] : memref<1920x32xf32, #tpu.memory_space<vmem>> -> memref<128x32xf32, #tpu.memory_space<vmem>>
    %dma_wait3A_213 = arith.constant 0 : i32
    %dma_wait3A_214 = tpu.memref_slice %arg5[%dma_wait3A_209, %dma_wait3A_213] : memref<15x128xi32, #tpu.memory_space<vmem>> -> memref<1x128xi32, #tpu.memory_space<vmem>>
    %dma_wait3A_215 = tpu.memref_squeeze %dma_wait3A_214 : memref<1x128xi32, #tpu.memory_space<vmem>> -> memref<128xi32, #tpu.memory_space<vmem>>
    %dma_wait3A_216 = arith.constant 0 : i32
    %dma_wait3A_217 = arith.constant 0 : i32
    %dma_wait3A_218 = tpu.memref_slice %arg2[%dma_wait3A_216, %dma_wait3A_217] : memref<10240x32xf32, #tpu.memory_space<hbm>> -> memref<10240x32xf32, #tpu.memory_space<hbm>>
    tpu.wait_indirect_dma semaphore(%arg8 : memref<!tpu.dma_semaphore, #tpu.memory_space<semaphore_mem>>) src(%dma_wait3A_218 : memref<10240x32xf32, #tpu.memory_space<hbm>>) dst(%dma_wait3A_212 : memref<128x32xf32, #tpu.memory_space<vmem>>)
    %dma_wait3A_219 = arith.constant 7 : i32
    %dma_wait3A_220 = arith.constant 896 : i32
    %dma_wait3A_221 = arith.constant 0 : i32
    %dma_wait3A_222 = tpu.memref_slice %arg6[%dma_wait3A_220, %dma_wait3A_221] : memref<1920x32xf32, #tpu.memory_space<vmem>> -> memref<128x32xf32, #tpu.memory_space<vmem>>
    %dma_wait3A_223 = arith.constant 0 : i32
    %dma_wait3A_224 = tpu.memref_slice %arg5[%dma_wait3A_219, %dma_wait3A_223] : memref<15x128xi32, #tpu.memory_space<vmem>> -> memref<1x128xi32, #tpu.memory_space<vmem>>
    %dma_wait3A_225 = tpu.memref_squeeze %dma_wait3A_224 : memref<1x128xi32, #tpu.memory_space<vmem>> -> memref<128xi32, #tpu.memory_space<vmem>>
    %dma_wait3A_226 = arith.constant 0 : i32
    %dma_wait3A_227 = arith.constant 0 : i32
    %dma_wait3A_228 = tpu.memref_slice %arg2[%dma_wait3A_226, %dma_wait3A_227] : memref<10240x32xf32, #tpu.memory_space<hbm>> -> memref<10240x32xf32, #tpu.memory_space<hbm>>
    tpu.wait_indirect_dma semaphore(%arg8 : memref<!tpu.dma_semaphore, #tpu.memory_space<semaphore_mem>>) src(%dma_wait3A_228 : memref<10240x32xf32, #tpu.memory_space<hbm>>) dst(%dma_wait3A_222 : memref<128x32xf32, #tpu.memory_space<vmem>>)
    %dma_wait3A_229 = arith.constant 8 : i32
    %dma_wait3A_230 = arith.constant 1024 : i32
    %dma_wait3A_231 = arith.constant 0 : i32
    %dma_wait3A_232 = tpu.memref_slice %arg6[%dma_wait3A_230, %dma_wait3A_231] : memref<1920x32xf32, #tpu.memory_space<vmem>> -> memref<128x32xf32, #tpu.memory_space<vmem>>
    %dma_wait3A_233 = arith.constant 0 : i32
    %dma_wait3A_234 = tpu.memref_slice %arg5[%dma_wait3A_229, %dma_wait3A_233] : memref<15x128xi32, #tpu.memory_space<vmem>> -> memref<1x128xi32, #tpu.memory_space<vmem>>
    %dma_wait3A_235 = tpu.memref_squeeze %dma_wait3A_234 : memref<1x128xi32, #tpu.memory_space<vmem>> -> memref<128xi32, #tpu.memory_space<vmem>>
    %dma_wait3A_236 = arith.constant 0 : i32
    %dma_wait3A_237 = arith.constant 0 : i32
    %dma_wait3A_238 = tpu.memref_slice %arg2[%dma_wait3A_236, %dma_wait3A_237] : memref<10240x32xf32, #tpu.memory_space<hbm>> -> memref<10240x32xf32, #tpu.memory_space<hbm>>
    tpu.wait_indirect_dma semaphore(%arg8 : memref<!tpu.dma_semaphore, #tpu.memory_space<semaphore_mem>>) src(%dma_wait3A_238 : memref<10240x32xf32, #tpu.memory_space<hbm>>) dst(%dma_wait3A_232 : memref<128x32xf32, #tpu.memory_space<vmem>>)
    %dma_wait3A_239 = arith.constant 9 : i32
    %dma_wait3A_240 = arith.constant 1152 : i32
    %dma_wait3A_241 = arith.constant 0 : i32
    %dma_wait3A_242 = tpu.memref_slice %arg6[%dma_wait3A_240, %dma_wait3A_241] : memref<1920x32xf32, #tpu.memory_space<vmem>> -> memref<128x32xf32, #tpu.memory_space<vmem>>
    %dma_wait3A_243 = arith.constant 0 : i32
    %dma_wait3A_244 = tpu.memref_slice %arg5[%dma_wait3A_239, %dma_wait3A_243] : memref<15x128xi32, #tpu.memory_space<vmem>> -> memref<1x128xi32, #tpu.memory_space<vmem>>
    %dma_wait3A_245 = tpu.memref_squeeze %dma_wait3A_244 : memref<1x128xi32, #tpu.memory_space<vmem>> -> memref<128xi32, #tpu.memory_space<vmem>>
    %dma_wait3A_246 = arith.constant 0 : i32
    %dma_wait3A_247 = arith.constant 0 : i32
    %dma_wait3A_248 = tpu.memref_slice %arg2[%dma_wait3A_246, %dma_wait3A_247] : memref<10240x32xf32, #tpu.memory_space<hbm>> -> memref<10240x32xf32, #tpu.memory_space<hbm>>
    tpu.wait_indirect_dma semaphore(%arg8 : memref<!tpu.dma_semaphore, #tpu.memory_space<semaphore_mem>>) src(%dma_wait3A_248 : memref<10240x32xf32, #tpu.memory_space<hbm>>) dst(%dma_wait3A_242 : memref<128x32xf32, #tpu.memory_space<vmem>>)
    %dma_wait3A_249 = arith.constant 10 : i32
    %dma_wait3A_250 = arith.constant 1280 : i32
    %dma_wait3A_251 = arith.constant 0 : i32
    %dma_wait3A_252 = tpu.memref_slice %arg6[%dma_wait3A_250, %dma_wait3A_251] : memref<1920x32xf32, #tpu.memory_space<vmem>> -> memref<128x32xf32, #tpu.memory_space<vmem>>
    %dma_wait3A_253 = arith.constant 0 : i32
    %dma_wait3A_254 = tpu.memref_slice %arg5[%dma_wait3A_249, %dma_wait3A_253] : memref<15x128xi32, #tpu.memory_space<vmem>> -> memref<1x128xi32, #tpu.memory_space<vmem>>
    %dma_wait3A_255 = tpu.memref_squeeze %dma_wait3A_254 : memref<1x128xi32, #tpu.memory_space<vmem>> -> memref<128xi32, #tpu.memory_space<vmem>>
    %dma_wait3A_256 = arith.constant 0 : i32
    %dma_wait3A_257 = arith.constant 0 : i32
    %dma_wait3A_258 = tpu.memref_slice %arg2[%dma_wait3A_256, %dma_wait3A_257] : memref<10240x32xf32, #tpu.memory_space<hbm>> -> memref<10240x32xf32, #tpu.memory_space<hbm>>
    tpu.wait_indirect_dma semaphore(%arg8 : memref<!tpu.dma_semaphore, #tpu.memory_space<semaphore_mem>>) src(%dma_wait3A_258 : memref<10240x32xf32, #tpu.memory_space<hbm>>) dst(%dma_wait3A_252 : memref<128x32xf32, #tpu.memory_space<vmem>>)
    %dma_wait3A_259 = arith.constant 11 : i32
    %dma_wait3A_260 = arith.constant 1408 : i32
    %dma_wait3A_261 = arith.constant 0 : i32
    %dma_wait3A_262 = tpu.memref_slice %arg6[%dma_wait3A_260, %dma_wait3A_261] : memref<1920x32xf32, #tpu.memory_space<vmem>> -> memref<128x32xf32, #tpu.memory_space<vmem>>
    %dma_wait3A_263 = arith.constant 0 : i32
    %dma_wait3A_264 = tpu.memref_slice %arg5[%dma_wait3A_259, %dma_wait3A_263] : memref<15x128xi32, #tpu.memory_space<vmem>> -> memref<1x128xi32, #tpu.memory_space<vmem>>
    %dma_wait3A_265 = tpu.memref_squeeze %dma_wait3A_264 : memref<1x128xi32, #tpu.memory_space<vmem>> -> memref<128xi32, #tpu.memory_space<vmem>>
    %dma_wait3A_266 = arith.constant 0 : i32
    %dma_wait3A_267 = arith.constant 0 : i32
    %dma_wait3A_268 = tpu.memref_slice %arg2[%dma_wait3A_266, %dma_wait3A_267] : memref<10240x32xf32, #tpu.memory_space<hbm>> -> memref<10240x32xf32, #tpu.memory_space<hbm>>
    tpu.wait_indirect_dma semaphore(%arg8 : memref<!tpu.dma_semaphore, #tpu.memory_space<semaphore_mem>>) src(%dma_wait3A_268 : memref<10240x32xf32, #tpu.memory_space<hbm>>) dst(%dma_wait3A_262 : memref<128x32xf32, #tpu.memory_space<vmem>>)
    %dma_wait3A_269 = arith.constant 12 : i32
    %dma_wait3A_270 = arith.constant 1536 : i32
    %dma_wait3A_271 = arith.constant 0 : i32
    %dma_wait3A_272 = tpu.memref_slice %arg6[%dma_wait3A_270, %dma_wait3A_271] : memref<1920x32xf32, #tpu.memory_space<vmem>> -> memref<128x32xf32, #tpu.memory_space<vmem>>
    %dma_wait3A_273 = arith.constant 0 : i32
    %dma_wait3A_274 = tpu.memref_slice %arg5[%dma_wait3A_269, %dma_wait3A_273] : memref<15x128xi32, #tpu.memory_space<vmem>> -> memref<1x128xi32, #tpu.memory_space<vmem>>
    %dma_wait3A_275 = tpu.memref_squeeze %dma_wait3A_274 : memref<1x128xi32, #tpu.memory_space<vmem>> -> memref<128xi32, #tpu.memory_space<vmem>>
    %dma_wait3A_276 = arith.constant 0 : i32
    %dma_wait3A_277 = arith.constant 0 : i32
    %dma_wait3A_278 = tpu.memref_slice %arg2[%dma_wait3A_276, %dma_wait3A_277] : memref<10240x32xf32, #tpu.memory_space<hbm>> -> memref<10240x32xf32, #tpu.memory_space<hbm>>
    tpu.wait_indirect_dma semaphore(%arg8 : memref<!tpu.dma_semaphore, #tpu.memory_space<semaphore_mem>>) src(%dma_wait3A_278 : memref<10240x32xf32, #tpu.memory_space<hbm>>) dst(%dma_wait3A_272 : memref<128x32xf32, #tpu.memory_space<vmem>>)
    %dma_wait3A_279 = arith.constant 13 : i32
    %dma_wait3A_280 = arith.constant 1664 : i32
    %dma_wait3A_281 = arith.constant 0 : i32
    %dma_wait3A_282 = tpu.memref_slice %arg6[%dma_wait3A_280, %dma_wait3A_281] : memref<1920x32xf32, #tpu.memory_space<vmem>> -> memref<128x32xf32, #tpu.memory_space<vmem>>
    %dma_wait3A_283 = arith.constant 0 : i32
    %dma_wait3A_284 = tpu.memref_slice %arg5[%dma_wait3A_279, %dma_wait3A_283] : memref<15x128xi32, #tpu.memory_space<vmem>> -> memref<1x128xi32, #tpu.memory_space<vmem>>
    %dma_wait3A_285 = tpu.memref_squeeze %dma_wait3A_284 : memref<1x128xi32, #tpu.memory_space<vmem>> -> memref<128xi32, #tpu.memory_space<vmem>>
    %dma_wait3A_286 = arith.constant 0 : i32
    %dma_wait3A_287 = arith.constant 0 : i32
    %dma_wait3A_288 = tpu.memref_slice %arg2[%dma_wait3A_286, %dma_wait3A_287] : memref<10240x32xf32, #tpu.memory_space<hbm>> -> memref<10240x32xf32, #tpu.memory_space<hbm>>
    tpu.wait_indirect_dma semaphore(%arg8 : memref<!tpu.dma_semaphore, #tpu.memory_space<semaphore_mem>>) src(%dma_wait3A_288 : memref<10240x32xf32, #tpu.memory_space<hbm>>) dst(%dma_wait3A_282 : memref<128x32xf32, #tpu.memory_space<vmem>>)
    %dma_wait3A_289 = arith.constant 14 : i32
    %dma_wait3A_290 = arith.constant 1792 : i32
    %dma_wait3A_291 = arith.constant 0 : i32
    %dma_wait3A_292 = tpu.memref_slice %arg6[%dma_wait3A_290, %dma_wait3A_291] : memref<1920x32xf32, #tpu.memory_space<vmem>> -> memref<128x32xf32, #tpu.memory_space<vmem>>
    %dma_wait3A_293 = arith.constant 0 : i32
    %dma_wait3A_294 = tpu.memref_slice %arg5[%dma_wait3A_289, %dma_wait3A_293] : memref<15x128xi32, #tpu.memory_space<vmem>> -> memref<1x128xi32, #tpu.memory_space<vmem>>
    %dma_wait3A_295 = tpu.memref_squeeze %dma_wait3A_294 : memref<1x128xi32, #tpu.memory_space<vmem>> -> memref<128xi32, #tpu.memory_space<vmem>>
    %dma_wait3A_296 = arith.constant 0 : i32
    %dma_wait3A_297 = arith.constant 0 : i32
    %dma_wait3A_298 = tpu.memref_slice %arg2[%dma_wait3A_296, %dma_wait3A_297] : memref<10240x32xf32, #tpu.memory_space<hbm>> -> memref<10240x32xf32, #tpu.memory_space<hbm>>
    tpu.wait_indirect_dma semaphore(%arg8 : memref<!tpu.dma_semaphore, #tpu.memory_space<semaphore_mem>>) src(%dma_wait3A_298 : memref<10240x32xf32, #tpu.memory_space<hbm>>) dst(%dma_wait3A_292 : memref<128x32xf32, #tpu.memory_space<vmem>>)
    %scan3A = arith.constant 0 : i32
    %scan3A_299 = arith.constant 0 : i32
    %scan3A_300 = arith.constant 320 : i32
    %scan3A_301 = arith.addi %scan3A_299, %scan3A_300 : i32
    %scan3A_302 = arith.constant 1 : i32
    scf.for %scan3A_306 = %scan3A_299 to %scan3A_301 step %scan3A_302  : i32 {
      %mul3A_307 = arith.constant 6 : i32
      %mul3A_308 = arith.muli %scan3A_306, %mul3A_307 : i32
      %get3A = arith.index_cast %mul3A_308 : i32 to index
      %get3A_309 = arith.constant 0 : index
      %get3A_310 = tpu.vector_load %arg6[%get3A, %get3A_309] {strides = array<i32>} : memref<1920x32xf32, #tpu.memory_space<vmem>>, vector<1x16xf32>,
      %get3A_311 = vector.shape_cast %get3A_310 : vector<1x16xf32> to vector<16xf32>
      %add3A_312 = arith.constant 1 : i32
      %add3A_313 = arith.addi %mul3A_308, %add3A_312 : i32
      %get3A_314 = arith.index_cast %add3A_313 : i32 to index
      %get3A_315 = arith.constant 0 : index
      %get3A_316 = tpu.vector_load %arg6[%get3A_314, %get3A_315] {strides = array<i32>} : memref<1920x32xf32, #tpu.memory_space<vmem>>, vector<1x16xf32>,
      %get3A_317 = vector.shape_cast %get3A_316 : vector<1x16xf32> to vector<16xf32>
      %max3A = arith.maximumf %get3A_311, %get3A_317 : vector<16xf32>
      %add3A_318 = arith.constant 2 : i32
      %add3A_319 = arith.addi %mul3A_308, %add3A_318 : i32
      %get3A_320 = arith.index_cast %add3A_319 : i32 to index
      %get3A_321 = arith.constant 0 : index
      %get3A_322 = tpu.vector_load %arg6[%get3A_320, %get3A_321] {strides = array<i32>} : memref<1920x32xf32, #tpu.memory_space<vmem>>, vector<1x16xf32>,
      %get3A_323 = vector.shape_cast %get3A_322 : vector<1x16xf32> to vector<16xf32>
      %max3A_324 = arith.maximumf %max3A, %get3A_323 : vector<16xf32>
      %add3A_325 = arith.constant 3 : i32
      %add3A_326 = arith.addi %mul3A_308, %add3A_325 : i32
      %get3A_327 = arith.index_cast %add3A_326 : i32 to index
      %get3A_328 = arith.constant 0 : index
      %get3A_329 = tpu.vector_load %arg6[%get3A_327, %get3A_328] {strides = array<i32>} : memref<1920x32xf32, #tpu.memory_space<vmem>>, vector<1x16xf32>,
      %get3A_330 = vector.shape_cast %get3A_329 : vector<1x16xf32> to vector<16xf32>
      %max3A_331 = arith.maximumf %max3A_324, %get3A_330 : vector<16xf32>
      %add3A_332 = arith.constant 4 : i32
      %add3A_333 = arith.addi %mul3A_308, %add3A_332 : i32
      %get3A_334 = arith.index_cast %add3A_333 : i32 to index
      %get3A_335 = arith.constant 0 : index
      %get3A_336 = tpu.vector_load %arg6[%get3A_334, %get3A_335] {strides = array<i32>} : memref<1920x32xf32, #tpu.memory_space<vmem>>, vector<1x16xf32>,
      %get3A_337 = vector.shape_cast %get3A_336 : vector<1x16xf32> to vector<16xf32>
      %max3A_338 = arith.maximumf %max3A_331, %get3A_337 : vector<16xf32>
      %add3A_339 = arith.constant 5 : i32
      %add3A_340 = arith.addi %mul3A_308, %add3A_339 : i32
      %get3A_341 = arith.index_cast %add3A_340 : i32 to index
      %get3A_342 = arith.constant 0 : index
      %get3A_343 = tpu.vector_load %arg6[%get3A_341, %get3A_342] {strides = array<i32>} : memref<1920x32xf32, #tpu.memory_space<vmem>>, vector<1x16xf32>,
      %get3A_344 = vector.shape_cast %get3A_343 : vector<1x16xf32> to vector<16xf32>
      %max3A_345 = arith.maximumf %max3A_338, %get3A_344 : vector<16xf32>
      %max3A_346 = arith.constant 0.000000e+00 : f32
      %max3A_347 = vector.broadcast %max3A_346 : f32 to vector<16xf32>
      %max3A_348 = arith.maximumf %max3A_345, %max3A_347 : vector<16xf32>
      %swap3A = arith.index_cast %scan3A_306 : i32 to index
      %swap3A_349 = arith.constant 0 : index
      %swap3A_350 = tpu.vector_load %arg7[%swap3A, %swap3A_349] {strides = array<i32>} : memref<320x32xf32, #tpu.memory_space<vmem>>, vector<1x16xf32>,
      %swap3A_351 = vector.shape_cast %swap3A_350 : vector<1x16xf32> to vector<16xf32>
      %swap3A_352 = vector.shape_cast %max3A_348 : vector<16xf32> to vector<1x16xf32>
      tpu.vector_store %arg7[%swap3A, %swap3A_349], %swap3A_352 {strides = array<i32>} : memref<320x32xf32, #tpu.memory_space<vmem>>, vector<1x16xf32>,
      %get3A_353 = arith.index_cast %mul3A_308 : i32 to index
      %get3A_354 = arith.constant 16 : index
      %get3A_355 = tpu.vector_load %arg6[%get3A_353, %get3A_354] {strides = array<i32>} : memref<1920x32xf32, #tpu.memory_space<vmem>>, vector<1x16xf32>,
      %get3A_356 = vector.shape_cast %get3A_355 : vector<1x16xf32> to vector<16xf32>
      %add3A_357 = arith.constant 1 : i32
      %add3A_358 = arith.addi %mul3A_308, %add3A_357 : i32
      %get3A_359 = arith.index_cast %add3A_358 : i32 to index
      %get3A_360 = arith.constant 16 : index
      %get3A_361 = tpu.vector_load %arg6[%get3A_359, %get3A_360] {strides = array<i32>} : memref<1920x32xf32, #tpu.memory_space<vmem>>, vector<1x16xf32>,
      %get3A_362 = vector.shape_cast %get3A_361 : vector<1x16xf32> to vector<16xf32>
      %max3A_363 = arith.maximumf %get3A_356, %get3A_362 : vector<16xf32>
      %add3A_364 = arith.constant 2 : i32
      %add3A_365 = arith.addi %mul3A_308, %add3A_364 : i32
      %get3A_366 = arith.index_cast %add3A_365 : i32 to index
      %get3A_367 = arith.constant 16 : index
      %get3A_368 = tpu.vector_load %arg6[%get3A_366, %get3A_367] {strides = array<i32>} : memref<1920x32xf32, #tpu.memory_space<vmem>>, vector<1x16xf32>,
      %get3A_369 = vector.shape_cast %get3A_368 : vector<1x16xf32> to vector<16xf32>
      %max3A_370 = arith.maximumf %max3A_363, %get3A_369 : vector<16xf32>
      %add3A_371 = arith.constant 3 : i32
      %add3A_372 = arith.addi %mul3A_308, %add3A_371 : i32
      %get3A_373 = arith.index_cast %add3A_372 : i32 to index
      %get3A_374 = arith.constant 16 : index
      %get3A_375 = tpu.vector_load %arg6[%get3A_373, %get3A_374] {strides = array<i32>} : memref<1920x32xf32, #tpu.memory_space<vmem>>, vector<1x16xf32>,
      %get3A_376 = vector.shape_cast %get3A_375 : vector<1x16xf32> to vector<16xf32>
      %max3A_377 = arith.maximumf %max3A_370, %get3A_376 : vector<16xf32>
      %add3A_378 = arith.constant 4 : i32
      %add3A_379 = arith.addi %mul3A_308, %add3A_378 : i32
      %get3A_380 = arith.index_cast %add3A_379 : i32 to index
      %get3A_381 = arith.constant 16 : index
      %get3A_382 = tpu.vector_load %arg6[%get3A_380, %get3A_381] {strides = array<i32>} : memref<1920x32xf32, #tpu.memory_space<vmem>>, vector<1x16xf32>,
      %get3A_383 = vector.shape_cast %get3A_382 : vector<1x16xf32> to vector<16xf32>
      %max3A_384 = arith.maximumf %max3A_377, %get3A_383 : vector<16xf32>
      %add3A_385 = arith.constant 5 : i32
      %add3A_386 = arith.addi %mul3A_308, %add3A_385 : i32
      %get3A_387 = arith.index_cast %add3A_386 : i32 to index
      %get3A_388 = arith.constant 16 : index
      %get3A_389 = tpu.vector_load %arg6[%get3A_387, %get3A_388] {strides = array<i32>} : memref<1920x32xf32, #tpu.memory_space<vmem>>, vector<1x16xf32>,
      %get3A_390 = vector.shape_cast %get3A_389 : vector<1x16xf32> to vector<16xf32>
      %max3A_391 = arith.maximumf %max3A_384, %get3A_390 : vector<16xf32>
      %max3A_392 = arith.constant 0.000000e+00 : f32
      %max3A_393 = vector.broadcast %max3A_392 : f32 to vector<16xf32>
      %max3A_394 = arith.maximumf %max3A_391, %max3A_393 : vector<16xf32>
      %swap3A_395 = arith.index_cast %scan3A_306 : i32 to index
      %swap3A_396 = arith.constant 16 : index
      %swap3A_397 = tpu.vector_load %arg7[%swap3A_395, %swap3A_396] {strides = array<i32>} : memref<320x32xf32, #tpu.memory_space<vmem>>, vector<1x16xf32>,
      %swap3A_398 = vector.shape_cast %swap3A_397 : vector<1x16xf32> to vector<16xf32>
      %swap3A_399 = vector.shape_cast %max3A_394 : vector<16xf32> to vector<1x16xf32>
      tpu.vector_store %arg7[%swap3A_395, %swap3A_396], %swap3A_399 {strides = array<i32>} : memref<320x32xf32, #tpu.memory_space<vmem>>, vector<1x16xf32>,
    }
    %scan3A_303 = arith.constant 320 : i32
    %mul3A_304 = arith.constant 320 : i32
    %mul3A_305 = arith.muli %add3A, %mul3A_304 : i32
    "tpu.region"() ({
      %run_scoped3A = tpu.sem_alloc : memref<!tpu.dma_semaphore, #tpu.memory_space<semaphore_mem>>
      %dma_start3A_306 = arith.constant 0 : i32
      %dma_start3A_307 = tpu.memref_slice %arg4[%mul3A_305, %dma_start3A_306] : memref<10240x32xf32, #tpu.memory_space<hbm>> -> memref<320x32xf32, #tpu.memory_space<hbm>>
      %dma_start3A_308 = arith.constant 0 : i32
      %dma_start3A_309 = tpu.memref_slice %arg4[%mul3A_305, %dma_start3A_308] : memref<10240x32xf32, #tpu.memory_space<hbm>> -> memref<320x32xf32, #tpu.memory_space<hbm>>
      tpu.enqueue_dma source(%arg7 : memref<320x32xf32, #tpu.memory_space<vmem>>) target(%dma_start3A_309 : memref<320x32xf32, #tpu.memory_space<hbm>>) target_semaphore(%run_scoped3A : memref<!tpu.dma_semaphore, #tpu.memory_space<semaphore_mem>>)
      %dma_wait3A_310 = arith.constant 0 : i32
      %dma_wait3A_311 = tpu.memref_slice %arg4[%mul3A_305, %dma_wait3A_310] : memref<10240x32xf32, #tpu.memory_space<hbm>> -> memref<320x32xf32, #tpu.memory_space<hbm>>
      %dma_wait3A_312 = arith.constant 0 : i32
      %dma_wait3A_313 = tpu.memref_slice %arg4[%mul3A_305, %dma_wait3A_312] : memref<10240x32xf32, #tpu.memory_space<hbm>> -> memref<320x32xf32, #tpu.memory_space<hbm>>
      tpu.wait_dma2 semaphore(%run_scoped3A : memref<!tpu.dma_semaphore, #tpu.memory_space<semaphore_mem>>) src(%arg7 : memref<320x32xf32, #tpu.memory_space<vmem>>) dst(%dma_wait3A_313 : memref<320x32xf32, #tpu.memory_space<hbm>>)
      tpu.yield
    }) : () -> ()
    return
  }
}

module attributes {stable_mosaic.version = 14 : i64} {
  func.func @_knn_body(%arg0: i32, %arg1: memref<50x2xi32, #tpu.memory_space<smem>>, %arg2: memref<200x3xf32, #tpu.memory_space<vmem>>, %arg3: memref<200x1xi32, #tpu.memory_space<vmem>>, %arg4: memref<20x3x512xf32, #tpu.memory_space<vmem>>, %arg5: memref<20x1x512xi32, #tpu.memory_space<vmem>>, %arg6: memref<200x6xi32, #tpu.memory_space<vmem>>, %arg7: memref<20x200x512xf32, #tpu.memory_space<vmem>>) attributes {dimension_semantics = [#tpu.dimension_semantics<arbitrary>], iteration_bounds = array<i64: 50>, scalar_prefetch = 0 : i64, scratch_operands = 1 : i64, tpu.core_type = #tpu.core_type<tc>, window_params = [{transform_indices = @transform_0, window_bounds = array<i64: 50, 2>}, {transform_indices = @transform_1, window_bounds = array<i64: 200, 3>}, {transform_indices = @transform_2, window_bounds = array<i64: 200, 1>}, {pipeline_mode = #tpu.pipeline_mode<synchronous>, transform_indices = @transform_3, window_bounds = array<i64: 20, 3, 512>}, {pipeline_mode = #tpu.pipeline_mode<synchronous>, transform_indices = @transform_4, window_bounds = array<i64: 20, 1, 512>}, {transform_indices = @transform_5, window_bounds = array<i64: 200, 6>}]} {
    %get3A = arith.index_cast %arg0 : i32 to index
    %get3A_0 = arith.constant 0 : index
    %get3A_1 = memref.load %arg1[%get3A, %get3A_0] : memref<50x2xi32, #tpu.memory_space<smem>>
    %get3A_2 = arith.index_cast %arg0 : i32 to index
    %get3A_3 = arith.constant 1 : index
    %get3A_4 = memref.load %arg1[%get3A_2, %get3A_3] : memref<50x2xi32, #tpu.memory_space<smem>>
    %get3A_5 = arith.constant 0 : index
    %get3A_6 = arith.constant 0 : index
    %get3A_7 = vector.load %arg3[%get3A_5, %get3A_6] : memref<200x1xi32, #tpu.memory_space<vmem>>, vector<200x1xi32>
    %get3A_8 = arith.constant 0 : index
    %get3A_9 = arith.constant 0 : index
    %get3A_10 = vector.load %arg2[%get3A_8, %get3A_9] : memref<200x3xf32, #tpu.memory_space<vmem>>, vector<200x1xf32>
    %get3A_11 = arith.constant 0 : index
    %get3A_12 = arith.constant 1 : index
    %get3A_13 = vector.load %arg2[%get3A_11, %get3A_12] : memref<200x3xf32, #tpu.memory_space<vmem>>, vector<200x1xf32>
    %get3A_14 = arith.constant 0 : index
    %get3A_15 = arith.constant 2 : index
    %get3A_16 = vector.load %arg2[%get3A_14, %get3A_15] : memref<200x3xf32, #tpu.memory_space<vmem>>, vector<200x1xf32>
    %while3A = arith.constant 0 : i32
    %while3A_17 = arith.subi %get3A_4, %get3A_1 : i32
    %while3A_18 = arith.addi %get3A_1, %while3A_17 : i32
    %while3A_19 = arith.constant 1 : i32
    %while3A_20 = arith.divsi %while3A_17, %while3A_19 : i32
    %while3A_21 = arith.muli %while3A_20, %while3A_19 : i32
    %while3A_22 = arith.addi %get3A_1, %while3A_21 : i32
    %while3A_23 = arith.constant 1 : i32
    scf.for %while3A_125 = %get3A_1 to %while3A_22 step %while3A_23  : i32 {
      %get3A_126 = arith.index_cast %while3A_125 : i32 to index
      %get3A_127 = arith.constant 0 : index
      %get3A_128 = arith.constant 0 : index
      %get3A_129 = vector.load %arg4[%get3A_126, %get3A_127, %get3A_128] : memref<20x3x512xf32, #tpu.memory_space<vmem>>, vector<1x3x512xf32>
      %get3A_130 = vector.shape_cast %get3A_129 : vector<1x3x512xf32> to vector<3x512xf32>
      %slice3A = vector.extract_strided_slice %get3A_130 {offsets = [0, 0], sizes = [1, 512], strides = [1, 1]} : vector<3x512xf32> to vector<1x512xf32>
      %slice3A_131 = vector.extract_strided_slice %get3A_130 {offsets = [1, 0], sizes = [1, 512], strides = [1, 1]} : vector<3x512xf32> to vector<1x512xf32>
      %slice3A_132 = vector.extract_strided_slice %get3A_130 {offsets = [2, 0], sizes = [1, 512], strides = [1, 1]} : vector<3x512xf32> to vector<1x512xf32>
      %sub3A = vector.broadcast %get3A_10 : vector<200x1xf32> to vector<200x512xf32>
      %sub3A_133 = vector.broadcast %slice3A : vector<1x512xf32> to vector<200x512xf32>
      %sub3A_134 = arith.subf %sub3A, %sub3A_133 : vector<200x512xf32>
      %integer_pow3A = arith.mulf %sub3A_134, %sub3A_134 : vector<200x512xf32>
      %sub3A_135 = vector.broadcast %get3A_13 : vector<200x1xf32> to vector<200x512xf32>
      %sub3A_136 = vector.broadcast %slice3A_131 : vector<1x512xf32> to vector<200x512xf32>
      %sub3A_137 = arith.subf %sub3A_135, %sub3A_136 : vector<200x512xf32>
      %integer_pow3A_138 = arith.mulf %sub3A_137, %sub3A_137 : vector<200x512xf32>
      %add3A = arith.addf %integer_pow3A, %integer_pow3A_138 : vector<200x512xf32>
      %sub3A_139 = vector.broadcast %get3A_16 : vector<200x1xf32> to vector<200x512xf32>
      %sub3A_140 = vector.broadcast %slice3A_132 : vector<1x512xf32> to vector<200x512xf32>
      %sub3A_141 = arith.subf %sub3A_139, %sub3A_140 : vector<200x512xf32>
      %integer_pow3A_142 = arith.mulf %sub3A_141, %sub3A_141 : vector<200x512xf32>
      %add3A_143 = arith.addf %add3A, %integer_pow3A_142 : vector<200x512xf32>
      %get3A_144 = arith.index_cast %while3A_125 : i32 to index
      %get3A_145 = arith.constant 0 : index
      %get3A_146 = arith.constant 0 : index
      %get3A_147 = vector.load %arg5[%get3A_144, %get3A_145, %get3A_146] : memref<20x1x512xi32, #tpu.memory_space<vmem>>, vector<1x1x512xi32>
      %get3A_148 = vector.shape_cast %get3A_147 : vector<1x1x512xi32> to vector<1x512xi32>
      %ne3A = vector.broadcast %get3A_7 : vector<200x1xi32> to vector<200x512xi32>
      %ne3A_149 = vector.broadcast %get3A_148 : vector<1x512xi32> to vector<200x512xi32>
      %ne3A_150 = arith.cmpi ne, %ne3A, %ne3A_149 : vector<200x512xi32>
      %jit3A = arith.constant 0x7F800000 : f32
      %broadcast_in_dim3A_151 = vector.broadcast %jit3A : f32 to vector<200x512xf32>
      %select_n3A = arith.select %ne3A_150, %broadcast_in_dim3A_151, %add3A_143 : vector<200x512xi1>, vector<200x512xf32>
      %swap3A_152 = arith.index_cast %while3A_125 : i32 to index
      %swap3A_153 = arith.constant 0 : index
      %swap3A_154 = arith.constant 0 : index
      %swap3A_155 = vector.load %arg7[%swap3A_152, %swap3A_153, %swap3A_154] : memref<20x200x512xf32, #tpu.memory_space<vmem>>, vector<1x200x512xf32>
      %swap3A_156 = vector.shape_cast %swap3A_155 : vector<1x200x512xf32> to vector<200x512xf32>
      %swap3A_157 = vector.shape_cast %select_n3A : vector<200x512xf32> to vector<1x200x512xf32>
      tpu.vector_store %arg7[%swap3A_152, %swap3A_153, %swap3A_154], %swap3A_157 {strides = array<i32>} : memref<20x200x512xf32, #tpu.memory_space<vmem>>, vector<1x200x512xf32>,
    }
    %while3A_24 = arith.constant 1 : i32
    scf.for %while3A_125 = %while3A_22 to %while3A_18 step %while3A_24  : i32 {
      %get3A_126 = arith.index_cast %while3A_125 : i32 to index
      %get3A_127 = arith.constant 0 : index
      %get3A_128 = arith.constant 0 : index
      %get3A_129 = vector.load %arg4[%get3A_126, %get3A_127, %get3A_128] : memref<20x3x512xf32, #tpu.memory_space<vmem>>, vector<1x3x512xf32>
      %get3A_130 = vector.shape_cast %get3A_129 : vector<1x3x512xf32> to vector<3x512xf32>
      %slice3A = vector.extract_strided_slice %get3A_130 {offsets = [0, 0], sizes = [1, 512], strides = [1, 1]} : vector<3x512xf32> to vector<1x512xf32>
      %slice3A_131 = vector.extract_strided_slice %get3A_130 {offsets = [1, 0], sizes = [1, 512], strides = [1, 1]} : vector<3x512xf32> to vector<1x512xf32>
      %slice3A_132 = vector.extract_strided_slice %get3A_130 {offsets = [2, 0], sizes = [1, 512], strides = [1, 1]} : vector<3x512xf32> to vector<1x512xf32>
      %sub3A = vector.broadcast %get3A_10 : vector<200x1xf32> to vector<200x512xf32>
      %sub3A_133 = vector.broadcast %slice3A : vector<1x512xf32> to vector<200x512xf32>
      %sub3A_134 = arith.subf %sub3A, %sub3A_133 : vector<200x512xf32>
      %integer_pow3A = arith.mulf %sub3A_134, %sub3A_134 : vector<200x512xf32>
      %sub3A_135 = vector.broadcast %get3A_13 : vector<200x1xf32> to vector<200x512xf32>
      %sub3A_136 = vector.broadcast %slice3A_131 : vector<1x512xf32> to vector<200x512xf32>
      %sub3A_137 = arith.subf %sub3A_135, %sub3A_136 : vector<200x512xf32>
      %integer_pow3A_138 = arith.mulf %sub3A_137, %sub3A_137 : vector<200x512xf32>
      %add3A = arith.addf %integer_pow3A, %integer_pow3A_138 : vector<200x512xf32>
      %sub3A_139 = vector.broadcast %get3A_16 : vector<200x1xf32> to vector<200x512xf32>
      %sub3A_140 = vector.broadcast %slice3A_132 : vector<1x512xf32> to vector<200x512xf32>
      %sub3A_141 = arith.subf %sub3A_139, %sub3A_140 : vector<200x512xf32>
      %integer_pow3A_142 = arith.mulf %sub3A_141, %sub3A_141 : vector<200x512xf32>
      %add3A_143 = arith.addf %add3A, %integer_pow3A_142 : vector<200x512xf32>
      %get3A_144 = arith.index_cast %while3A_125 : i32 to index
      %get3A_145 = arith.constant 0 : index
      %get3A_146 = arith.constant 0 : index
      %get3A_147 = vector.load %arg5[%get3A_144, %get3A_145, %get3A_146] : memref<20x1x512xi32, #tpu.memory_space<vmem>>, vector<1x1x512xi32>
      %get3A_148 = vector.shape_cast %get3A_147 : vector<1x1x512xi32> to vector<1x512xi32>
      %ne3A = vector.broadcast %get3A_7 : vector<200x1xi32> to vector<200x512xi32>
      %ne3A_149 = vector.broadcast %get3A_148 : vector<1x512xi32> to vector<200x512xi32>
      %ne3A_150 = arith.cmpi ne, %ne3A, %ne3A_149 : vector<200x512xi32>
      %jit3A = arith.constant 0x7F800000 : f32
      %broadcast_in_dim3A_151 = vector.broadcast %jit3A : f32 to vector<200x512xf32>
      %select_n3A = arith.select %ne3A_150, %broadcast_in_dim3A_151, %add3A_143 : vector<200x512xi1>, vector<200x512xf32>
      %swap3A_152 = arith.index_cast %while3A_125 : i32 to index
      %swap3A_153 = arith.constant 0 : index
      %swap3A_154 = arith.constant 0 : index
      %swap3A_155 = vector.load %arg7[%swap3A_152, %swap3A_153, %swap3A_154] : memref<20x200x512xf32, #tpu.memory_space<vmem>>, vector<1x200x512xf32>
      %swap3A_156 = vector.shape_cast %swap3A_155 : vector<1x200x512xf32> to vector<200x512xf32>
      %swap3A_157 = vector.shape_cast %select_n3A : vector<200x512xf32> to vector<1x200x512xf32>
      tpu.vector_store %arg7[%swap3A_152, %swap3A_153, %swap3A_154], %swap3A_157 {strides = array<i32>} : memref<20x200x512xf32, #tpu.memory_space<vmem>>, vector<1x200x512xf32>,
    }
    %iota3A = tpu.iota {dimensions = array<i32: 1>} : vector<200x512xi32>
    %broadcast_in_dim3A = arith.constant 0x7F800000 : f32
    %broadcast_in_dim3A_25 = vector.broadcast %broadcast_in_dim3A : f32 to vector<200x1xf32>
    %broadcast_in_dim3A_26 = arith.constant -1 : i32
    %broadcast_in_dim3A_27 = vector.broadcast %broadcast_in_dim3A_26 : i32 to vector<200x1xi32>
    %while3A_28 = arith.subi %get3A_4, %get3A_1 : i32
    %while3A_29 = arith.addi %get3A_1, %while3A_28 : i32
    %while3A_30 = arith.constant 1 : i32
    %while3A_31 = arith.divsi %while3A_28, %while3A_30 : i32
    %while3A_32 = arith.muli %while3A_31, %while3A_30 : i32
    %while3A_33 = arith.addi %get3A_1, %while3A_32 : i32
    %while3A_34 = arith.constant 1 : i32
    %while3A_35:2 = scf.for %while3A_125 = %get3A_1 to %while3A_33 step %while3A_34 iter_args(%while3A_126 = %broadcast_in_dim3A_25, %while3A_127 = %broadcast_in_dim3A_27) -> (vector<200x1xf32>, vector<200x1xi32>)  : i32 {
      %get3A_128 = arith.index_cast %while3A_125 : i32 to index
      %get3A_129 = arith.constant 0 : index
      %get3A_130 = arith.constant 0 : index
      %get3A_131 = vector.load %arg7[%get3A_128, %get3A_129, %get3A_130] : memref<20x200x512xf32, #tpu.memory_space<vmem>>, vector<1x200x512xf32>
      %get3A_132 = vector.shape_cast %get3A_131 : vector<1x200x512xf32> to vector<200x512xf32>
      %mul3A = arith.constant 512 : i32
      %mul3A_133 = arith.muli %while3A_125, %mul3A : i32
      %add3A = vector.broadcast %mul3A_133 : i32 to vector<200x512xi32>
      %add3A_134 = arith.addi %iota3A, %add3A : vector<200x512xi32>
      %reduce_min3A = arith.constant dense<0x7F800000> : vector<200xf32>
      %reduce_min3A_135 = vector.multi_reduction <minimumf>, %get3A_132, %reduce_min3A [1] : vector<200x512xf32> to vector<200xf32>
      %broadcast_in_dim3A_136 = vector.shape_cast %reduce_min3A_135 : vector<200xf32> to vector<200x1xf32>
      %eq3A = vector.broadcast %broadcast_in_dim3A_136 : vector<200x1xf32> to vector<200x512xf32>
      %eq3A_137 = arith.cmpf oeq, %get3A_132, %eq3A : vector<200x512xf32>
      %jit3A = arith.constant 1073741824 : i32
      %broadcast_in_dim3A_138 = vector.broadcast %jit3A : i32 to vector<200x512xi32>
      %select_n3A = arith.select %eq3A_137, %add3A_134, %broadcast_in_dim3A_138 : vector<200x512xi1>, vector<200x512xi32>
      %reduce_min3A_139 = arith.constant dense<2147483647> : vector<200xi32>
      %reduce_min3A_140 = vector.multi_reduction <minsi>, %select_n3A, %reduce_min3A_139 [1] : vector<200x512xi32> to vector<200xi32>
      %broadcast_in_dim3A_141 = vector.shape_cast %reduce_min3A_140 : vector<200xi32> to vector<200x1xi32>
      %lt3A = arith.cmpf olt, %broadcast_in_dim3A_136, %while3A_126 : vector<200x1xf32>
      %select_n3A_142 = arith.select %lt3A, %broadcast_in_dim3A_136, %while3A_126 : vector<200x1xi1>, vector<200x1xf32>
      %select_n3A_143 = arith.select %lt3A, %broadcast_in_dim3A_141, %while3A_127 : vector<200x1xi1>, vector<200x1xi32>
      scf.yield %select_n3A_142, %select_n3A_143 : vector<200x1xf32>, vector<200x1xi32>
    }
    %while3A_36 = arith.constant 1 : i32
    %while3A_37:2 = scf.for %while3A_125 = %while3A_33 to %while3A_29 step %while3A_36 iter_args(%while3A_126 = %while3A_35#0, %while3A_127 = %while3A_35#1) -> (vector<200x1xf32>, vector<200x1xi32>)  : i32 {
      %get3A_128 = arith.index_cast %while3A_125 : i32 to index
      %get3A_129 = arith.constant 0 : index
      %get3A_130 = arith.constant 0 : index
      %get3A_131 = vector.load %arg7[%get3A_128, %get3A_129, %get3A_130] : memref<20x200x512xf32, #tpu.memory_space<vmem>>, vector<1x200x512xf32>
      %get3A_132 = vector.shape_cast %get3A_131 : vector<1x200x512xf32> to vector<200x512xf32>
      %mul3A = arith.constant 512 : i32
      %mul3A_133 = arith.muli %while3A_125, %mul3A : i32
      %add3A = vector.broadcast %mul3A_133 : i32 to vector<200x512xi32>
      %add3A_134 = arith.addi %iota3A, %add3A : vector<200x512xi32>
      %reduce_min3A = arith.constant dense<0x7F800000> : vector<200xf32>
      %reduce_min3A_135 = vector.multi_reduction <minimumf>, %get3A_132, %reduce_min3A [1] : vector<200x512xf32> to vector<200xf32>
      %broadcast_in_dim3A_136 = vector.shape_cast %reduce_min3A_135 : vector<200xf32> to vector<200x1xf32>
      %eq3A = vector.broadcast %broadcast_in_dim3A_136 : vector<200x1xf32> to vector<200x512xf32>
      %eq3A_137 = arith.cmpf oeq, %get3A_132, %eq3A : vector<200x512xf32>
      %jit3A = arith.constant 1073741824 : i32
      %broadcast_in_dim3A_138 = vector.broadcast %jit3A : i32 to vector<200x512xi32>
      %select_n3A = arith.select %eq3A_137, %add3A_134, %broadcast_in_dim3A_138 : vector<200x512xi1>, vector<200x512xi32>
      %reduce_min3A_139 = arith.constant dense<2147483647> : vector<200xi32>
      %reduce_min3A_140 = vector.multi_reduction <minsi>, %select_n3A, %reduce_min3A_139 [1] : vector<200x512xi32> to vector<200xi32>
      %broadcast_in_dim3A_141 = vector.shape_cast %reduce_min3A_140 : vector<200xi32> to vector<200x1xi32>
      %lt3A = arith.cmpf olt, %broadcast_in_dim3A_136, %while3A_126 : vector<200x1xf32>
      %select_n3A_142 = arith.select %lt3A, %broadcast_in_dim3A_136, %while3A_126 : vector<200x1xi1>, vector<200x1xf32>
      %select_n3A_143 = arith.select %lt3A, %broadcast_in_dim3A_141, %while3A_127 : vector<200x1xi1>, vector<200x1xi32>
      scf.yield %select_n3A_142, %select_n3A_143 : vector<200x1xf32>, vector<200x1xi32>
    }
    %swap3A = arith.constant 0 : index
    %swap3A_38 = arith.constant 0 : index
    %swap3A_39 = vector.load %arg6[%swap3A, %swap3A_38] : memref<200x6xi32, #tpu.memory_space<vmem>>, vector<200x1xi32>
    tpu.vector_store %arg6[%swap3A, %swap3A_38], %while3A_37#1 {strides = array<i32>} : memref<200x6xi32, #tpu.memory_space<vmem>>, vector<200x1xi32>,
    %broadcast_in_dim3A_40 = arith.constant 0x7F800000 : f32
    %broadcast_in_dim3A_41 = vector.broadcast %broadcast_in_dim3A_40 : f32 to vector<200x1xf32>
    %broadcast_in_dim3A_42 = arith.constant -1 : i32
    %broadcast_in_dim3A_43 = vector.broadcast %broadcast_in_dim3A_42 : i32 to vector<200x1xi32>
    %while3A_44 = arith.subi %get3A_4, %get3A_1 : i32
    %while3A_45 = arith.addi %get3A_1, %while3A_44 : i32
    %while3A_46 = arith.constant 1 : i32
    %while3A_47 = arith.divsi %while3A_44, %while3A_46 : i32
    %while3A_48 = arith.muli %while3A_47, %while3A_46 : i32
    %while3A_49 = arith.addi %get3A_1, %while3A_48 : i32
    %while3A_50 = arith.constant 1 : i32
    %while3A_51:2 = scf.for %while3A_125 = %get3A_1 to %while3A_49 step %while3A_50 iter_args(%while3A_126 = %broadcast_in_dim3A_41, %while3A_127 = %broadcast_in_dim3A_43) -> (vector<200x1xf32>, vector<200x1xi32>)  : i32 {
      %get3A_128 = arith.index_cast %while3A_125 : i32 to index
      %get3A_129 = arith.constant 0 : index
      %get3A_130 = arith.constant 0 : index
      %get3A_131 = vector.load %arg7[%get3A_128, %get3A_129, %get3A_130] : memref<20x200x512xf32, #tpu.memory_space<vmem>>, vector<1x200x512xf32>
      %get3A_132 = vector.shape_cast %get3A_131 : vector<1x200x512xf32> to vector<200x512xf32>
      %mul3A = arith.constant 512 : i32
      %mul3A_133 = arith.muli %while3A_125, %mul3A : i32
      %add3A = vector.broadcast %mul3A_133 : i32 to vector<200x512xi32>
      %add3A_134 = arith.addi %iota3A, %add3A : vector<200x512xi32>
      %eq3A = vector.broadcast %while3A_37#1 : vector<200x1xi32> to vector<200x512xi32>
      %eq3A_135 = arith.cmpi eq, %add3A_134, %eq3A : vector<200x512xi32>
      %jit3A = arith.constant 0x7F800000 : f32
      %broadcast_in_dim3A_136 = vector.broadcast %jit3A : f32 to vector<200x512xf32>
      %select_n3A = arith.select %eq3A_135, %broadcast_in_dim3A_136, %get3A_132 : vector<200x512xi1>, vector<200x512xf32>
      %swap3A_137 = arith.index_cast %while3A_125 : i32 to index
      %swap3A_138 = arith.constant 0 : index
      %swap3A_139 = arith.constant 0 : index
      %swap3A_140 = vector.load %arg7[%swap3A_137, %swap3A_138, %swap3A_139] : memref<20x200x512xf32, #tpu.memory_space<vmem>>, vector<1x200x512xf32>
      %swap3A_141 = vector.shape_cast %swap3A_140 : vector<1x200x512xf32> to vector<200x512xf32>
      %swap3A_142 = vector.shape_cast %select_n3A : vector<200x512xf32> to vector<1x200x512xf32>
      tpu.vector_store %arg7[%swap3A_137, %swap3A_138, %swap3A_139], %swap3A_142 {strides = array<i32>} : memref<20x200x512xf32, #tpu.memory_space<vmem>>, vector<1x200x512xf32>,
      %reduce_min3A = arith.constant dense<0x7F800000> : vector<200xf32>
      %reduce_min3A_143 = vector.multi_reduction <minimumf>, %select_n3A, %reduce_min3A [1] : vector<200x512xf32> to vector<200xf32>
      %broadcast_in_dim3A_144 = vector.shape_cast %reduce_min3A_143 : vector<200xf32> to vector<200x1xf32>
      %eq3A_145 = vector.broadcast %broadcast_in_dim3A_144 : vector<200x1xf32> to vector<200x512xf32>
      %eq3A_146 = arith.cmpf oeq, %select_n3A, %eq3A_145 : vector<200x512xf32>
      %jit3A_147 = arith.constant 1073741824 : i32
      %broadcast_in_dim3A_148 = vector.broadcast %jit3A_147 : i32 to vector<200x512xi32>
      %select_n3A_149 = arith.select %eq3A_146, %add3A_134, %broadcast_in_dim3A_148 : vector<200x512xi1>, vector<200x512xi32>
      %reduce_min3A_150 = arith.constant dense<2147483647> : vector<200xi32>
      %reduce_min3A_151 = vector.multi_reduction <minsi>, %select_n3A_149, %reduce_min3A_150 [1] : vector<200x512xi32> to vector<200xi32>
      %broadcast_in_dim3A_152 = vector.shape_cast %reduce_min3A_151 : vector<200xi32> to vector<200x1xi32>
      %lt3A = arith.cmpf olt, %broadcast_in_dim3A_144, %while3A_126 : vector<200x1xf32>
      %select_n3A_153 = arith.select %lt3A, %broadcast_in_dim3A_144, %while3A_126 : vector<200x1xi1>, vector<200x1xf32>
      %select_n3A_154 = arith.select %lt3A, %broadcast_in_dim3A_152, %while3A_127 : vector<200x1xi1>, vector<200x1xi32>
      scf.yield %select_n3A_153, %select_n3A_154 : vector<200x1xf32>, vector<200x1xi32>
    }
    %while3A_52 = arith.constant 1 : i32
    %while3A_53:2 = scf.for %while3A_125 = %while3A_49 to %while3A_45 step %while3A_52 iter_args(%while3A_126 = %while3A_51#0, %while3A_127 = %while3A_51#1) -> (vector<200x1xf32>, vector<200x1xi32>)  : i32 {
      %get3A_128 = arith.index_cast %while3A_125 : i32 to index
      %get3A_129 = arith.constant 0 : index
      %get3A_130 = arith.constant 0 : index
      %get3A_131 = vector.load %arg7[%get3A_128, %get3A_129, %get3A_130] : memref<20x200x512xf32, #tpu.memory_space<vmem>>, vector<1x200x512xf32>
      %get3A_132 = vector.shape_cast %get3A_131 : vector<1x200x512xf32> to vector<200x512xf32>
      %mul3A = arith.constant 512 : i32
      %mul3A_133 = arith.muli %while3A_125, %mul3A : i32
      %add3A = vector.broadcast %mul3A_133 : i32 to vector<200x512xi32>
      %add3A_134 = arith.addi %iota3A, %add3A : vector<200x512xi32>
      %eq3A = vector.broadcast %while3A_37#1 : vector<200x1xi32> to vector<200x512xi32>
      %eq3A_135 = arith.cmpi eq, %add3A_134, %eq3A : vector<200x512xi32>
      %jit3A = arith.constant 0x7F800000 : f32
      %broadcast_in_dim3A_136 = vector.broadcast %jit3A : f32 to vector<200x512xf32>
      %select_n3A = arith.select %eq3A_135, %broadcast_in_dim3A_136, %get3A_132 : vector<200x512xi1>, vector<200x512xf32>
      %swap3A_137 = arith.index_cast %while3A_125 : i32 to index
      %swap3A_138 = arith.constant 0 : index
      %swap3A_139 = arith.constant 0 : index
      %swap3A_140 = vector.load %arg7[%swap3A_137, %swap3A_138, %swap3A_139] : memref<20x200x512xf32, #tpu.memory_space<vmem>>, vector<1x200x512xf32>
      %swap3A_141 = vector.shape_cast %swap3A_140 : vector<1x200x512xf32> to vector<200x512xf32>
      %swap3A_142 = vector.shape_cast %select_n3A : vector<200x512xf32> to vector<1x200x512xf32>
      tpu.vector_store %arg7[%swap3A_137, %swap3A_138, %swap3A_139], %swap3A_142 {strides = array<i32>} : memref<20x200x512xf32, #tpu.memory_space<vmem>>, vector<1x200x512xf32>,
      %reduce_min3A = arith.constant dense<0x7F800000> : vector<200xf32>
      %reduce_min3A_143 = vector.multi_reduction <minimumf>, %select_n3A, %reduce_min3A [1] : vector<200x512xf32> to vector<200xf32>
      %broadcast_in_dim3A_144 = vector.shape_cast %reduce_min3A_143 : vector<200xf32> to vector<200x1xf32>
      %eq3A_145 = vector.broadcast %broadcast_in_dim3A_144 : vector<200x1xf32> to vector<200x512xf32>
      %eq3A_146 = arith.cmpf oeq, %select_n3A, %eq3A_145 : vector<200x512xf32>
      %jit3A_147 = arith.constant 1073741824 : i32
      %broadcast_in_dim3A_148 = vector.broadcast %jit3A_147 : i32 to vector<200x512xi32>
      %select_n3A_149 = arith.select %eq3A_146, %add3A_134, %broadcast_in_dim3A_148 : vector<200x512xi1>, vector<200x512xi32>
      %reduce_min3A_150 = arith.constant dense<2147483647> : vector<200xi32>
      %reduce_min3A_151 = vector.multi_reduction <minsi>, %select_n3A_149, %reduce_min3A_150 [1] : vector<200x512xi32> to vector<200xi32>
      %broadcast_in_dim3A_152 = vector.shape_cast %reduce_min3A_151 : vector<200xi32> to vector<200x1xi32>
      %lt3A = arith.cmpf olt, %broadcast_in_dim3A_144, %while3A_126 : vector<200x1xf32>
      %select_n3A_153 = arith.select %lt3A, %broadcast_in_dim3A_144, %while3A_126 : vector<200x1xi1>, vector<200x1xf32>
      %select_n3A_154 = arith.select %lt3A, %broadcast_in_dim3A_152, %while3A_127 : vector<200x1xi1>, vector<200x1xi32>
      scf.yield %select_n3A_153, %select_n3A_154 : vector<200x1xf32>, vector<200x1xi32>
    }
    %swap3A_54 = arith.constant 0 : index
    %swap3A_55 = arith.constant 1 : index
    %swap3A_56 = vector.load %arg6[%swap3A_54, %swap3A_55] : memref<200x6xi32, #tpu.memory_space<vmem>>, vector<200x1xi32>
    tpu.vector_store %arg6[%swap3A_54, %swap3A_55], %while3A_53#1 {strides = array<i32>} : memref<200x6xi32, #tpu.memory_space<vmem>>, vector<200x1xi32>,
    %broadcast_in_dim3A_57 = arith.constant 0x7F800000 : f32
    %broadcast_in_dim3A_58 = vector.broadcast %broadcast_in_dim3A_57 : f32 to vector<200x1xf32>
    %broadcast_in_dim3A_59 = arith.constant -1 : i32
    %broadcast_in_dim3A_60 = vector.broadcast %broadcast_in_dim3A_59 : i32 to vector<200x1xi32>
    %while3A_61 = arith.subi %get3A_4, %get3A_1 : i32
    %while3A_62 = arith.addi %get3A_1, %while3A_61 : i32
    %while3A_63 = arith.constant 1 : i32
    %while3A_64 = arith.divsi %while3A_61, %while3A_63 : i32
    %while3A_65 = arith.muli %while3A_64, %while3A_63 : i32
    %while3A_66 = arith.addi %get3A_1, %while3A_65 : i32
    %while3A_67 = arith.constant 1 : i32
    %while3A_68:2 = scf.for %while3A_125 = %get3A_1 to %while3A_66 step %while3A_67 iter_args(%while3A_126 = %broadcast_in_dim3A_58, %while3A_127 = %broadcast_in_dim3A_60) -> (vector<200x1xf32>, vector<200x1xi32>)  : i32 {
      %get3A_128 = arith.index_cast %while3A_125 : i32 to index
      %get3A_129 = arith.constant 0 : index
      %get3A_130 = arith.constant 0 : index
      %get3A_131 = vector.load %arg7[%get3A_128, %get3A_129, %get3A_130] : memref<20x200x512xf32, #tpu.memory_space<vmem>>, vector<1x200x512xf32>
      %get3A_132 = vector.shape_cast %get3A_131 : vector<1x200x512xf32> to vector<200x512xf32>
      %mul3A = arith.constant 512 : i32
      %mul3A_133 = arith.muli %while3A_125, %mul3A : i32
      %add3A = vector.broadcast %mul3A_133 : i32 to vector<200x512xi32>
      %add3A_134 = arith.addi %iota3A, %add3A : vector<200x512xi32>
      %eq3A = vector.broadcast %while3A_53#1 : vector<200x1xi32> to vector<200x512xi32>
      %eq3A_135 = arith.cmpi eq, %add3A_134, %eq3A : vector<200x512xi32>
      %jit3A = arith.constant 0x7F800000 : f32
      %broadcast_in_dim3A_136 = vector.broadcast %jit3A : f32 to vector<200x512xf32>
      %select_n3A = arith.select %eq3A_135, %broadcast_in_dim3A_136, %get3A_132 : vector<200x512xi1>, vector<200x512xf32>
      %swap3A_137 = arith.index_cast %while3A_125 : i32 to index
      %swap3A_138 = arith.constant 0 : index
      %swap3A_139 = arith.constant 0 : index
      %swap3A_140 = vector.load %arg7[%swap3A_137, %swap3A_138, %swap3A_139] : memref<20x200x512xf32, #tpu.memory_space<vmem>>, vector<1x200x512xf32>
      %swap3A_141 = vector.shape_cast %swap3A_140 : vector<1x200x512xf32> to vector<200x512xf32>
      %swap3A_142 = vector.shape_cast %select_n3A : vector<200x512xf32> to vector<1x200x512xf32>
      tpu.vector_store %arg7[%swap3A_137, %swap3A_138, %swap3A_139], %swap3A_142 {strides = array<i32>} : memref<20x200x512xf32, #tpu.memory_space<vmem>>, vector<1x200x512xf32>,
      %reduce_min3A = arith.constant dense<0x7F800000> : vector<200xf32>
      %reduce_min3A_143 = vector.multi_reduction <minimumf>, %select_n3A, %reduce_min3A [1] : vector<200x512xf32> to vector<200xf32>
      %broadcast_in_dim3A_144 = vector.shape_cast %reduce_min3A_143 : vector<200xf32> to vector<200x1xf32>
      %eq3A_145 = vector.broadcast %broadcast_in_dim3A_144 : vector<200x1xf32> to vector<200x512xf32>
      %eq3A_146 = arith.cmpf oeq, %select_n3A, %eq3A_145 : vector<200x512xf32>
      %jit3A_147 = arith.constant 1073741824 : i32
      %broadcast_in_dim3A_148 = vector.broadcast %jit3A_147 : i32 to vector<200x512xi32>
      %select_n3A_149 = arith.select %eq3A_146, %add3A_134, %broadcast_in_dim3A_148 : vector<200x512xi1>, vector<200x512xi32>
      %reduce_min3A_150 = arith.constant dense<2147483647> : vector<200xi32>
      %reduce_min3A_151 = vector.multi_reduction <minsi>, %select_n3A_149, %reduce_min3A_150 [1] : vector<200x512xi32> to vector<200xi32>
      %broadcast_in_dim3A_152 = vector.shape_cast %reduce_min3A_151 : vector<200xi32> to vector<200x1xi32>
      %lt3A = arith.cmpf olt, %broadcast_in_dim3A_144, %while3A_126 : vector<200x1xf32>
      %select_n3A_153 = arith.select %lt3A, %broadcast_in_dim3A_144, %while3A_126 : vector<200x1xi1>, vector<200x1xf32>
      %select_n3A_154 = arith.select %lt3A, %broadcast_in_dim3A_152, %while3A_127 : vector<200x1xi1>, vector<200x1xi32>
      scf.yield %select_n3A_153, %select_n3A_154 : vector<200x1xf32>, vector<200x1xi32>
    }
    %while3A_69 = arith.constant 1 : i32
    %while3A_70:2 = scf.for %while3A_125 = %while3A_66 to %while3A_62 step %while3A_69 iter_args(%while3A_126 = %while3A_68#0, %while3A_127 = %while3A_68#1) -> (vector<200x1xf32>, vector<200x1xi32>)  : i32 {
      %get3A_128 = arith.index_cast %while3A_125 : i32 to index
      %get3A_129 = arith.constant 0 : index
      %get3A_130 = arith.constant 0 : index
      %get3A_131 = vector.load %arg7[%get3A_128, %get3A_129, %get3A_130] : memref<20x200x512xf32, #tpu.memory_space<vmem>>, vector<1x200x512xf32>
      %get3A_132 = vector.shape_cast %get3A_131 : vector<1x200x512xf32> to vector<200x512xf32>
      %mul3A = arith.constant 512 : i32
      %mul3A_133 = arith.muli %while3A_125, %mul3A : i32
      %add3A = vector.broadcast %mul3A_133 : i32 to vector<200x512xi32>
      %add3A_134 = arith.addi %iota3A, %add3A : vector<200x512xi32>
      %eq3A = vector.broadcast %while3A_53#1 : vector<200x1xi32> to vector<200x512xi32>
      %eq3A_135 = arith.cmpi eq, %add3A_134, %eq3A : vector<200x512xi32>
      %jit3A = arith.constant 0x7F800000 : f32
      %broadcast_in_dim3A_136 = vector.broadcast %jit3A : f32 to vector<200x512xf32>
      %select_n3A = arith.select %eq3A_135, %broadcast_in_dim3A_136, %get3A_132 : vector<200x512xi1>, vector<200x512xf32>
      %swap3A_137 = arith.index_cast %while3A_125 : i32 to index
      %swap3A_138 = arith.constant 0 : index
      %swap3A_139 = arith.constant 0 : index
      %swap3A_140 = vector.load %arg7[%swap3A_137, %swap3A_138, %swap3A_139] : memref<20x200x512xf32, #tpu.memory_space<vmem>>, vector<1x200x512xf32>
      %swap3A_141 = vector.shape_cast %swap3A_140 : vector<1x200x512xf32> to vector<200x512xf32>
      %swap3A_142 = vector.shape_cast %select_n3A : vector<200x512xf32> to vector<1x200x512xf32>
      tpu.vector_store %arg7[%swap3A_137, %swap3A_138, %swap3A_139], %swap3A_142 {strides = array<i32>} : memref<20x200x512xf32, #tpu.memory_space<vmem>>, vector<1x200x512xf32>,
      %reduce_min3A = arith.constant dense<0x7F800000> : vector<200xf32>
      %reduce_min3A_143 = vector.multi_reduction <minimumf>, %select_n3A, %reduce_min3A [1] : vector<200x512xf32> to vector<200xf32>
      %broadcast_in_dim3A_144 = vector.shape_cast %reduce_min3A_143 : vector<200xf32> to vector<200x1xf32>
      %eq3A_145 = vector.broadcast %broadcast_in_dim3A_144 : vector<200x1xf32> to vector<200x512xf32>
      %eq3A_146 = arith.cmpf oeq, %select_n3A, %eq3A_145 : vector<200x512xf32>
      %jit3A_147 = arith.constant 1073741824 : i32
      %broadcast_in_dim3A_148 = vector.broadcast %jit3A_147 : i32 to vector<200x512xi32>
      %select_n3A_149 = arith.select %eq3A_146, %add3A_134, %broadcast_in_dim3A_148 : vector<200x512xi1>, vector<200x512xi32>
      %reduce_min3A_150 = arith.constant dense<2147483647> : vector<200xi32>
      %reduce_min3A_151 = vector.multi_reduction <minsi>, %select_n3A_149, %reduce_min3A_150 [1] : vector<200x512xi32> to vector<200xi32>
      %broadcast_in_dim3A_152 = vector.shape_cast %reduce_min3A_151 : vector<200xi32> to vector<200x1xi32>
      %lt3A = arith.cmpf olt, %broadcast_in_dim3A_144, %while3A_126 : vector<200x1xf32>
      %select_n3A_153 = arith.select %lt3A, %broadcast_in_dim3A_144, %while3A_126 : vector<200x1xi1>, vector<200x1xf32>
      %select_n3A_154 = arith.select %lt3A, %broadcast_in_dim3A_152, %while3A_127 : vector<200x1xi1>, vector<200x1xi32>
      scf.yield %select_n3A_153, %select_n3A_154 : vector<200x1xf32>, vector<200x1xi32>
    }
    %swap3A_71 = arith.constant 0 : index
    %swap3A_72 = arith.constant 2 : index
    %swap3A_73 = vector.load %arg6[%swap3A_71, %swap3A_72] : memref<200x6xi32, #tpu.memory_space<vmem>>, vector<200x1xi32>
    tpu.vector_store %arg6[%swap3A_71, %swap3A_72], %while3A_70#1 {strides = array<i32>} : memref<200x6xi32, #tpu.memory_space<vmem>>, vector<200x1xi32>,
    %broadcast_in_dim3A_74 = arith.constant 0x7F800000 : f32
    %broadcast_in_dim3A_75 = vector.broadcast %broadcast_in_dim3A_74 : f32 to vector<200x1xf32>
    %broadcast_in_dim3A_76 = arith.constant -1 : i32
    %broadcast_in_dim3A_77 = vector.broadcast %broadcast_in_dim3A_76 : i32 to vector<200x1xi32>
    %while3A_78 = arith.subi %get3A_4, %get3A_1 : i32
    %while3A_79 = arith.addi %get3A_1, %while3A_78 : i32
    %while3A_80 = arith.constant 1 : i32
    %while3A_81 = arith.divsi %while3A_78, %while3A_80 : i32
    %while3A_82 = arith.muli %while3A_81, %while3A_80 : i32
    %while3A_83 = arith.addi %get3A_1, %while3A_82 : i32
    %while3A_84 = arith.constant 1 : i32
    %while3A_85:2 = scf.for %while3A_125 = %get3A_1 to %while3A_83 step %while3A_84 iter_args(%while3A_126 = %broadcast_in_dim3A_75, %while3A_127 = %broadcast_in_dim3A_77) -> (vector<200x1xf32>, vector<200x1xi32>)  : i32 {
      %get3A_128 = arith.index_cast %while3A_125 : i32 to index
      %get3A_129 = arith.constant 0 : index
      %get3A_130 = arith.constant 0 : index
      %get3A_131 = vector.load %arg7[%get3A_128, %get3A_129, %get3A_130] : memref<20x200x512xf32, #tpu.memory_space<vmem>>, vector<1x200x512xf32>
      %get3A_132 = vector.shape_cast %get3A_131 : vector<1x200x512xf32> to vector<200x512xf32>
      %mul3A = arith.constant 512 : i32
      %mul3A_133 = arith.muli %while3A_125, %mul3A : i32
      %add3A = vector.broadcast %mul3A_133 : i32 to vector<200x512xi32>
      %add3A_134 = arith.addi %iota3A, %add3A : vector<200x512xi32>
      %eq3A = vector.broadcast %while3A_70#1 : vector<200x1xi32> to vector<200x512xi32>
      %eq3A_135 = arith.cmpi eq, %add3A_134, %eq3A : vector<200x512xi32>
      %jit3A = arith.constant 0x7F800000 : f32
      %broadcast_in_dim3A_136 = vector.broadcast %jit3A : f32 to vector<200x512xf32>
      %select_n3A = arith.select %eq3A_135, %broadcast_in_dim3A_136, %get3A_132 : vector<200x512xi1>, vector<200x512xf32>
      %swap3A_137 = arith.index_cast %while3A_125 : i32 to index
      %swap3A_138 = arith.constant 0 : index
      %swap3A_139 = arith.constant 0 : index
      %swap3A_140 = vector.load %arg7[%swap3A_137, %swap3A_138, %swap3A_139] : memref<20x200x512xf32, #tpu.memory_space<vmem>>, vector<1x200x512xf32>
      %swap3A_141 = vector.shape_cast %swap3A_140 : vector<1x200x512xf32> to vector<200x512xf32>
      %swap3A_142 = vector.shape_cast %select_n3A : vector<200x512xf32> to vector<1x200x512xf32>
      tpu.vector_store %arg7[%swap3A_137, %swap3A_138, %swap3A_139], %swap3A_142 {strides = array<i32>} : memref<20x200x512xf32, #tpu.memory_space<vmem>>, vector<1x200x512xf32>,
      %reduce_min3A = arith.constant dense<0x7F800000> : vector<200xf32>
      %reduce_min3A_143 = vector.multi_reduction <minimumf>, %select_n3A, %reduce_min3A [1] : vector<200x512xf32> to vector<200xf32>
      %broadcast_in_dim3A_144 = vector.shape_cast %reduce_min3A_143 : vector<200xf32> to vector<200x1xf32>
      %eq3A_145 = vector.broadcast %broadcast_in_dim3A_144 : vector<200x1xf32> to vector<200x512xf32>
      %eq3A_146 = arith.cmpf oeq, %select_n3A, %eq3A_145 : vector<200x512xf32>
      %jit3A_147 = arith.constant 1073741824 : i32
      %broadcast_in_dim3A_148 = vector.broadcast %jit3A_147 : i32 to vector<200x512xi32>
      %select_n3A_149 = arith.select %eq3A_146, %add3A_134, %broadcast_in_dim3A_148 : vector<200x512xi1>, vector<200x512xi32>
      %reduce_min3A_150 = arith.constant dense<2147483647> : vector<200xi32>
      %reduce_min3A_151 = vector.multi_reduction <minsi>, %select_n3A_149, %reduce_min3A_150 [1] : vector<200x512xi32> to vector<200xi32>
      %broadcast_in_dim3A_152 = vector.shape_cast %reduce_min3A_151 : vector<200xi32> to vector<200x1xi32>
      %lt3A = arith.cmpf olt, %broadcast_in_dim3A_144, %while3A_126 : vector<200x1xf32>
      %select_n3A_153 = arith.select %lt3A, %broadcast_in_dim3A_144, %while3A_126 : vector<200x1xi1>, vector<200x1xf32>
      %select_n3A_154 = arith.select %lt3A, %broadcast_in_dim3A_152, %while3A_127 : vector<200x1xi1>, vector<200x1xi32>
      scf.yield %select_n3A_153, %select_n3A_154 : vector<200x1xf32>, vector<200x1xi32>
    }
    %while3A_86 = arith.constant 1 : i32
    %while3A_87:2 = scf.for %while3A_125 = %while3A_83 to %while3A_79 step %while3A_86 iter_args(%while3A_126 = %while3A_85#0, %while3A_127 = %while3A_85#1) -> (vector<200x1xf32>, vector<200x1xi32>)  : i32 {
      %get3A_128 = arith.index_cast %while3A_125 : i32 to index
      %get3A_129 = arith.constant 0 : index
      %get3A_130 = arith.constant 0 : index
      %get3A_131 = vector.load %arg7[%get3A_128, %get3A_129, %get3A_130] : memref<20x200x512xf32, #tpu.memory_space<vmem>>, vector<1x200x512xf32>
      %get3A_132 = vector.shape_cast %get3A_131 : vector<1x200x512xf32> to vector<200x512xf32>
      %mul3A = arith.constant 512 : i32
      %mul3A_133 = arith.muli %while3A_125, %mul3A : i32
      %add3A = vector.broadcast %mul3A_133 : i32 to vector<200x512xi32>
      %add3A_134 = arith.addi %iota3A, %add3A : vector<200x512xi32>
      %eq3A = vector.broadcast %while3A_70#1 : vector<200x1xi32> to vector<200x512xi32>
      %eq3A_135 = arith.cmpi eq, %add3A_134, %eq3A : vector<200x512xi32>
      %jit3A = arith.constant 0x7F800000 : f32
      %broadcast_in_dim3A_136 = vector.broadcast %jit3A : f32 to vector<200x512xf32>
      %select_n3A = arith.select %eq3A_135, %broadcast_in_dim3A_136, %get3A_132 : vector<200x512xi1>, vector<200x512xf32>
      %swap3A_137 = arith.index_cast %while3A_125 : i32 to index
      %swap3A_138 = arith.constant 0 : index
      %swap3A_139 = arith.constant 0 : index
      %swap3A_140 = vector.load %arg7[%swap3A_137, %swap3A_138, %swap3A_139] : memref<20x200x512xf32, #tpu.memory_space<vmem>>, vector<1x200x512xf32>
      %swap3A_141 = vector.shape_cast %swap3A_140 : vector<1x200x512xf32> to vector<200x512xf32>
      %swap3A_142 = vector.shape_cast %select_n3A : vector<200x512xf32> to vector<1x200x512xf32>
      tpu.vector_store %arg7[%swap3A_137, %swap3A_138, %swap3A_139], %swap3A_142 {strides = array<i32>} : memref<20x200x512xf32, #tpu.memory_space<vmem>>, vector<1x200x512xf32>,
      %reduce_min3A = arith.constant dense<0x7F800000> : vector<200xf32>
      %reduce_min3A_143 = vector.multi_reduction <minimumf>, %select_n3A, %reduce_min3A [1] : vector<200x512xf32> to vector<200xf32>
      %broadcast_in_dim3A_144 = vector.shape_cast %reduce_min3A_143 : vector<200xf32> to vector<200x1xf32>
      %eq3A_145 = vector.broadcast %broadcast_in_dim3A_144 : vector<200x1xf32> to vector<200x512xf32>
      %eq3A_146 = arith.cmpf oeq, %select_n3A, %eq3A_145 : vector<200x512xf32>
      %jit3A_147 = arith.constant 1073741824 : i32
      %broadcast_in_dim3A_148 = vector.broadcast %jit3A_147 : i32 to vector<200x512xi32>
      %select_n3A_149 = arith.select %eq3A_146, %add3A_134, %broadcast_in_dim3A_148 : vector<200x512xi1>, vector<200x512xi32>
      %reduce_min3A_150 = arith.constant dense<2147483647> : vector<200xi32>
      %reduce_min3A_151 = vector.multi_reduction <minsi>, %select_n3A_149, %reduce_min3A_150 [1] : vector<200x512xi32> to vector<200xi32>
      %broadcast_in_dim3A_152 = vector.shape_cast %reduce_min3A_151 : vector<200xi32> to vector<200x1xi32>
      %lt3A = arith.cmpf olt, %broadcast_in_dim3A_144, %while3A_126 : vector<200x1xf32>
      %select_n3A_153 = arith.select %lt3A, %broadcast_in_dim3A_144, %while3A_126 : vector<200x1xi1>, vector<200x1xf32>
      %select_n3A_154 = arith.select %lt3A, %broadcast_in_dim3A_152, %while3A_127 : vector<200x1xi1>, vector<200x1xi32>
      scf.yield %select_n3A_153, %select_n3A_154 : vector<200x1xf32>, vector<200x1xi32>
    }
    %swap3A_88 = arith.constant 0 : index
    %swap3A_89 = arith.constant 3 : index
    %swap3A_90 = vector.load %arg6[%swap3A_88, %swap3A_89] : memref<200x6xi32, #tpu.memory_space<vmem>>, vector<200x1xi32>
    tpu.vector_store %arg6[%swap3A_88, %swap3A_89], %while3A_87#1 {strides = array<i32>} : memref<200x6xi32, #tpu.memory_space<vmem>>, vector<200x1xi32>,
    %broadcast_in_dim3A_91 = arith.constant 0x7F800000 : f32
    %broadcast_in_dim3A_92 = vector.broadcast %broadcast_in_dim3A_91 : f32 to vector<200x1xf32>
    %broadcast_in_dim3A_93 = arith.constant -1 : i32
    %broadcast_in_dim3A_94 = vector.broadcast %broadcast_in_dim3A_93 : i32 to vector<200x1xi32>
    %while3A_95 = arith.subi %get3A_4, %get3A_1 : i32
    %while3A_96 = arith.addi %get3A_1, %while3A_95 : i32
    %while3A_97 = arith.constant 1 : i32
    %while3A_98 = arith.divsi %while3A_95, %while3A_97 : i32
    %while3A_99 = arith.muli %while3A_98, %while3A_97 : i32
    %while3A_100 = arith.addi %get3A_1, %while3A_99 : i32
    %while3A_101 = arith.constant 1 : i32
    %while3A_102:2 = scf.for %while3A_125 = %get3A_1 to %while3A_100 step %while3A_101 iter_args(%while3A_126 = %broadcast_in_dim3A_92, %while3A_127 = %broadcast_in_dim3A_94) -> (vector<200x1xf32>, vector<200x1xi32>)  : i32 {
      %get3A_128 = arith.index_cast %while3A_125 : i32 to index
      %get3A_129 = arith.constant 0 : index
      %get3A_130 = arith.constant 0 : index
      %get3A_131 = vector.load %arg7[%get3A_128, %get3A_129, %get3A_130] : memref<20x200x512xf32, #tpu.memory_space<vmem>>, vector<1x200x512xf32>
      %get3A_132 = vector.shape_cast %get3A_131 : vector<1x200x512xf32> to vector<200x512xf32>
      %mul3A = arith.constant 512 : i32
      %mul3A_133 = arith.muli %while3A_125, %mul3A : i32
      %add3A = vector.broadcast %mul3A_133 : i32 to vector<200x512xi32>
      %add3A_134 = arith.addi %iota3A, %add3A : vector<200x512xi32>
      %eq3A = vector.broadcast %while3A_87#1 : vector<200x1xi32> to vector<200x512xi32>
      %eq3A_135 = arith.cmpi eq, %add3A_134, %eq3A : vector<200x512xi32>
      %jit3A = arith.constant 0x7F800000 : f32
      %broadcast_in_dim3A_136 = vector.broadcast %jit3A : f32 to vector<200x512xf32>
      %select_n3A = arith.select %eq3A_135, %broadcast_in_dim3A_136, %get3A_132 : vector<200x512xi1>, vector<200x512xf32>
      %swap3A_137 = arith.index_cast %while3A_125 : i32 to index
      %swap3A_138 = arith.constant 0 : index
      %swap3A_139 = arith.constant 0 : index
      %swap3A_140 = vector.load %arg7[%swap3A_137, %swap3A_138, %swap3A_139] : memref<20x200x512xf32, #tpu.memory_space<vmem>>, vector<1x200x512xf32>
      %swap3A_141 = vector.shape_cast %swap3A_140 : vector<1x200x512xf32> to vector<200x512xf32>
      %swap3A_142 = vector.shape_cast %select_n3A : vector<200x512xf32> to vector<1x200x512xf32>
      tpu.vector_store %arg7[%swap3A_137, %swap3A_138, %swap3A_139], %swap3A_142 {strides = array<i32>} : memref<20x200x512xf32, #tpu.memory_space<vmem>>, vector<1x200x512xf32>,
      %reduce_min3A = arith.constant dense<0x7F800000> : vector<200xf32>
      %reduce_min3A_143 = vector.multi_reduction <minimumf>, %select_n3A, %reduce_min3A [1] : vector<200x512xf32> to vector<200xf32>
      %broadcast_in_dim3A_144 = vector.shape_cast %reduce_min3A_143 : vector<200xf32> to vector<200x1xf32>
      %eq3A_145 = vector.broadcast %broadcast_in_dim3A_144 : vector<200x1xf32> to vector<200x512xf32>
      %eq3A_146 = arith.cmpf oeq, %select_n3A, %eq3A_145 : vector<200x512xf32>
      %jit3A_147 = arith.constant 1073741824 : i32
      %broadcast_in_dim3A_148 = vector.broadcast %jit3A_147 : i32 to vector<200x512xi32>
      %select_n3A_149 = arith.select %eq3A_146, %add3A_134, %broadcast_in_dim3A_148 : vector<200x512xi1>, vector<200x512xi32>
      %reduce_min3A_150 = arith.constant dense<2147483647> : vector<200xi32>
      %reduce_min3A_151 = vector.multi_reduction <minsi>, %select_n3A_149, %reduce_min3A_150 [1] : vector<200x512xi32> to vector<200xi32>
      %broadcast_in_dim3A_152 = vector.shape_cast %reduce_min3A_151 : vector<200xi32> to vector<200x1xi32>
      %lt3A = arith.cmpf olt, %broadcast_in_dim3A_144, %while3A_126 : vector<200x1xf32>
      %select_n3A_153 = arith.select %lt3A, %broadcast_in_dim3A_144, %while3A_126 : vector<200x1xi1>, vector<200x1xf32>
      %select_n3A_154 = arith.select %lt3A, %broadcast_in_dim3A_152, %while3A_127 : vector<200x1xi1>, vector<200x1xi32>
      scf.yield %select_n3A_153, %select_n3A_154 : vector<200x1xf32>, vector<200x1xi32>
    }
    %while3A_103 = arith.constant 1 : i32
    %while3A_104:2 = scf.for %while3A_125 = %while3A_100 to %while3A_96 step %while3A_103 iter_args(%while3A_126 = %while3A_102#0, %while3A_127 = %while3A_102#1) -> (vector<200x1xf32>, vector<200x1xi32>)  : i32 {
      %get3A_128 = arith.index_cast %while3A_125 : i32 to index
      %get3A_129 = arith.constant 0 : index
      %get3A_130 = arith.constant 0 : index
      %get3A_131 = vector.load %arg7[%get3A_128, %get3A_129, %get3A_130] : memref<20x200x512xf32, #tpu.memory_space<vmem>>, vector<1x200x512xf32>
      %get3A_132 = vector.shape_cast %get3A_131 : vector<1x200x512xf32> to vector<200x512xf32>
      %mul3A = arith.constant 512 : i32
      %mul3A_133 = arith.muli %while3A_125, %mul3A : i32
      %add3A = vector.broadcast %mul3A_133 : i32 to vector<200x512xi32>
      %add3A_134 = arith.addi %iota3A, %add3A : vector<200x512xi32>
      %eq3A = vector.broadcast %while3A_87#1 : vector<200x1xi32> to vector<200x512xi32>
      %eq3A_135 = arith.cmpi eq, %add3A_134, %eq3A : vector<200x512xi32>
      %jit3A = arith.constant 0x7F800000 : f32
      %broadcast_in_dim3A_136 = vector.broadcast %jit3A : f32 to vector<200x512xf32>
      %select_n3A = arith.select %eq3A_135, %broadcast_in_dim3A_136, %get3A_132 : vector<200x512xi1>, vector<200x512xf32>
      %swap3A_137 = arith.index_cast %while3A_125 : i32 to index
      %swap3A_138 = arith.constant 0 : index
      %swap3A_139 = arith.constant 0 : index
      %swap3A_140 = vector.load %arg7[%swap3A_137, %swap3A_138, %swap3A_139] : memref<20x200x512xf32, #tpu.memory_space<vmem>>, vector<1x200x512xf32>
      %swap3A_141 = vector.shape_cast %swap3A_140 : vector<1x200x512xf32> to vector<200x512xf32>
      %swap3A_142 = vector.shape_cast %select_n3A : vector<200x512xf32> to vector<1x200x512xf32>
      tpu.vector_store %arg7[%swap3A_137, %swap3A_138, %swap3A_139], %swap3A_142 {strides = array<i32>} : memref<20x200x512xf32, #tpu.memory_space<vmem>>, vector<1x200x512xf32>,
      %reduce_min3A = arith.constant dense<0x7F800000> : vector<200xf32>
      %reduce_min3A_143 = vector.multi_reduction <minimumf>, %select_n3A, %reduce_min3A [1] : vector<200x512xf32> to vector<200xf32>
      %broadcast_in_dim3A_144 = vector.shape_cast %reduce_min3A_143 : vector<200xf32> to vector<200x1xf32>
      %eq3A_145 = vector.broadcast %broadcast_in_dim3A_144 : vector<200x1xf32> to vector<200x512xf32>
      %eq3A_146 = arith.cmpf oeq, %select_n3A, %eq3A_145 : vector<200x512xf32>
      %jit3A_147 = arith.constant 1073741824 : i32
      %broadcast_in_dim3A_148 = vector.broadcast %jit3A_147 : i32 to vector<200x512xi32>
      %select_n3A_149 = arith.select %eq3A_146, %add3A_134, %broadcast_in_dim3A_148 : vector<200x512xi1>, vector<200x512xi32>
      %reduce_min3A_150 = arith.constant dense<2147483647> : vector<200xi32>
      %reduce_min3A_151 = vector.multi_reduction <minsi>, %select_n3A_149, %reduce_min3A_150 [1] : vector<200x512xi32> to vector<200xi32>
      %broadcast_in_dim3A_152 = vector.shape_cast %reduce_min3A_151 : vector<200xi32> to vector<200x1xi32>
      %lt3A = arith.cmpf olt, %broadcast_in_dim3A_144, %while3A_126 : vector<200x1xf32>
      %select_n3A_153 = arith.select %lt3A, %broadcast_in_dim3A_144, %while3A_126 : vector<200x1xi1>, vector<200x1xf32>
      %select_n3A_154 = arith.select %lt3A, %broadcast_in_dim3A_152, %while3A_127 : vector<200x1xi1>, vector<200x1xi32>
      scf.yield %select_n3A_153, %select_n3A_154 : vector<200x1xf32>, vector<200x1xi32>
    }
    %swap3A_105 = arith.constant 0 : index
    %swap3A_106 = arith.constant 4 : index
    %swap3A_107 = vector.load %arg6[%swap3A_105, %swap3A_106] : memref<200x6xi32, #tpu.memory_space<vmem>>, vector<200x1xi32>
    tpu.vector_store %arg6[%swap3A_105, %swap3A_106], %while3A_104#1 {strides = array<i32>} : memref<200x6xi32, #tpu.memory_space<vmem>>, vector<200x1xi32>,
    %broadcast_in_dim3A_108 = arith.constant 0x7F800000 : f32
    %broadcast_in_dim3A_109 = vector.broadcast %broadcast_in_dim3A_108 : f32 to vector<200x1xf32>
    %broadcast_in_dim3A_110 = arith.constant -1 : i32
    %broadcast_in_dim3A_111 = vector.broadcast %broadcast_in_dim3A_110 : i32 to vector<200x1xi32>
    %while3A_112 = arith.subi %get3A_4, %get3A_1 : i32
    %while3A_113 = arith.addi %get3A_1, %while3A_112 : i32
    %while3A_114 = arith.constant 1 : i32
    %while3A_115 = arith.divsi %while3A_112, %while3A_114 : i32
    %while3A_116 = arith.muli %while3A_115, %while3A_114 : i32
    %while3A_117 = arith.addi %get3A_1, %while3A_116 : i32
    %while3A_118 = arith.constant 1 : i32
    %while3A_119:2 = scf.for %while3A_125 = %get3A_1 to %while3A_117 step %while3A_118 iter_args(%while3A_126 = %broadcast_in_dim3A_109, %while3A_127 = %broadcast_in_dim3A_111) -> (vector<200x1xf32>, vector<200x1xi32>)  : i32 {
      %get3A_128 = arith.index_cast %while3A_125 : i32 to index
      %get3A_129 = arith.constant 0 : index
      %get3A_130 = arith.constant 0 : index
      %get3A_131 = vector.load %arg7[%get3A_128, %get3A_129, %get3A_130] : memref<20x200x512xf32, #tpu.memory_space<vmem>>, vector<1x200x512xf32>
      %get3A_132 = vector.shape_cast %get3A_131 : vector<1x200x512xf32> to vector<200x512xf32>
      %mul3A = arith.constant 512 : i32
      %mul3A_133 = arith.muli %while3A_125, %mul3A : i32
      %add3A = vector.broadcast %mul3A_133 : i32 to vector<200x512xi32>
      %add3A_134 = arith.addi %iota3A, %add3A : vector<200x512xi32>
      %eq3A = vector.broadcast %while3A_104#1 : vector<200x1xi32> to vector<200x512xi32>
      %eq3A_135 = arith.cmpi eq, %add3A_134, %eq3A : vector<200x512xi32>
      %jit3A = arith.constant 0x7F800000 : f32
      %broadcast_in_dim3A_136 = vector.broadcast %jit3A : f32 to vector<200x512xf32>
      %select_n3A = arith.select %eq3A_135, %broadcast_in_dim3A_136, %get3A_132 : vector<200x512xi1>, vector<200x512xf32>
      %swap3A_137 = arith.index_cast %while3A_125 : i32 to index
      %swap3A_138 = arith.constant 0 : index
      %swap3A_139 = arith.constant 0 : index
      %swap3A_140 = vector.load %arg7[%swap3A_137, %swap3A_138, %swap3A_139] : memref<20x200x512xf32, #tpu.memory_space<vmem>>, vector<1x200x512xf32>
      %swap3A_141 = vector.shape_cast %swap3A_140 : vector<1x200x512xf32> to vector<200x512xf32>
      %swap3A_142 = vector.shape_cast %select_n3A : vector<200x512xf32> to vector<1x200x512xf32>
      tpu.vector_store %arg7[%swap3A_137, %swap3A_138, %swap3A_139], %swap3A_142 {strides = array<i32>} : memref<20x200x512xf32, #tpu.memory_space<vmem>>, vector<1x200x512xf32>,
      %reduce_min3A = arith.constant dense<0x7F800000> : vector<200xf32>
      %reduce_min3A_143 = vector.multi_reduction <minimumf>, %select_n3A, %reduce_min3A [1] : vector<200x512xf32> to vector<200xf32>
      %broadcast_in_dim3A_144 = vector.shape_cast %reduce_min3A_143 : vector<200xf32> to vector<200x1xf32>
      %eq3A_145 = vector.broadcast %broadcast_in_dim3A_144 : vector<200x1xf32> to vector<200x512xf32>
      %eq3A_146 = arith.cmpf oeq, %select_n3A, %eq3A_145 : vector<200x512xf32>
      %jit3A_147 = arith.constant 1073741824 : i32
      %broadcast_in_dim3A_148 = vector.broadcast %jit3A_147 : i32 to vector<200x512xi32>
      %select_n3A_149 = arith.select %eq3A_146, %add3A_134, %broadcast_in_dim3A_148 : vector<200x512xi1>, vector<200x512xi32>
      %reduce_min3A_150 = arith.constant dense<2147483647> : vector<200xi32>
      %reduce_min3A_151 = vector.multi_reduction <minsi>, %select_n3A_149, %reduce_min3A_150 [1] : vector<200x512xi32> to vector<200xi32>
      %broadcast_in_dim3A_152 = vector.shape_cast %reduce_min3A_151 : vector<200xi32> to vector<200x1xi32>
      %lt3A = arith.cmpf olt, %broadcast_in_dim3A_144, %while3A_126 : vector<200x1xf32>
      %select_n3A_153 = arith.select %lt3A, %broadcast_in_dim3A_144, %while3A_126 : vector<200x1xi1>, vector<200x1xf32>
      %select_n3A_154 = arith.select %lt3A, %broadcast_in_dim3A_152, %while3A_127 : vector<200x1xi1>, vector<200x1xi32>
      scf.yield %select_n3A_153, %select_n3A_154 : vector<200x1xf32>, vector<200x1xi32>
    }
    %while3A_120 = arith.constant 1 : i32
    %while3A_121:2 = scf.for %while3A_125 = %while3A_117 to %while3A_113 step %while3A_120 iter_args(%while3A_126 = %while3A_119#0, %while3A_127 = %while3A_119#1) -> (vector<200x1xf32>, vector<200x1xi32>)  : i32 {
      %get3A_128 = arith.index_cast %while3A_125 : i32 to index
      %get3A_129 = arith.constant 0 : index
      %get3A_130 = arith.constant 0 : index
      %get3A_131 = vector.load %arg7[%get3A_128, %get3A_129, %get3A_130] : memref<20x200x512xf32, #tpu.memory_space<vmem>>, vector<1x200x512xf32>
      %get3A_132 = vector.shape_cast %get3A_131 : vector<1x200x512xf32> to vector<200x512xf32>
      %mul3A = arith.constant 512 : i32
      %mul3A_133 = arith.muli %while3A_125, %mul3A : i32
      %add3A = vector.broadcast %mul3A_133 : i32 to vector<200x512xi32>
      %add3A_134 = arith.addi %iota3A, %add3A : vector<200x512xi32>
      %eq3A = vector.broadcast %while3A_104#1 : vector<200x1xi32> to vector<200x512xi32>
      %eq3A_135 = arith.cmpi eq, %add3A_134, %eq3A : vector<200x512xi32>
      %jit3A = arith.constant 0x7F800000 : f32
      %broadcast_in_dim3A_136 = vector.broadcast %jit3A : f32 to vector<200x512xf32>
      %select_n3A = arith.select %eq3A_135, %broadcast_in_dim3A_136, %get3A_132 : vector<200x512xi1>, vector<200x512xf32>
      %swap3A_137 = arith.index_cast %while3A_125 : i32 to index
      %swap3A_138 = arith.constant 0 : index
      %swap3A_139 = arith.constant 0 : index
      %swap3A_140 = vector.load %arg7[%swap3A_137, %swap3A_138, %swap3A_139] : memref<20x200x512xf32, #tpu.memory_space<vmem>>, vector<1x200x512xf32>
      %swap3A_141 = vector.shape_cast %swap3A_140 : vector<1x200x512xf32> to vector<200x512xf32>
      %swap3A_142 = vector.shape_cast %select_n3A : vector<200x512xf32> to vector<1x200x512xf32>
      tpu.vector_store %arg7[%swap3A_137, %swap3A_138, %swap3A_139], %swap3A_142 {strides = array<i32>} : memref<20x200x512xf32, #tpu.memory_space<vmem>>, vector<1x200x512xf32>,
      %reduce_min3A = arith.constant dense<0x7F800000> : vector<200xf32>
      %reduce_min3A_143 = vector.multi_reduction <minimumf>, %select_n3A, %reduce_min3A [1] : vector<200x512xf32> to vector<200xf32>
      %broadcast_in_dim3A_144 = vector.shape_cast %reduce_min3A_143 : vector<200xf32> to vector<200x1xf32>
      %eq3A_145 = vector.broadcast %broadcast_in_dim3A_144 : vector<200x1xf32> to vector<200x512xf32>
      %eq3A_146 = arith.cmpf oeq, %select_n3A, %eq3A_145 : vector<200x512xf32>
      %jit3A_147 = arith.constant 1073741824 : i32
      %broadcast_in_dim3A_148 = vector.broadcast %jit3A_147 : i32 to vector<200x512xi32>
      %select_n3A_149 = arith.select %eq3A_146, %add3A_134, %broadcast_in_dim3A_148 : vector<200x512xi1>, vector<200x512xi32>
      %reduce_min3A_150 = arith.constant dense<2147483647> : vector<200xi32>
      %reduce_min3A_151 = vector.multi_reduction <minsi>, %select_n3A_149, %reduce_min3A_150 [1] : vector<200x512xi32> to vector<200xi32>
      %broadcast_in_dim3A_152 = vector.shape_cast %reduce_min3A_151 : vector<200xi32> to vector<200x1xi32>
      %lt3A = arith.cmpf olt, %broadcast_in_dim3A_144, %while3A_126 : vector<200x1xf32>
      %select_n3A_153 = arith.select %lt3A, %broadcast_in_dim3A_144, %while3A_126 : vector<200x1xi1>, vector<200x1xf32>
      %select_n3A_154 = arith.select %lt3A, %broadcast_in_dim3A_152, %while3A_127 : vector<200x1xi1>, vector<200x1xi32>
      scf.yield %select_n3A_153, %select_n3A_154 : vector<200x1xf32>, vector<200x1xi32>
    }
    %swap3A_122 = arith.constant 0 : index
    %swap3A_123 = arith.constant 5 : index
    %swap3A_124 = vector.load %arg6[%swap3A_122, %swap3A_123] : memref<200x6xi32, #tpu.memory_space<vmem>>, vector<200x1xi32>
    tpu.vector_store %arg6[%swap3A_122, %swap3A_123], %while3A_121#1 {strides = array<i32>} : memref<200x6xi32, #tpu.memory_space<vmem>>, vector<200x1xi32>,
    return
  }
  func.func @transform_0(%arg0: i32) -> (i32, i32) {
    %c0_i32 = arith.constant 0 : i32
    %c0_i32_0 = arith.constant 0 : i32
    %c0_i32_1 = arith.constant 0 : i32
    return %c0_i32, %c0_i32_0 : i32, i32
  }
  func.func @transform_1(%arg0: i32) -> (i32, i32) {
    %c0_i32 = arith.constant 0 : i32
    %c0_i32_0 = arith.constant 0 : i32
    return %arg0, %c0_i32 : i32, i32
  }
  func.func @transform_2(%arg0: i32) -> (i32, i32) {
    %c0_i32 = arith.constant 0 : i32
    %c0_i32_0 = arith.constant 0 : i32
    return %arg0, %c0_i32 : i32, i32
  }
  func.func @transform_3(%arg0: i32) -> (i32, i32, i32) {
    %c0_i32 = arith.constant 0 : i32
    %c0_i32_0 = arith.constant 0 : i32
    %c0_i32_1 = arith.constant 0 : i32
    %c0_i32_2 = arith.constant 0 : i32
    return %c0_i32, %c0_i32_0, %c0_i32_1 : i32, i32, i32
  }
  func.func @transform_4(%arg0: i32) -> (i32, i32, i32) {
    %c0_i32 = arith.constant 0 : i32
    %c0_i32_0 = arith.constant 0 : i32
    %c0_i32_1 = arith.constant 0 : i32
    %c0_i32_2 = arith.constant 0 : i32
    return %c0_i32, %c0_i32_0, %c0_i32_1 : i32, i32, i32
  }
  func.func @transform_5(%arg0: i32) -> (i32, i32) {
    %c0_i32 = arith.constant 0 : i32
    %c0_i32_0 = arith.constant 0 : i32
    return %arg0, %c0_i32 : i32, i32
  }
}

module attributes {stable_mosaic.version = 14 : i64} {
  func.func @_mlp_body(%arg0: memref<10240x4xf32, #tpu.memory_space<vmem>>, %arg1: memref<4x32xf32, #tpu.memory_space<vmem>>, %arg2: memref<1x32xf32, #tpu.memory_space<vmem>>, %arg3: memref<32x32xf32, #tpu.memory_space<vmem>>, %arg4: memref<1x32xf32, #tpu.memory_space<vmem>>, %arg5: memref<10240x32xf32, #tpu.memory_space<vmem>>) attributes {dimension_semantics = [], scalar_prefetch = 0 : i64, scratch_operands = 0 : i64, tpu.core_type = #tpu.core_type<tc>} {
    %get3A = arith.constant 0 : index
    %get3A_0 = arith.constant 0 : index
    %get3A_1 = vector.load %arg0[%get3A, %get3A_0] : memref<10240x4xf32, #tpu.memory_space<vmem>>, vector<10240x4xf32>
    %get3A_2 = arith.constant 0 : index
    %get3A_3 = arith.constant 0 : index
    %get3A_4 = vector.load %arg1[%get3A_2, %get3A_3] : memref<4x32xf32, #tpu.memory_space<vmem>>, vector<4x32xf32>
    %dot_general3A = arith.constant dense<0.000000e+00> : vector<10240x32xf32>
    %dot_general3A_5 = tpu.matmul %get3A_1, %get3A_4, %dot_general3A {dimension_numbers = #tpu.dot_dimension_numbers<[1], [0], [0], [1], [0, 0, 1, 1], [], []>, transpose_lhs_hint = false} : vector<10240x4xf32>, vector<4x32xf32>, vector<10240x32xf32> -> vector<10240x32xf32>
    %get3A_6 = arith.constant 0 : index
    %get3A_7 = arith.constant 0 : index
    %get3A_8 = vector.load %arg2[%get3A_6, %get3A_7] : memref<1x32xf32, #tpu.memory_space<vmem>>, vector<1x32xf32>
    %add3A = vector.broadcast %get3A_8 : vector<1x32xf32> to vector<10240x32xf32>
    %add3A_9 = arith.addf %dot_general3A_5, %add3A : vector<10240x32xf32>
    %max3A = arith.constant 0.000000e+00 : f32
    %max3A_10 = vector.broadcast %max3A : f32 to vector<10240x32xf32>
    %max3A_11 = arith.maximumf %add3A_9, %max3A_10 : vector<10240x32xf32>
    %get3A_12 = arith.constant 0 : index
    %get3A_13 = arith.constant 0 : index
    %get3A_14 = vector.load %arg3[%get3A_12, %get3A_13] : memref<32x32xf32, #tpu.memory_space<vmem>>, vector<32x32xf32>
    %dot_general3A_15 = arith.constant dense<0.000000e+00> : vector<10240x32xf32>
    %dot_general3A_16 = tpu.matmul %max3A_11, %get3A_14, %dot_general3A_15 {dimension_numbers = #tpu.dot_dimension_numbers<[1], [0], [0], [1], [0, 0, 1, 1], [], []>, transpose_lhs_hint = false} : vector<10240x32xf32>, vector<32x32xf32>, vector<10240x32xf32> -> vector<10240x32xf32>
    %get3A_17 = arith.constant 0 : index
    %get3A_18 = arith.constant 0 : index
    %get3A_19 = vector.load %arg4[%get3A_17, %get3A_18] : memref<1x32xf32, #tpu.memory_space<vmem>>, vector<1x32xf32>
    %add3A_20 = vector.broadcast %get3A_19 : vector<1x32xf32> to vector<10240x32xf32>
    %add3A_21 = arith.addf %dot_general3A_16, %add3A_20 : vector<10240x32xf32>
    %swap3A = arith.constant 0 : index
    %swap3A_22 = arith.constant 0 : index
    %swap3A_23 = vector.load %arg5[%swap3A, %swap3A_22] : memref<10240x32xf32, #tpu.memory_space<vmem>>, vector<10240x32xf32>
    tpu.vector_store %arg5[%swap3A, %swap3A_22], %add3A_21 {strides = array<i32>} : memref<10240x32xf32, #tpu.memory_space<vmem>>, vector<10240x32xf32>,
    return
  }
}

module attributes {stable_mosaic.version = 14 : i64} {
  func.func @_mlp_body(%arg0: memref<10240x32xf32, #tpu.memory_space<vmem>>, %arg1: memref<32x32xf32, #tpu.memory_space<vmem>>, %arg2: memref<1x32xf32, #tpu.memory_space<vmem>>, %arg3: memref<32x32xf32, #tpu.memory_space<vmem>>, %arg4: memref<1x32xf32, #tpu.memory_space<vmem>>, %arg5: memref<10240x32xf32, #tpu.memory_space<vmem>>) attributes {dimension_semantics = [], scalar_prefetch = 0 : i64, scratch_operands = 0 : i64, tpu.core_type = #tpu.core_type<tc>} {
    %get3A = arith.constant 0 : index
    %get3A_0 = arith.constant 0 : index
    %get3A_1 = vector.load %arg0[%get3A, %get3A_0] : memref<10240x32xf32, #tpu.memory_space<vmem>>, vector<10240x32xf32>
    %get3A_2 = arith.constant 0 : index
    %get3A_3 = arith.constant 0 : index
    %get3A_4 = vector.load %arg1[%get3A_2, %get3A_3] : memref<32x32xf32, #tpu.memory_space<vmem>>, vector<32x32xf32>
    %dot_general3A = arith.constant dense<0.000000e+00> : vector<10240x32xf32>
    %dot_general3A_5 = tpu.matmul %get3A_1, %get3A_4, %dot_general3A {dimension_numbers = #tpu.dot_dimension_numbers<[1], [0], [0], [1], [0, 0, 1, 1], [], []>, transpose_lhs_hint = false} : vector<10240x32xf32>, vector<32x32xf32>, vector<10240x32xf32> -> vector<10240x32xf32>
    %get3A_6 = arith.constant 0 : index
    %get3A_7 = arith.constant 0 : index
    %get3A_8 = vector.load %arg2[%get3A_6, %get3A_7] : memref<1x32xf32, #tpu.memory_space<vmem>>, vector<1x32xf32>
    %add3A = vector.broadcast %get3A_8 : vector<1x32xf32> to vector<10240x32xf32>
    %add3A_9 = arith.addf %dot_general3A_5, %add3A : vector<10240x32xf32>
    %max3A = arith.constant 0.000000e+00 : f32
    %max3A_10 = vector.broadcast %max3A : f32 to vector<10240x32xf32>
    %max3A_11 = arith.maximumf %add3A_9, %max3A_10 : vector<10240x32xf32>
    %get3A_12 = arith.constant 0 : index
    %get3A_13 = arith.constant 0 : index
    %get3A_14 = vector.load %arg3[%get3A_12, %get3A_13] : memref<32x32xf32, #tpu.memory_space<vmem>>, vector<32x32xf32>
    %dot_general3A_15 = arith.constant dense<0.000000e+00> : vector<10240x32xf32>
    %dot_general3A_16 = tpu.matmul %max3A_11, %get3A_14, %dot_general3A_15 {dimension_numbers = #tpu.dot_dimension_numbers<[1], [0], [0], [1], [0, 0, 1, 1], [], []>, transpose_lhs_hint = false} : vector<10240x32xf32>, vector<32x32xf32>, vector<10240x32xf32> -> vector<10240x32xf32>
    %get3A_17 = arith.constant 0 : index
    %get3A_18 = arith.constant 0 : index
    %get3A_19 = vector.load %arg4[%get3A_17, %get3A_18] : memref<1x32xf32, #tpu.memory_space<vmem>>, vector<1x32xf32>
    %add3A_20 = vector.broadcast %get3A_19 : vector<1x32xf32> to vector<10240x32xf32>
    %add3A_21 = arith.addf %dot_general3A_16, %add3A_20 : vector<10240x32xf32>
    %swap3A = arith.constant 0 : index
    %swap3A_22 = arith.constant 0 : index
    %swap3A_23 = vector.load %arg5[%swap3A, %swap3A_22] : memref<10240x32xf32, #tpu.memory_space<vmem>>, vector<10240x32xf32>
    tpu.vector_store %arg5[%swap3A, %swap3A_22], %add3A_21 {strides = array<i32>} : memref<10240x32xf32, #tpu.memory_space<vmem>>, vector<10240x32xf32>,
    return
  }
}

module attributes {stable_mosaic.version = 14 : i64} {
  func.func @_pool_body(%arg0: memref<17xi32, #tpu.memory_space<smem>>, %arg1: memref<40x256x32xf32, #tpu.memory_space<vmem>>, %arg2: memref<40x256x1xi32, #tpu.memory_space<vmem>>, %arg3: memref<32x6xf32, #tpu.memory_space<vmem>>, %arg4: memref<1x6xf32, #tpu.memory_space<vmem>>, %arg5: memref<16x6xf32, #tpu.memory_space<vmem>>, %arg6: memref<16x32xf32, #tpu.memory_space<vmem>>) attributes {dimension_semantics = [], scalar_prefetch = 0 : i64, scratch_operands = 1 : i64, tpu.core_type = #tpu.core_type<tc>} {
    %scan3A = arith.constant 0 : i32
    %scan3A_0 = arith.constant 16 : i32
    %scan3A_1 = arith.addi %scan3A, %scan3A_0 : i32
    %scan3A_2 = arith.constant 1 : i32
    scf.for %scan3A_16 = %scan3A to %scan3A_1 step %scan3A_2  : i32 {
      %get3A_17 = arith.index_cast %scan3A_16 : i32 to index
      %get3A_18 = memref.load %arg0[%get3A_17] : memref<17xi32, #tpu.memory_space<smem>>
      %jit3A = arith.constant 256 : i32
      %div3A = arith.divsi %get3A_18, %jit3A : i32
      %sign3A = arith.constant 0 : i32
      %sign3A_19 = arith.cmpi sgt, %get3A_18, %sign3A : i32
      %sign3A_20 = arith.extui %sign3A_19 : i1 to i32
      %sign3A_21 = arith.constant 0 : i32
      %sign3A_22 = arith.cmpi slt, %get3A_18, %sign3A_21 : i32
      %sign3A_23 = arith.extui %sign3A_22 : i1 to i32
      %sign3A_24 = arith.subi %sign3A_20, %sign3A_23 : i32
      %sign3A_25 = arith.constant 0 : i32
      %sign3A_26 = arith.cmpi sgt, %jit3A, %sign3A_25 : i32
      %sign3A_27 = arith.extui %sign3A_26 : i1 to i32
      %sign3A_28 = arith.constant 0 : i32
      %sign3A_29 = arith.cmpi slt, %jit3A, %sign3A_28 : i32
      %sign3A_30 = arith.extui %sign3A_29 : i1 to i32
      %sign3A_31 = arith.subi %sign3A_27, %sign3A_30 : i32
      %ne3A = arith.cmpi ne, %sign3A_24, %sign3A_31 : i32
      %rem3A = arith.remsi %get3A_18, %jit3A : i32
      %ne3A_32 = arith.constant 0 : i32
      %ne3A_33 = arith.cmpi ne, %rem3A, %ne3A_32 : i32
      %and3A = arith.andi %ne3A, %ne3A_33 : i1
      %sub3A = arith.constant 1 : i32
      %sub3A_34 = arith.subi %div3A, %sub3A : i32
      %select_n3A = arith.select %and3A, %sub3A_34, %div3A : i32
      %add3A_35 = arith.constant 1 : i32
      %add3A_36 = arith.addi %scan3A_16, %add3A_35 : i32
      %get3A_37 = arith.index_cast %add3A_36 : i32 to index
      %get3A_38 = memref.load %arg0[%get3A_37] : memref<17xi32, #tpu.memory_space<smem>>
      %add3A_39 = arith.constant 256 : i32
      %add3A_40 = arith.addi %get3A_38, %add3A_39 : i32
      %sub3A_41 = arith.constant 1 : i32
      %sub3A_42 = arith.subi %add3A_40, %sub3A_41 : i32
      %jit3A_43 = arith.constant 256 : i32
      %div3A_44 = arith.divsi %sub3A_42, %jit3A_43 : i32
      %sign3A_45 = arith.constant 0 : i32
      %sign3A_46 = arith.cmpi sgt, %sub3A_42, %sign3A_45 : i32
      %sign3A_47 = arith.extui %sign3A_46 : i1 to i32
      %sign3A_48 = arith.constant 0 : i32
      %sign3A_49 = arith.cmpi slt, %sub3A_42, %sign3A_48 : i32
      %sign3A_50 = arith.extui %sign3A_49 : i1 to i32
      %sign3A_51 = arith.subi %sign3A_47, %sign3A_50 : i32
      %sign3A_52 = arith.constant 0 : i32
      %sign3A_53 = arith.cmpi sgt, %jit3A_43, %sign3A_52 : i32
      %sign3A_54 = arith.extui %sign3A_53 : i1 to i32
      %sign3A_55 = arith.constant 0 : i32
      %sign3A_56 = arith.cmpi slt, %jit3A_43, %sign3A_55 : i32
      %sign3A_57 = arith.extui %sign3A_56 : i1 to i32
      %sign3A_58 = arith.subi %sign3A_54, %sign3A_57 : i32
      %ne3A_59 = arith.cmpi ne, %sign3A_51, %sign3A_58 : i32
      %rem3A_60 = arith.remsi %sub3A_42, %jit3A_43 : i32
      %ne3A_61 = arith.constant 0 : i32
      %ne3A_62 = arith.cmpi ne, %rem3A_60, %ne3A_61 : i32
      %and3A_63 = arith.andi %ne3A_59, %ne3A_62 : i1
      %sub3A_64 = arith.constant 1 : i32
      %sub3A_65 = arith.subi %div3A_44, %sub3A_64 : i32
      %select_n3A_66 = arith.select %and3A_63, %sub3A_65, %div3A_44 : i32
      %broadcast_in_dim3A = arith.constant 0xFF800000 : f32
      %broadcast_in_dim3A_67 = vector.broadcast %broadcast_in_dim3A : f32 to vector<1x32xf32>
      %while3A = arith.subi %select_n3A_66, %select_n3A : i32
      %while3A_68 = arith.addi %select_n3A, %while3A : i32
      %while3A_69 = arith.constant 1 : i32
      %while3A_70 = arith.divsi %while3A, %while3A_69 : i32
      %while3A_71 = arith.muli %while3A_70, %while3A_69 : i32
      %while3A_72 = arith.addi %select_n3A, %while3A_71 : i32
      %while3A_73 = arith.constant 1 : i32
      %while3A_74 = scf.for %while3A_80 = %select_n3A to %while3A_72 step %while3A_73 iter_args(%while3A_81 = %broadcast_in_dim3A_67) -> (vector<1x32xf32>)  : i32 {
        %get3A_82 = arith.index_cast %while3A_80 : i32 to index
        %get3A_83 = arith.constant 0 : index
        %get3A_84 = arith.constant 0 : index
        %get3A_85 = vector.load %arg1[%get3A_82, %get3A_83, %get3A_84] : memref<40x256x32xf32, #tpu.memory_space<vmem>>, vector<1x256x32xf32>
        %get3A_86 = vector.shape_cast %get3A_85 : vector<1x256x32xf32> to vector<256x32xf32>
        %get3A_87 = arith.index_cast %while3A_80 : i32 to index
        %get3A_88 = arith.constant 0 : index
        %get3A_89 = arith.constant 0 : index
        %get3A_90 = vector.load %arg2[%get3A_87, %get3A_88, %get3A_89] : memref<40x256x1xi32, #tpu.memory_space<vmem>>, vector<1x256x1xi32>
        %get3A_91 = vector.shape_cast %get3A_90 : vector<1x256x1xi32> to vector<256x1xi32>
        %eq3A = vector.broadcast %scan3A_16 : i32 to vector<256x1xi32>
        %eq3A_92 = arith.cmpi eq, %get3A_91, %eq3A : vector<256x1xi32>
        %jit3A_93 = arith.constant 0xFF800000 : f32
        %broadcast_in_dim3A_94 = vector.shape_cast %eq3A_92 : vector<256x1xi1> to vector<256x1xi1>
        %broadcast_in_dim3A_95 = vector.broadcast %broadcast_in_dim3A_94 : vector<256x1xi1> to vector<256x32xi1>
        %broadcast_in_dim3A_96 = vector.broadcast %jit3A_93 : f32 to vector<256x32xf32>
        %select_n3A_97 = arith.select %broadcast_in_dim3A_95, %get3A_86, %broadcast_in_dim3A_96 : vector<256x32xi1>, vector<256x32xf32>
        %reduce_max3A = arith.constant dense<0xFF800000> : vector<32xf32>
        %reduce_max3A_98 = vector.multi_reduction <maximumf>, %select_n3A_97, %reduce_max3A [0] : vector<256x32xf32> to vector<32xf32>
        %broadcast_in_dim3A_99 = vector.shape_cast %reduce_max3A_98 : vector<32xf32> to vector<1x32xf32>
        %max3A = arith.maximumf %while3A_81, %broadcast_in_dim3A_99 : vector<1x32xf32>
        scf.yield %max3A : vector<1x32xf32>
      }
      %while3A_75 = arith.constant 1 : i32
      %while3A_76 = scf.for %while3A_80 = %while3A_72 to %while3A_68 step %while3A_75 iter_args(%while3A_81 = %while3A_74) -> (vector<1x32xf32>)  : i32 {
        %get3A_82 = arith.index_cast %while3A_80 : i32 to index
        %get3A_83 = arith.constant 0 : index
        %get3A_84 = arith.constant 0 : index
        %get3A_85 = vector.load %arg1[%get3A_82, %get3A_83, %get3A_84] : memref<40x256x32xf32, #tpu.memory_space<vmem>>, vector<1x256x32xf32>
        %get3A_86 = vector.shape_cast %get3A_85 : vector<1x256x32xf32> to vector<256x32xf32>
        %get3A_87 = arith.index_cast %while3A_80 : i32 to index
        %get3A_88 = arith.constant 0 : index
        %get3A_89 = arith.constant 0 : index
        %get3A_90 = vector.load %arg2[%get3A_87, %get3A_88, %get3A_89] : memref<40x256x1xi32, #tpu.memory_space<vmem>>, vector<1x256x1xi32>
        %get3A_91 = vector.shape_cast %get3A_90 : vector<1x256x1xi32> to vector<256x1xi32>
        %eq3A = vector.broadcast %scan3A_16 : i32 to vector<256x1xi32>
        %eq3A_92 = arith.cmpi eq, %get3A_91, %eq3A : vector<256x1xi32>
        %jit3A_93 = arith.constant 0xFF800000 : f32
        %broadcast_in_dim3A_94 = vector.shape_cast %eq3A_92 : vector<256x1xi1> to vector<256x1xi1>
        %broadcast_in_dim3A_95 = vector.broadcast %broadcast_in_dim3A_94 : vector<256x1xi1> to vector<256x32xi1>
        %broadcast_in_dim3A_96 = vector.broadcast %jit3A_93 : f32 to vector<256x32xf32>
        %select_n3A_97 = arith.select %broadcast_in_dim3A_95, %get3A_86, %broadcast_in_dim3A_96 : vector<256x32xi1>, vector<256x32xf32>
        %reduce_max3A = arith.constant dense<0xFF800000> : vector<32xf32>
        %reduce_max3A_98 = vector.multi_reduction <maximumf>, %select_n3A_97, %reduce_max3A [0] : vector<256x32xf32> to vector<32xf32>
        %broadcast_in_dim3A_99 = vector.shape_cast %reduce_max3A_98 : vector<32xf32> to vector<1x32xf32>
        %max3A = arith.maximumf %while3A_81, %broadcast_in_dim3A_99 : vector<1x32xf32>
        scf.yield %max3A : vector<1x32xf32>
      }
      %swap3A_77 = arith.index_cast %scan3A_16 : i32 to index
      %swap3A_78 = arith.constant 0 : index
      %swap3A_79 = vector.load %arg6[%swap3A_77, %swap3A_78] : memref<16x32xf32, #tpu.memory_space<vmem>>, vector<1x32xf32>
      tpu.vector_store %arg6[%swap3A_77, %swap3A_78], %while3A_76 {strides = array<i32>} : memref<16x32xf32, #tpu.memory_space<vmem>>, vector<1x32xf32>,
    }
    %scan3A_3 = arith.constant 16 : i32
    %get3A = arith.constant 0 : index
    %get3A_4 = arith.constant 0 : index
    %get3A_5 = vector.load %arg6[%get3A, %get3A_4] : memref<16x32xf32, #tpu.memory_space<vmem>>, vector<16x32xf32>
    %get3A_6 = arith.constant 0 : index
    %get3A_7 = arith.constant 0 : index
    %get3A_8 = vector.load %arg3[%get3A_6, %get3A_7] : memref<32x6xf32, #tpu.memory_space<vmem>>, vector<32x6xf32>
    %dot_general3A = arith.constant dense<0.000000e+00> : vector<16x6xf32>
    %dot_general3A_9 = tpu.matmul %get3A_5, %get3A_8, %dot_general3A {dimension_numbers = #tpu.dot_dimension_numbers<[1], [0], [0], [1], [0, 0, 1, 1], [], []>, transpose_lhs_hint = false} : vector<16x32xf32>, vector<32x6xf32>, vector<16x6xf32> -> vector<16x6xf32>
    %get3A_10 = arith.constant 0 : index
    %get3A_11 = arith.constant 0 : index
    %get3A_12 = vector.load %arg4[%get3A_10, %get3A_11] : memref<1x6xf32, #tpu.memory_space<vmem>>, vector<1x6xf32>
    %add3A = vector.broadcast %get3A_12 : vector<1x6xf32> to vector<16x6xf32>
    %add3A_13 = arith.addf %dot_general3A_9, %add3A : vector<16x6xf32>
    %swap3A = arith.constant 0 : index
    %swap3A_14 = arith.constant 0 : index
    %swap3A_15 = vector.load %arg5[%swap3A, %swap3A_14] : memref<16x6xf32, #tpu.memory_space<vmem>>, vector<16x6xf32>
    tpu.vector_store %arg5[%swap3A, %swap3A_14], %add3A_13 {strides = array<i32>} : memref<16x6xf32, #tpu.memory_space<vmem>>, vector<16x6xf32>,
    return
  }
}

</mosaic_0001>

<sc_bundles>
// kernel: kernel.10.cloned.1.call-start
scs
__scs_entry_jumppad:
0x0: {  	(pc) =	sbr.rel $0x88, $3  }
0x1: {  	(tag) =	ssettag $0x0;
	lr =	simm.s32 $0x1  }
0x2: {  	[smem:$0x3F90] =	sst lr;
	_ =	strace $0xD0000000  }
0x3: {  	_ = 	snop  }
0x4: {  	_ = 	snop  }
0x5: {  	_ = 	snop  }
0x6: {  	_ = 	snop  }
0x7: {  	_ = 	snop  }
__scs_overlays_trampoline_lowered:
0x8: {  	[smem:$0x3F9F] =	sst s0  }
0x9: {  	[smem:$0x3FA0] =	sst s1  }
0xa: {  	[smem:$0x3FA1] =	sst s2  }
0xb: {  	[smem:$0x3FA2] =	sst s3  }
0xc: {  	[smem:$0x3FA3] =	sst s4  }
0xd: {  	[smem:$0x3FA4] =	sst s5  }
0xe: {  	[smem:$0x3FA5] =	sst s6  }
0xf: {  	[smem:$0x3FA6] =	sst s7  }
0x10: {  	[smem:$0x3FA7] =	sst s8  }
0x11: {  	[smem:$0x3FA8] =	sst s9;
	s0 =	simm.s32 @!p0 $0x0  }
0x12: {  	s1 =	sld [smem:$0x3F8E];
	s0 =	simm.s32 @p0 $0x1  }
0x13: {  	[smem:$0x3FA9] =	sst s0;
	s0 =	simm.s32 @!p1 $0x0  }
0x14: {  	s2 =	sld [smem:$0x3F8D];
	s0 =	simm.s32 @p1 $0x1  }
0x15: {  	[smem:$0x3FAA] =	sst s0;
	s0 =	simm.s32 @!p2 $0x0  }
0x16: {  	s3 =	sld [smem:$0x3FDB];
	s0 =	simm.s32 @p2 $0x1  }
0x17: {  	s4 =	simm.s32 $0x1BF5;
	[smem:$0x3FAC] =	sst s0  }
0x18: {  	s0 =	sld [smem:$0x3F8F];
	_ =	swait.ge [sflag:s4], $0x0  }
0x19: {  	s7 =	sld [smem:$0x3F90]  }
0x1a: {  	s8 =	sadd.s32 $0xFFFFE003, lr  }
0x1b: {  	s9 =	sadd.s32 $0xFFFFFEF7, lr;
	s5 =	simm.s32 $0xFFFFFFFF;
	p2 =	slt.u32 s8, $0xFFFFF086  }
0x1c: {  	p1 =	slt.u32 s9, $0xF7A;
	s5 =	simm.s32 @!p2 $0x0  }
0x1d: {  	s5 =	simm.s32 @p1 $0x1;
	p0 =	seq.s32 s7, s2  }
0x1e: {  	s7 =	smul.u32 @!p0 $0xF7A, s2;
	p2 =	seq.s32 @!p0 s5, $0x0  }
0x1f: {  	s9 =	smul.u32 $0xF7A, s1;
	s8 =	simm.s32 @!p0 $0x1BF5;
	p2 =	por !p2, p0  }
0x20: {  	[sflag:s8] =	ssyncset.s32 @!p0 $0xFFFFF086;
	s6 =	sadd.s32 @!p0 s3, s7;
	s7 =	simm.s32 @!p0 $0x108  }
0x21: {  	s3 =	sadd.s32 s3, s9;
	s6 =	sadd.s32 @!p0 $0x88, s6;
	s7 =	simm.s32 @p2 $0x1082  }
0x22: {  	[simem:s7], [sflag:s8] =	dma.local @!p0 [hbm:s6], $0xF7A  }
0x23: {  	s9 =	sor.u32 $0xD0000000, s2;
	s6 =	simm.s32 $0x108;
	_ =	swait.ge @!p0 [sflag:s8], $0x0  }
0x24: {  	s3 =	sadd.s32 $0x88, s3;
	s6 =	simm.s32 @!p1 $0x1082;
	[sflag:s4] =	ssyncset.s32 $0xFFFFF086  }
0x25: {  	[simem:s6], [sflag:s4] =	dma.local [hbm:s3], $0xF7A  }
0x26: {  	[smem:$0x3F90] =	sst s1;
	(tag) =	ssettag s2;
	_ =	strace s9  }
0x27: {  	s1 =	sld [smem:$0x3FA0]  }
0x28: {  	s2 =	sld [smem:$0x3FA1]  }
0x29: {  	s4 =	sld [smem:$0x3FA3]  }
0x2a: {  	p0 =	seq.s32 s5, $0x0;
	s5 =	sld [smem:$0x3FA4]  }
0x2b: {  	s6 =	sld [smem:$0x3FA5]  }
0x2c: {  	s7 =	sld [smem:$0x3FA6]  }
0x2d: {  	s3 =	simm.s32 $0x108;
	s8 =	sld [smem:$0x3FA7]  }
0x2e: {  	s3 =	simm.s32 @!p0 $0x1082;
	s9 =	sld [smem:$0x3FA8]  }
0x2f: {  	lr =	sadd.s32 s0, s3;
	s0 =	sld [smem:$0x3F9F]  }
0x30: {  	s3 =	sld [smem:$0x3FA2]  }
0x31: {  	[smem:$0x3FAB] =	sst s10  }
0x32: {  	s10 =	sld [smem:$0x3FA9];
	_ =	sdelay $0x3  }
0x33: {  	p0 =	seq.s32 s10, $0x1;
	s10 =	sld [smem:$0x3FAB];
	_ =	sdelay $0x3  }
0x34: {  	[smem:$0x3FAB] =	sst s10  }
0x35: {  	s10 =	sld [smem:$0x3FAA];
	_ =	sdelay $0x3  }
0x36: {  	p1 =	seq.s32 s10, $0x1;
	s10 =	sld [smem:$0x3FAB];
	_ =	sdelay $0x3  }
0x37: {  	[smem:$0x3FAB] =	sst s10  }
0x38: {  	s10 =	sld [smem:$0x3FAC]  }
0x39: {  	_ = 	snop;
	(pc) =	sbr.ind lr, $3  }
0x3a: {  	_ = 	snop  }
0x3b: {  	_ = 	snop  }
0x3c: {  	p2 =	seq.s32 s10, $0x1;
	s10 =	sld [smem:$0x3FAB]  }
0x3d: {  	_ =	shalt  }
0x3e: {  	_ =	shalt  }
0x3f: {  	_ =	shalt  }
0x40: {  	_ =	shalt  }
0x41: {  	_ =	shalt  }
0x42: {  	_ =	shalt  }
0x43: {  	_ =	shalt  }
0x44: {  	_ =	shalt  }
0x45: {  	_ =	shalt  }
0x46: {  	_ =	shalt  }
0x47: {  	_ =	shalt  }
0x48: {  	_ =	shalt  }
0x49: {  	_ =	shalt  }
0x4a: {  	_ =	shalt  }
0x4b: {  	_ =	shalt  }
0x4c: {  	_ =	shalt  }
0x4d: {  	_ =	shalt  }
0x4e: {  	_ =	shalt  }
0x4f: {  	_ =	shalt  }
0x50: {  	_ =	shalt  }
0x51: {  	_ =	shalt  }
0x52: {  	_ =	shalt  }
0x53: {  	_ =	shalt  }
0x54: {  	_ =	shalt  }
0x55: {  	_ =	shalt  }
0x56: {  	_ =	shalt  }
0x57: {  	_ =	shalt  }
0x58: {  	_ =	shalt  }
0x59: {  	_ =	shalt  }
0x5a: {  	_ =	shalt  }
0x5b: {  	_ =	shalt  }
0x5c: {  	_ =	shalt  }
0x5d: {  	_ =	shalt  }
0x5e: {  	_ =	shalt  }
0x5f: {  	_ =	shalt  }
0x60: {  	_ =	shalt  }
0x61: {  	_ =	shalt  }
0x62: {  	_ =	shalt  }
0x63: {  	_ =	shalt  }
0x64: {  	_ =	shalt  }
0x65: {  	_ =	shalt  }
0x66: {  	_ =	shalt  }
0x67: {  	_ =	shalt  }
0x68: {  	_ =	shalt  }
0x69: {  	_ =	shalt  }
0x6a: {  	_ =	shalt  }
0x6b: {  	_ =	shalt  }
0x6c: {  	_ =	shalt  }
0x6d: {  	_ =	shalt  }
0x6e: {  	_ =	shalt  }
0x6f: {  	_ =	shalt  }
0x70: {  	_ =	shalt  }
0x71: {  	_ =	shalt  }
0x72: {  	_ =	shalt  }
0x73: {  	_ =	shalt  }
0x74: {  	_ =	shalt  }
0x75: {  	_ =	shalt  }
0x76: {  	_ =	shalt  }
0x77: {  	_ =	shalt  }
0x78: {  	_ =	shalt  }
0x79: {  	_ =	shalt  }
0x7a: {  	_ =	shalt  }
0x7b: {  	_ =	shalt  }
0x7c: {  	_ =	shalt  }
0x7d: {  	_ =	shalt  }
0x7e: {  	_ =	shalt  }
0x7f: {  	_ =	shalt  }
0x80: {  	_ =	shalt  }
0x81: {  	_ =	shalt  }
0x82: {  	_ =	shalt  }
0x83: {  	_ =	shalt  }
0x84: {  	_ =	shalt  }
0x85: {  	_ =	shalt  }
0x86: {  	_ =	shalt  }
0x87: {  	_ =	shalt  }
.Lfunc_end0:
.L_simem_size_0:
called_computation_lowered:
.L_overlay_start_0:
0x88: {  	s2 =	sld [smem:$0x3FD9]  }
0x89: {  	s3 =	sld [smem:$0x3FFE];
	_ =	sdelay $0x1  }
0x8a: {  	s1 =	srdreg.scid  }
0x8b: {  	s0 =	sand.u32 $0x1, s1  }
0x8c: {  	s16 =	sshll.u32 s0, $0xA;
	s2 =	sadd.s32 s3, s2  }
0x8d: {  	s2 =	sadd.s32 s2, s16  }
0x8e: {  	[smem:$0x3FB7] =	sst s2  }
0x8f: {  	_ = 	snop  }
0x90: {  	(tm) =	ssettm $0x1  }
0x91: {  	s17 =	sld [smem:$0x3FFB];
	_ =	sdelay $0x3  }
0x92: {  	_ =	strace s17  }
0x93: {  	s2 =	sld [smem:$0x3FFC];
	_ =	sdelay $0x3  }
0x94: {  	_ =	strace s2  }
0x95: {  	s2 =	sld [smem:$0x3FFD];
	_ =	sdelay $0x3  }
0x96: {  	_ =	strace s2  }
0x97: {  	_ =	strace $0x8FFFFFFF  }
0x98: {  	s18 =	sld [smem:$0x3FDB];
	_ =	sdelay $0x1  }
0x99: {  	s19 =	simm.s32 $_scs_section_size  }
0x9a: {  	s4 =	simm.s32 $_size__tile_overlayer_lowered;
	s5 =	simm.s32 $_tile_overlayer_lowered  }
0x9b: {  	s22 =	simm.s32 $0x1BFF;
	s21 =	sshll.u32 s5, $0x1;
	s2 =	sadd.s32 s19, s18  }
0x9c: {  	s6 =	simm.s32 $0x0;
	s20 =	sshll.u32 s4, $0x1;
	s4 =	sadd.s32 s21, s2  }
0x9d: {  	[timem:s6], [sflag:s22] =	dma.local [hbm:s4], s20  }
0x9e: {  	_ =	swait.ge [sflag:s22], s20  }
0x9f: {  	s3 =	ssub.s32 $0x0, s20;
	[sflag:s22] =	ssyncset.done $0x0  }
0xa0: {  	[sflag:s22] =	ssyncadd.s32 s3;
	_ =	sdelay $0x1  }
0xa1: {  	s23 =	simm.s32 $0x1B8B  }
0xa2: {  	_ =	swait.ge [sflag:s23], $0x1  }
0xa3: {  	[sflag:s23] =	ssyncset.done $0x0  }
0xa4: {  	s25 =	simm.s32 $0x1B8E;
	s24 =	sld [smem:$0x3FFE];
	[sflag:s23] =	ssyncadd.s32 $0xFFFFFFFF  }
0xa5: {  	s26 =	simm.s32 $execute0_lowered;
	[smem:$0x3FD2] =	sst s25  }
0xa6: {  	s4 =	sshll.u32 s26, $0x1;
	_ =	strace $0x80000046;
	[dreg:$0x1] =	wrdreg $0xFFFFFFFF  }
0xa7: {  	s28 =	simm.s32 $_size_execute0_lowered;
	s2 =	sadd.s32 s2, s4;
	[dreg:$0x0] =	wrdreg $0x0  }
0xa8: {  	s4 =	sshll.u32 s28, $0x1;
	[dreg:$0x2] =	wrdreg s2  }
0xa9: {  	[dreg:$0x3] =	wrdreg s4  }
0xaa: {  	[dreg:$0x4] =	wrdreg $0xC0  }
0xab: {  	_ =	task [dreg:s6], $0x5FFFF  }
0xac: {  	[dreg:$0x1] =	wrdreg $0xFFFFFFFF  }
0xad: {  	[dreg:$0x0] =	wrdreg $0x60  }
0xae: {  	[dreg:$0x2] =	wrdreg s24  }
0xaf: {  	[dreg:$0x3] =	wrdreg $0x9  }
0xb0: {  	_ =	task.clear_ibuf [dreg:s6], $0x4FFFF;
	_ =	strace $0x90000046  }
0xb1: {  	s29 =	simm.s32 $0x9;
	_ =	strace $0x80000048  }
0xb2: {  	_ =	swait.ge [sflag:s29], $0x1  }
0xb3: {  	[sflag:s29] =	ssyncadd.s32 $0xFFFFFFFF  }
0xb4: {  	_ =	strace $0x90000048  }
0xb5: {  	_ =	sfence  }
0xb6: {  	s30 =	sld [smem:$0x0];
	_ =	sdelay $0x2  }
0xb7: {  	s31 =	sshll.u32 s1, $0xD;
	s1 =	sshrl.u32 s1, $0x2  }
0xb8: {  	s3 =	sand.u32 $0x4000, s31;
	s1 =	sadd.s32 s1, s30  }
0xb9: {  	s0 =	sor.u32 s3, s0;
	s1 =	sshll.u32 s1, $0x11  }
0xba: {  	s0 =	sor.u32 s1, s0  }
0xbb: {  	s0 =	sadd.s32 $0x8F2B, s0  }
0xbc: {  	[sflag:s0] =	ssyncadd.remote.s32 $0x1  }
0xbd: {  	_ =	sfence.sel $0xFFFF  }
0xbe: {  	[dreg:$0x0] =	wrdreg $0xFFFFFFFF;
	(pc) =	sbr.abs _section_cstart, $3  }
0xbf: {  	[dreg:$0x1] =	wrdreg $0xFFFFFFFF  }
0xc0: {  	_ =	task.clear_ibuf [dreg:s6], $0x2FFFF;
	_ =	strace $0x9FFFFFFF  }
0xc1: {  	(tm) =	ssettm $0x7FFFFFFF  }
tec
execute0_lowered:
.L_overlay_start_1:
0x0: {  	(tag) =	ssettag $0x1  }
0x1: {  	s0 =	srdreg.scid  }
0x2: {  	s1 =	stileid.u32;
	s4 =	rddreg [dreg:$0x0]  }
0x3: {  	s2 =	simm.s32 $0x0;
	s7 =	simm.s32 $0x2;
	s8 =	simm.s32 $0x80  }
0x4: {  	s20 =	simm.s32 $0x6780;
	s21 =	simm.s32 $0x380;
	s22 =	simm.s32 $0x7780  }
0x5: {  	s23 =	simm.s32 $0x400;
	s24 =	simm.s32 $0x8780;
	s25 =	simm.s32 $0x480  }
0x6: {  	s26 =	simm.s32 $0x9780;
	s28 =	simm.s32 $0x500;
	s29 =	simm.s32 $0xA780  }
0x7: {  	s30 =	simm.s32 $0x580;
	s31 =	simm.s32 $0xB780;
	s9 =	simm.s32 $0x680  }
0x8: {  	s10 =	simm.s32 $0xD780;
	s11 =	simm.s32 $0x700;
	s12 =	simm.s32 $0xE780  }
0x9: {  	s13 =	simm.s32 $0x1;
	s0 =	sand.u32 $0x1, s0;
	s1 =	sshll.u32 s1, $0x1  }
0xa: {  	s14 =	simm.s32 $0xF780;
	s15 =	simm.s32 $0x0;
	s1 =	sor.u32 s0, s1  }
0xb: {  	[smem:$0x7FF] =	sst s2;
	s0 =	ssub.s32 $0x2, s0;
	s5 =	smul.u32 $0xF0, s1  }
0xc: {  	s3 =	sadd.s32 $0x5200, s4;
	s1 =	smul.u32 $0x500, s1;
	s6 =	sshrl.u32 s0, $0x1  }
0xd: {  	_ =	strace $0x80000047;
	s0 =	ssub.s32 s0, s6;
	s5 =	sadd.s32 s5, s4  }
0xe: {  	s1 =	sadd.s32 s1, s4;
	s6 =	smax.u32 s0, $0x1;
	s0 =	simm.s32 $0xC780  }
0xf: {  	s4 =	sadd.s32 $0x3400, s5;
	s5 =	sadd.s32 $0xF200, s1;
	s1 =	simm.s32 $0x600  }
.LBB2_1:
0x10: {  	[tilespmem:s2], [sflag:$0x2] =	stream.linear.gather [hbm4b:s4+s2], $0x780, $0x38;
	[tilespmem:$0x11F80] =	vst v63  }
0x11: {  	_ =	swait.ge [sflag:s7], $0x780  }
0x12: {  	[sflag:s7] =	ssyncset.done $0x0  }
0x13: {  	s16 =	simm.s32 $0x780;
	[sflag:s7] =	ssyncadd.s32 $0xFFFFF880  }
0x14: {  	[tilespmem:s16], [sflag:$0x1] =	stream.indirect.gather [hbm4b:s3+s8], $0x20, s2, s8, $0xb8;
	[tilespmem:$0x11F80] =	vst v63  }
0x15: {  	s18 =	simm.s32 $0x1780  }
0x16: {  	[tilespmem:s18], [sflag:$0x1] =	stream.indirect.gather [hbm4b:s3+s8], $0x20, s8, s8, $0xb8;
	[tilespmem:$0x11F80] =	vst v63  }
0x17: {  	s19 =	simm.s32 $0x100;
	s17 =	simm.s32 $0x2780  }
0x18: {  	[tilespmem:s17], [sflag:$0x1] =	stream.indirect.gather [hbm4b:s3+s8], $0x20, s19, s8, $0xb8;
	[tilespmem:$0x11F80] =	vst v63  }
0x19: {  	s18 =	simm.s32 $0x180;
	s19 =	simm.s32 $0x3780  }
0x1a: {  	[tilespmem:s19], [sflag:$0x1] =	stream.indirect.gather [hbm4b:s3+s8], $0x20, s18, s8, $0xb8;
	[tilespmem:$0x11F80] =	vst v63  }
0x1b: {  	s18 =	simm.s32 $0x200;
	s19 =	simm.s32 $0x4780  }
0x1c: {  	[tilespmem:s19], [sflag:$0x1] =	stream.indirect.gather [hbm4b:s3+s8], $0x20, s18, s8, $0xb8;
	[tilespmem:$0x11F80] =	vst v63  }
0x1d: {  	s17 =	simm.s32 $0x280;
	s18 =	simm.s32 $0x5780  }
0x1e: {  	[tilespmem:s18], [sflag:$0x1] =	stream.indirect.gather [hbm4b:s3+s8], $0x20, s17, s8, $0xb8;
	[tilespmem:$0x11F80] =	vst v63  }
0x1f: {  	s19 =	simm.s32 $0x300  }
0x20: {  	[tilespmem:s20], [sflag:$0x1] =	stream.indirect.gather [hbm4b:s3+s8], $0x20, s19, s8, $0xb8;
	[tilespmem:$0x11F80] =	vst v63  }
0x21: {  	_ = 	snop  }
0x22: {  	[tilespmem:s22], [sflag:$0x1] =	stream.indirect.gather [hbm4b:s3+s8], $0x20, s21, s8, $0xb8;
	[tilespmem:$0x11F80] =	vst v63  }
0x23: {  	_ = 	snop  }
0x24: {  	[tilespmem:s24], [sflag:$0x1] =	stream.indirect.gather [hbm4b:s3+s8], $0x20, s23, s8, $0xb8;
	[tilespmem:$0x11F80] =	vst v63  }
0x25: {  	_ = 	snop  }
0x26: {  	[tilespmem:s26], [sflag:$0x1] =	stream.indirect.gather [hbm4b:s3+s8], $0x20, s25, s8, $0xb8;
	[tilespmem:$0x11F80] =	vst v63  }
0x27: {  	_ = 	snop  }
0x28: {  	[tilespmem:s29], [sflag:$0x1] =	stream.indirect.gather [hbm4b:s3+s8], $0x20, s28, s8, $0xb8;
	[tilespmem:$0x11F80] =	vst v63  }
0x29: {  	_ = 	snop  }
0x2a: {  	[tilespmem:s31], [sflag:$0x1] =	stream.indirect.gather [hbm4b:s3+s8], $0x20, s30, s8, $0xb8;
	[tilespmem:$0x11F80] =	vst v63  }
0x2b: {  	_ = 	snop  }
0x2c: {  	[tilespmem:s0], [sflag:$0x1] =	stream.indirect.gather [hbm4b:s3+s8], $0x20, s1, s8, $0xb8;
	[tilespmem:$0x11F80] =	vst v63  }
0x2d: {  	_ = 	snop  }
0x2e: {  	[tilespmem:s10], [sflag:$0x1] =	stream.indirect.gather [hbm4b:s3+s8], $0x20, s9, s8, $0xb8;
	[tilespmem:$0x11F80] =	vst v63  }
0x2f: {  	_ = 	snop  }
0x30: {  	[tilespmem:s12], [sflag:$0x1] =	stream.indirect.gather [hbm4b:s3+s8], $0x20, s11, s8, $0xb8;
	[tilespmem:$0x11F80] =	vst v63  }
0x31: {  	_ =	swait.ge [sflag:s13], $0x1000  }
0x32: {  	[sflag:s13] =	ssyncset.done $0x0  }
0x33: {  	[sflag:s13] =	ssyncadd.s32 $0xFFFFF000  }
0x34: {  	_ =	swait.ge [sflag:s13], $0x1000  }
0x35: {  	[sflag:s13] =	ssyncset.done $0x0  }
0x36: {  	[sflag:s13] =	ssyncadd.s32 $0xFFFFF000  }
0x37: {  	_ =	swait.ge [sflag:s13], $0x1000  }
0x38: {  	[sflag:s13] =	ssyncset.done $0x0  }
0x39: {  	[sflag:s13] =	ssyncadd.s32 $0xFFFFF000  }
0x3a: {  	_ =	swait.ge [sflag:s13], $0x1000  }
0x3b: {  	[sflag:s13] =	ssyncset.done $0x0  }
0x3c: {  	[sflag:s13] =	ssyncadd.s32 $0xFFFFF000  }
0x3d: {  	_ =	swait.ge [sflag:s13], $0x1000  }
0x3e: {  	[sflag:s13] =	ssyncset.done $0x0  }
0x3f: {  	[sflag:s13] =	ssyncadd.s32 $0xFFFFF000  }
0x40: {  	_ =	swait.ge [sflag:s13], $0x1000  }
0x41: {  	[sflag:s13] =	ssyncset.done $0x0  }
0x42: {  	[sflag:s13] =	ssyncadd.s32 $0xFFFFF000  }
0x43: {  	_ =	swait.ge [sflag:s13], $0x1000  }
0x44: {  	[sflag:s13] =	ssyncset.done $0x0  }
0x45: {  	[sflag:s13] =	ssyncadd.s32 $0xFFFFF000  }
0x46: {  	_ =	swait.ge [sflag:s13], $0x1000  }
0x47: {  	[sflag:s13] =	ssyncset.done $0x0  }
0x48: {  	[sflag:s13] =	ssyncadd.s32 $0xFFFFF000  }
0x49: {  	_ =	swait.ge [sflag:s13], $0x1000  }
0x4a: {  	[sflag:s13] =	ssyncset.done $0x0  }
0x4b: {  	[sflag:s13] =	ssyncadd.s32 $0xFFFFF000  }
0x4c: {  	_ =	swait.ge [sflag:s13], $0x1000  }
0x4d: {  	[sflag:s13] =	ssyncset.done $0x0  }
0x4e: {  	[sflag:s13] =	ssyncadd.s32 $0xFFFFF000  }
0x4f: {  	_ =	swait.ge [sflag:s13], $0x1000  }
0x50: {  	[sflag:s13] =	ssyncset.done $0x0  }
0x51: {  	[sflag:s13] =	ssyncadd.s32 $0xFFFFF000  }
0x52: {  	_ =	swait.ge [sflag:s13], $0x1000  }
0x53: {  	[sflag:s13] =	ssyncset.done $0x0  }
0x54: {  	[sflag:s13] =	ssyncadd.s32 $0xFFFFF000  }
0x55: {  	_ =	swait.ge [sflag:s13], $0x1000  }
0x56: {  	[sflag:s13] =	ssyncset.done $0x0  }
0x57: {  	[sflag:s13] =	ssyncadd.s32 $0xFFFFF000  }
0x58: {  	_ =	swait.ge [sflag:s13], $0x1000  }
0x59: {  	[sflag:s13] =	ssyncset.done $0x0  }
0x5a: {  	[sflag:s13] =	ssyncadd.s32 $0xFFFFF000  }
0x5b: {  	_ =	swait.ge [sflag:s13], $0x1000  }
0x5c: {  	[sflag:s13] =	ssyncset.done $0x0  }
0x5d: {  	s16 =	simm.s32 $0x7E0;
	[sflag:s13] =	ssyncadd.s32 $0xFFFFF000  }
0x5e: {  	v0 =	vld [tilespmem:s16+$0xFFFFFFA0]  }
0x5f: {  	v1 =	vld [tilespmem:s16+$0xFFFFFFC0]  }
0x60: {  	v2 =	vld [tilespmem:s16+$0xFFFFFFE0]  }
0x61: {  	v3 =	vld [tilespmem:s16+$0x0]  }
0x62: {  	v4 =	vld [tilespmem:s16+$0x20]  }
0x63: {  	v5 =	vld [tilespmem:s16+$0x40]  }
0x64: {  	v0 =	vmax.f32 v0, v1  }
0x65: {  	v0 =	vmax.f32 v0, v2  }
0x66: {  	v0 =	vmax.f32 v0, v3  }
0x67: {  	v0 =	vmax.f32 v0, v4  }
0x68: {  	v0 =	vmax.f32 v0, v5  }
0x69: {  	s18 =	simm.s32 $0x0;
	v0 =	vmax.f32 v0, $0.0e+00  }
0x6a: {  	[tilespmem:s18+$0xF780] =	vst v0  }
0x6b: {  	v0 =	vld [tilespmem:s16+$0xFFFFFFB0]  }
0x6c: {  	v1 =	vld [tilespmem:s16+$0xFFFFFFD0]  }
0x6d: {  	v2 =	vld [tilespmem:s16+$0xFFFFFFF0]  }
0x6e: {  	v3 =	vld [tilespmem:s16+$0x10];
	_ =	sdelay $0x2  }
0x6f: {  	v63 =	vld [tilespmem:s16+$0x30];
	v0 =	vmax.f32 v0, v1  }
0x70: {  	v0 =	vmax.f32 v0, v2  }
0x71: {  	v1 =	vmax.f32 v0, v3;
	v0 =	vld [tilespmem:s16+$0x50];
	_ =	sdelay $0x2  }
0x72: {  	s17 =	simm.s32 $0x80;
	v1 =	vmax.f32 v1, v63  }
.LBB2_2:
0x73: {  	p0 =	sne.s32 s17, $0x9F80  }
0x74: {  	v0 =	vmax.f32 v1, v0;
	s16 =	sadd.s32 $0xC0, s16;
	s19 =	smov.u32 s17;
	s17 =	sadd.s32 $0x80, s17  }
0x75: {  	v0 =	vmax.f32 v0, $0.0e+00  }
0x76: {  	[tilespmem:s18+$0xF790] =	vst v0  }
0x77: {  	v0 =	vld [tilespmem:s16+$0xFFFFFFA0]  }
0x78: {  	v1 =	vld [tilespmem:s16+$0xFFFFFFC0]  }
0x79: {  	v2 =	vld [tilespmem:s16+$0xFFFFFFE0]  }
0x7a: {  	v3 =	vld [tilespmem:s16+$0x0]  }
0x7b: {  	v4 =	vld [tilespmem:s16+$0x20]  }
0x7c: {  	v5 =	vld [tilespmem:s16+$0x40]  }
0x7d: {  	v0 =	vmax.f32 v0, v1  }
0x7e: {  	v0 =	vmax.f32 v0, v2  }
0x7f: {  	v0 =	vmax.f32 v0, v3  }
0x80: {  	v0 =	vmax.f32 v0, v4  }
0x81: {  	v0 =	vmax.f32 v0, v5  }
0x82: {  	s18 =	sshra.s32 s19, $0x2;
	v0 =	vmax.f32 v0, $0.0e+00  }
0x83: {  	[tilespmem:s18+$0xF780] =	vst v0  }
0x84: {  	v1 =	vld [tilespmem:s16+$0xFFFFFFF0]  }
0x85: {  	v2 =	vld [tilespmem:s16+$0xFFFFFFB0]  }
0x86: {  	v3 =	vld [tilespmem:s16+$0xFFFFFFD0]  }
0x87: {  	v4 =	vld [tilespmem:s16+$0x10]  }
0x88: {  	v5 =	vld [tilespmem:s16+$0x30]  }
0x89: {  	v0 =	vld [tilespmem:s16+$0x50]  }
.Ltmp0:
0x8a: {  	(pc) =	sbr.rel @p0 .LBB2_2-.Ltmp0, $4  }
0x8b: {  	v2 =	vmax.f32 v2, v3  }
0x8c: {  	v1 =	vmax.f32 v2, v1  }
0x8d: {  	v1 =	vmax.f32 v1, v4  }
0x8e: {  	v1 =	vmax.f32 v1, v5  }
0x8f: {  	v0 =	vmax.f32 v1, v0;
	s15 =	sadd.s32 $0x1, s15  }
0x90: {  	v0 =	vmax.f32 v0, $0.0e+00;
	p0 =	sne.s32 s15, s6  }
.Ltmp1:
0x91: {  	[tilespmem:s18+$0xF790] =	vst v0;
	(pc) =	sbr.rel @p0 .LBB2_1-.Ltmp1, $4  }
0x92: {  	[hbm4b:s5+s2] =	stream.linear.scatter [tilespmem:s14], [sflag:$0x2], $0x2800, $0x38;
	[tilespmem:$0x11F80] =	vst v63  }
0x93: {  	_ =	swait.ge [sflag:s7], $0x2800  }
0x94: {  	[sflag:s7] =	ssyncset.done $0x0  }
0x95: {  	[sflag:s7] =	ssyncadd.s32 $0xFFFFD800  }
0x96: {  	_ =	sfence.sel $0x180000  }
0x97: {  	[bflag:$0x0] =	sbarrier.arrive $0xFFFF  }
0x98: {  	_ =	strace $0x90000047  }
0x99: {  	s0 =	stileid.u32;
	[bflag:$0x2] =	sbarrier.arrive $0xFFFF  }
0x9a: {  	p0 =	sne.s32 s0, $0x0;
	s0 =	rddreg [dreg:$0x1]  }
0x9b: {  	s0 =	sadd.s32 @!p0 $0x100000, s0  }
0x9c: {  	[sflag:s0] =	ssyncadd.tile.s32 @!p0 $0x1;
	_ =	shalt  }
.Lfunc_end2:
_tile_overlayer_lowered:
.L_overlay_start_2:
0x9d: {  	(tag) =	ssettag $0x2  }
0x9e: {  	s0 =	rddreg [dreg:$0x0];
	s2 =	stileid.u32  }
0x9f: {  	s1 =	rddreg [dreg:$0x1];
	p0 =	sne.s32 s2, $0x0  }
0xa0: {  	s3 =	rddreg [dreg:$0x2];
	[bflag:$0x3] =	sbarrier.arrive $0xFFFF;
	s2 =	simm.s32 @!p0 $0x1C02  }
0xa1: {  	[timem:s3], [sflag:s2] =	dma.local @!p0 [hbm:s0], s1  }
0xa2: {  	s0 =	simm.s32 @!p0 $0x2  }
0xa3: {  	_ =	swait.ge @!p0 [sflag:s0], s1  }
0xa4: {  	s1 =	ssub.s32 @!p0 $0x0, s1;
	[sflag:s0] =	ssyncset.done @!p0 $0x0  }
0xa5: {  	[sflag:s0] =	ssyncadd.s32 @!p0 s1  }
0xa6: {  	[bflag:$0x3] =	sbarrier.arrive $0xFFFF  }
0xa7: {  	_ =	shalt  }

// kernel: kernel.13.cloned.1.call-start
scs
__scs_entry_jumppad:
0x0: {  	(pc) =	sbr.rel $0x88, $3  }
0x1: {  	(tag) =	ssettag $0x0;
	lr =	simm.s32 $0x1  }
0x2: {  	[smem:$0x3F90] =	sst lr;
	_ =	strace $0xD0000000  }
0x3: {  	_ = 	snop  }
0x4: {  	_ = 	snop  }
0x5: {  	_ = 	snop  }
0x6: {  	_ = 	snop  }
0x7: {  	_ = 	snop  }
__scs_overlays_trampoline_lowered:
0x8: {  	[smem:$0x3F9F] =	sst s0  }
0x9: {  	[smem:$0x3FA0] =	sst s1  }
0xa: {  	[smem:$0x3FA1] =	sst s2  }
0xb: {  	[smem:$0x3FA2] =	sst s3  }
0xc: {  	[smem:$0x3FA3] =	sst s4  }
0xd: {  	[smem:$0x3FA4] =	sst s5  }
0xe: {  	[smem:$0x3FA5] =	sst s6  }
0xf: {  	[smem:$0x3FA6] =	sst s7  }
0x10: {  	[smem:$0x3FA7] =	sst s8  }
0x11: {  	[smem:$0x3FA8] =	sst s9;
	s0 =	simm.s32 @!p0 $0x0  }
0x12: {  	s1 =	sld [smem:$0x3F8E];
	s0 =	simm.s32 @p0 $0x1  }
0x13: {  	[smem:$0x3FA9] =	sst s0;
	s0 =	simm.s32 @!p1 $0x0  }
0x14: {  	s2 =	sld [smem:$0x3F8D];
	s0 =	simm.s32 @p1 $0x1  }
0x15: {  	[smem:$0x3FAA] =	sst s0;
	s0 =	simm.s32 @!p2 $0x0  }
0x16: {  	s3 =	sld [smem:$0x3FDB];
	s0 =	simm.s32 @p2 $0x1  }
0x17: {  	s4 =	simm.s32 $0x1BF5;
	[smem:$0x3FAC] =	sst s0  }
0x18: {  	s0 =	sld [smem:$0x3F8F];
	_ =	swait.ge [sflag:s4], $0x0  }
0x19: {  	s7 =	sld [smem:$0x3F90]  }
0x1a: {  	s8 =	sadd.s32 $0xFFFFE003, lr  }
0x1b: {  	s9 =	sadd.s32 $0xFFFFFEF7, lr;
	s5 =	simm.s32 $0xFFFFFFFF;
	p2 =	slt.u32 s8, $0xFFFFF086  }
0x1c: {  	p1 =	slt.u32 s9, $0xF7A;
	s5 =	simm.s32 @!p2 $0x0  }
0x1d: {  	s5 =	simm.s32 @p1 $0x1;
	p0 =	seq.s32 s7, s2  }
0x1e: {  	s7 =	smul.u32 @!p0 $0xF7A, s2;
	p2 =	seq.s32 @!p0 s5, $0x0  }
0x1f: {  	s9 =	smul.u32 $0xF7A, s1;
	s8 =	simm.s32 @!p0 $0x1BF5;
	p2 =	por !p2, p0  }
0x20: {  	[sflag:s8] =	ssyncset.s32 @!p0 $0xFFFFF086;
	s6 =	sadd.s32 @!p0 s3, s7;
	s7 =	simm.s32 @!p0 $0x108  }
0x21: {  	s3 =	sadd.s32 s3, s9;
	s6 =	sadd.s32 @!p0 $0x88, s6;
	s7 =	simm.s32 @p2 $0x1082  }
0x22: {  	[simem:s7], [sflag:s8] =	dma.local @!p0 [hbm:s6], $0xF7A  }
0x23: {  	s9 =	sor.u32 $0xD0000000, s2;
	s6 =	simm.s32 $0x108;
	_ =	swait.ge @!p0 [sflag:s8], $0x0  }
0x24: {  	s3 =	sadd.s32 $0x88, s3;
	s6 =	simm.s32 @!p1 $0x1082;
	[sflag:s4] =	ssyncset.s32 $0xFFFFF086  }
0x25: {  	[simem:s6], [sflag:s4] =	dma.local [hbm:s3], $0xF7A  }
0x26: {  	[smem:$0x3F90] =	sst s1;
	(tag) =	ssettag s2;
	_ =	strace s9  }
0x27: {  	s1 =	sld [smem:$0x3FA0]  }
0x28: {  	s2 =	sld [smem:$0x3FA1]  }
0x29: {  	s4 =	sld [smem:$0x3FA3]  }
0x2a: {  	p0 =	seq.s32 s5, $0x0;
	s5 =	sld [smem:$0x3FA4]  }
0x2b: {  	s6 =	sld [smem:$0x3FA5]  }
0x2c: {  	s7 =	sld [smem:$0x3FA6]  }
0x2d: {  	s3 =	simm.s32 $0x108;
	s8 =	sld [smem:$0x3FA7]  }
0x2e: {  	s3 =	simm.s32 @!p0 $0x1082;
	s9 =	sld [smem:$0x3FA8]  }
0x2f: {  	lr =	sadd.s32 s0, s3;
	s0 =	sld [smem:$0x3F9F]  }
0x30: {  	s3 =	sld [smem:$0x3FA2]  }
0x31: {  	[smem:$0x3FAB] =	sst s10  }
0x32: {  	s10 =	sld [smem:$0x3FA9];
	_ =	sdelay $0x3  }
0x33: {  	p0 =	seq.s32 s10, $0x1;
	s10 =	sld [smem:$0x3FAB];
	_ =	sdelay $0x3  }
0x34: {  	[smem:$0x3FAB] =	sst s10  }
0x35: {  	s10 =	sld [smem:$0x3FAA];
	_ =	sdelay $0x3  }
0x36: {  	p1 =	seq.s32 s10, $0x1;
	s10 =	sld [smem:$0x3FAB];
	_ =	sdelay $0x3  }
0x37: {  	[smem:$0x3FAB] =	sst s10  }
0x38: {  	s10 =	sld [smem:$0x3FAC]  }
0x39: {  	_ = 	snop;
	(pc) =	sbr.ind lr, $3  }
0x3a: {  	_ = 	snop  }
0x3b: {  	_ = 	snop  }
0x3c: {  	p2 =	seq.s32 s10, $0x1;
	s10 =	sld [smem:$0x3FAB]  }
0x3d: {  	_ =	shalt  }
0x3e: {  	_ =	shalt  }
0x3f: {  	_ =	shalt  }
0x40: {  	_ =	shalt  }
0x41: {  	_ =	shalt  }
0x42: {  	_ =	shalt  }
0x43: {  	_ =	shalt  }
0x44: {  	_ =	shalt  }
0x45: {  	_ =	shalt  }
0x46: {  	_ =	shalt  }
0x47: {  	_ =	shalt  }
0x48: {  	_ =	shalt  }
0x49: {  	_ =	shalt  }
0x4a: {  	_ =	shalt  }
0x4b: {  	_ =	shalt  }
0x4c: {  	_ =	shalt  }
0x4d: {  	_ =	shalt  }
0x4e: {  	_ =	shalt  }
0x4f: {  	_ =	shalt  }
0x50: {  	_ =	shalt  }
0x51: {  	_ =	shalt  }
0x52: {  	_ =	shalt  }
0x53: {  	_ =	shalt  }
0x54: {  	_ =	shalt  }
0x55: {  	_ =	shalt  }
0x56: {  	_ =	shalt  }
0x57: {  	_ =	shalt  }
0x58: {  	_ =	shalt  }
0x59: {  	_ =	shalt  }
0x5a: {  	_ =	shalt  }
0x5b: {  	_ =	shalt  }
0x5c: {  	_ =	shalt  }
0x5d: {  	_ =	shalt  }
0x5e: {  	_ =	shalt  }
0x5f: {  	_ =	shalt  }
0x60: {  	_ =	shalt  }
0x61: {  	_ =	shalt  }
0x62: {  	_ =	shalt  }
0x63: {  	_ =	shalt  }
0x64: {  	_ =	shalt  }
0x65: {  	_ =	shalt  }
0x66: {  	_ =	shalt  }
0x67: {  	_ =	shalt  }
0x68: {  	_ =	shalt  }
0x69: {  	_ =	shalt  }
0x6a: {  	_ =	shalt  }
0x6b: {  	_ =	shalt  }
0x6c: {  	_ =	shalt  }
0x6d: {  	_ =	shalt  }
0x6e: {  	_ =	shalt  }
0x6f: {  	_ =	shalt  }
0x70: {  	_ =	shalt  }
0x71: {  	_ =	shalt  }
0x72: {  	_ =	shalt  }
0x73: {  	_ =	shalt  }
0x74: {  	_ =	shalt  }
0x75: {  	_ =	shalt  }
0x76: {  	_ =	shalt  }
0x77: {  	_ =	shalt  }
0x78: {  	_ =	shalt  }
0x79: {  	_ =	shalt  }
0x7a: {  	_ =	shalt  }
0x7b: {  	_ =	shalt  }
0x7c: {  	_ =	shalt  }
0x7d: {  	_ =	shalt  }
0x7e: {  	_ =	shalt  }
0x7f: {  	_ =	shalt  }
0x80: {  	_ =	shalt  }
0x81: {  	_ =	shalt  }
0x82: {  	_ =	shalt  }
0x83: {  	_ =	shalt  }
0x84: {  	_ =	shalt  }
0x85: {  	_ =	shalt  }
0x86: {  	_ =	shalt  }
0x87: {  	_ =	shalt  }
.Lfunc_end0:
.L_simem_size_0:
called_computation.1_lowered:
.L_overlay_start_0:
0x88: {  	s2 =	sld [smem:$0x3FD9]  }
0x89: {  	s3 =	sld [smem:$0x3FFE];
	_ =	sdelay $0x1  }
0x8a: {  	s1 =	srdreg.scid  }
0x8b: {  	s0 =	sand.u32 $0x1, s1  }
0x8c: {  	s16 =	sshll.u32 s0, $0xA;
	s2 =	sadd.s32 s3, s2  }
0x8d: {  	s2 =	sadd.s32 s2, s16  }
0x8e: {  	[smem:$0x3FB7] =	sst s2  }
0x8f: {  	_ = 	snop  }
0x90: {  	(tm) =	ssettm $0x1  }
0x91: {  	s17 =	sld [smem:$0x3FFB];
	_ =	sdelay $0x3  }
0x92: {  	_ =	strace s17  }
0x93: {  	s2 =	sld [smem:$0x3FFC];
	_ =	sdelay $0x3  }
0x94: {  	_ =	strace s2  }
0x95: {  	s2 =	sld [smem:$0x3FFD];
	_ =	sdelay $0x3  }
0x96: {  	_ =	strace s2  }
0x97: {  	_ =	strace $0x8FFFFFFF  }
0x98: {  	s18 =	sld [smem:$0x3FDB];
	_ =	sdelay $0x1  }
0x99: {  	s19 =	simm.s32 $_scs_section_size  }
0x9a: {  	s4 =	simm.s32 $_size__tile_overlayer_lowered;
	s5 =	simm.s32 $_tile_overlayer_lowered  }
0x9b: {  	s22 =	simm.s32 $0x1BFF;
	s21 =	sshll.u32 s5, $0x1;
	s2 =	sadd.s32 s19, s18  }
0x9c: {  	s6 =	simm.s32 $0x0;
	s20 =	sshll.u32 s4, $0x1;
	s4 =	sadd.s32 s21, s2  }
0x9d: {  	[timem:s6], [sflag:s22] =	dma.local [hbm:s4], s20  }
0x9e: {  	_ =	swait.ge [sflag:s22], s20  }
0x9f: {  	s3 =	ssub.s32 $0x0, s20;
	[sflag:s22] =	ssyncset.done $0x0  }
0xa0: {  	[sflag:s22] =	ssyncadd.s32 s3;
	_ =	sdelay $0x1  }
0xa1: {  	s23 =	simm.s32 $0x1B8B  }
0xa2: {  	_ =	swait.ge [sflag:s23], $0x1  }
0xa3: {  	[sflag:s23] =	ssyncset.done $0x0  }
0xa4: {  	s25 =	simm.s32 $0x1B8E;
	s24 =	sld [smem:$0x3FFE];
	[sflag:s23] =	ssyncadd.s32 $0xFFFFFFFF  }
0xa5: {  	s26 =	simm.s32 $execute0_lowered;
	[smem:$0x3FD2] =	sst s25  }
0xa6: {  	s4 =	sshll.u32 s26, $0x1;
	_ =	strace $0x80000049;
	[dreg:$0x1] =	wrdreg $0xFFFFFFFF  }
0xa7: {  	s28 =	simm.s32 $_size_execute0_lowered;
	s2 =	sadd.s32 s2, s4;
	[dreg:$0x0] =	wrdreg $0x0  }
0xa8: {  	s4 =	sshll.u32 s28, $0x1;
	[dreg:$0x2] =	wrdreg s2  }
0xa9: {  	[dreg:$0x3] =	wrdreg s4  }
0xaa: {  	[dreg:$0x4] =	wrdreg $0xC0  }
0xab: {  	_ =	task [dreg:s6], $0x5FFFF  }
0xac: {  	[dreg:$0x1] =	wrdreg $0xFFFFFFFF  }
0xad: {  	[dreg:$0x0] =	wrdreg $0x60  }
0xae: {  	[dreg:$0x2] =	wrdreg s24  }
0xaf: {  	[dreg:$0x3] =	wrdreg $0x9  }
0xb0: {  	_ =	task.clear_ibuf [dreg:s6], $0x4FFFF;
	_ =	strace $0x90000049  }
0xb1: {  	s29 =	simm.s32 $0x9;
	_ =	strace $0x8000004B  }
0xb2: {  	_ =	swait.ge [sflag:s29], $0x1  }
0xb3: {  	[sflag:s29] =	ssyncadd.s32 $0xFFFFFFFF  }
0xb4: {  	_ =	strace $0x9000004B  }
0xb5: {  	_ =	sfence  }
0xb6: {  	s30 =	sld [smem:$0x0];
	_ =	sdelay $0x2  }
0xb7: {  	s31 =	sshll.u32 s1, $0xD;
	s1 =	sshrl.u32 s1, $0x2  }
0xb8: {  	s3 =	sand.u32 $0x4000, s31;
	s1 =	sadd.s32 s1, s30  }
0xb9: {  	s0 =	sor.u32 s3, s0;
	s1 =	sshll.u32 s1, $0x11  }
0xba: {  	s0 =	sor.u32 s1, s0  }
0xbb: {  	s0 =	sadd.s32 $0x8F2B, s0  }
0xbc: {  	[sflag:s0] =	ssyncadd.remote.s32 $0x1  }
0xbd: {  	_ =	sfence.sel $0xFFFF  }
0xbe: {  	[dreg:$0x0] =	wrdreg $0xFFFFFFFF;
	(pc) =	sbr.abs _section_cstart, $3  }
0xbf: {  	[dreg:$0x1] =	wrdreg $0xFFFFFFFF  }
0xc0: {  	_ =	task.clear_ibuf [dreg:s6], $0x2FFFF;
	_ =	strace $0x9FFFFFFF  }
0xc1: {  	(tm) =	ssettm $0x7FFFFFFF  }
tec
execute0_lowered:
.L_overlay_start_1:
0x0: {  	(tag) =	ssettag $0x1  }
0x1: {  	s0 =	srdreg.scid  }
0x2: {  	s1 =	stileid.u32;
	s4 =	rddreg [dreg:$0x0]  }
0x3: {  	s2 =	simm.s32 $0x0;
	s7 =	simm.s32 $0x2;
	s8 =	simm.s32 $0x80  }
0x4: {  	s20 =	simm.s32 $0x6780;
	s21 =	simm.s32 $0x380;
	s22 =	simm.s32 $0x7780  }
0x5: {  	s23 =	simm.s32 $0x400;
	s24 =	simm.s32 $0x8780;
	s25 =	simm.s32 $0x480  }
0x6: {  	s26 =	simm.s32 $0x9780;
	s28 =	simm.s32 $0x500;
	s29 =	simm.s32 $0xA780  }
0x7: {  	s30 =	simm.s32 $0x580;
	s31 =	simm.s32 $0xB780;
	s9 =	simm.s32 $0x680  }
0x8: {  	s10 =	simm.s32 $0xD780;
	s11 =	simm.s32 $0x700;
	s12 =	simm.s32 $0xE780  }
0x9: {  	s13 =	simm.s32 $0x1;
	s0 =	sand.u32 $0x1, s0;
	s1 =	sshll.u32 s1, $0x1  }
0xa: {  	s14 =	simm.s32 $0xF780;
	s15 =	simm.s32 $0x0;
	s1 =	sor.u32 s0, s1  }
0xb: {  	[smem:$0x7FF] =	sst s2;
	s0 =	ssub.s32 $0x2, s0;
	s5 =	smul.u32 $0xF0, s1  }
0xc: {  	s3 =	sadd.s32 $0x5200, s4;
	s1 =	smul.u32 $0x500, s1;
	s6 =	sshrl.u32 s0, $0x1  }
0xd: {  	_ =	strace $0x8000004A;
	s0 =	ssub.s32 s0, s6;
	s5 =	sadd.s32 s5, s4  }
0xe: {  	s1 =	sadd.s32 s1, s4;
	s6 =	smax.u32 s0, $0x1;
	s0 =	simm.s32 $0xC780  }
0xf: {  	s4 =	sadd.s32 $0x3400, s5;
	s5 =	sadd.s32 $0xF200, s1;
	s1 =	simm.s32 $0x600  }
.LBB2_1:
0x10: {  	[tilespmem:s2], [sflag:$0x2] =	stream.linear.gather [hbm4b:s4+s2], $0x780, $0x38;
	[tilespmem:$0x11F80] =	vst v63  }
0x11: {  	_ =	swait.ge [sflag:s7], $0x780  }
0x12: {  	[sflag:s7] =	ssyncset.done $0x0  }
0x13: {  	s16 =	simm.s32 $0x780;
	[sflag:s7] =	ssyncadd.s32 $0xFFFFF880  }
0x14: {  	[tilespmem:s16], [sflag:$0x1] =	stream.indirect.gather [hbm4b:s3+s8], $0x20, s2, s8, $0xb8;
	[tilespmem:$0x11F80] =	vst v63  }
0x15: {  	s18 =	simm.s32 $0x1780  }
0x16: {  	[tilespmem:s18], [sflag:$0x1] =	stream.indirect.gather [hbm4b:s3+s8], $0x20, s8, s8, $0xb8;
	[tilespmem:$0x11F80] =	vst v63  }
0x17: {  	s19 =	simm.s32 $0x100;
	s17 =	simm.s32 $0x2780  }
0x18: {  	[tilespmem:s17], [sflag:$0x1] =	stream.indirect.gather [hbm4b:s3+s8], $0x20, s19, s8, $0xb8;
	[tilespmem:$0x11F80] =	vst v63  }
0x19: {  	s18 =	simm.s32 $0x180;
	s19 =	simm.s32 $0x3780  }
0x1a: {  	[tilespmem:s19], [sflag:$0x1] =	stream.indirect.gather [hbm4b:s3+s8], $0x20, s18, s8, $0xb8;
	[tilespmem:$0x11F80] =	vst v63  }
0x1b: {  	s18 =	simm.s32 $0x200;
	s19 =	simm.s32 $0x4780  }
0x1c: {  	[tilespmem:s19], [sflag:$0x1] =	stream.indirect.gather [hbm4b:s3+s8], $0x20, s18, s8, $0xb8;
	[tilespmem:$0x11F80] =	vst v63  }
0x1d: {  	s17 =	simm.s32 $0x280;
	s18 =	simm.s32 $0x5780  }
0x1e: {  	[tilespmem:s18], [sflag:$0x1] =	stream.indirect.gather [hbm4b:s3+s8], $0x20, s17, s8, $0xb8;
	[tilespmem:$0x11F80] =	vst v63  }
0x1f: {  	s19 =	simm.s32 $0x300  }
0x20: {  	[tilespmem:s20], [sflag:$0x1] =	stream.indirect.gather [hbm4b:s3+s8], $0x20, s19, s8, $0xb8;
	[tilespmem:$0x11F80] =	vst v63  }
0x21: {  	_ = 	snop  }
0x22: {  	[tilespmem:s22], [sflag:$0x1] =	stream.indirect.gather [hbm4b:s3+s8], $0x20, s21, s8, $0xb8;
	[tilespmem:$0x11F80] =	vst v63  }
0x23: {  	_ = 	snop  }
0x24: {  	[tilespmem:s24], [sflag:$0x1] =	stream.indirect.gather [hbm4b:s3+s8], $0x20, s23, s8, $0xb8;
	[tilespmem:$0x11F80] =	vst v63  }
0x25: {  	_ = 	snop  }
0x26: {  	[tilespmem:s26], [sflag:$0x1] =	stream.indirect.gather [hbm4b:s3+s8], $0x20, s25, s8, $0xb8;
	[tilespmem:$0x11F80] =	vst v63  }
0x27: {  	_ = 	snop  }
0x28: {  	[tilespmem:s29], [sflag:$0x1] =	stream.indirect.gather [hbm4b:s3+s8], $0x20, s28, s8, $0xb8;
	[tilespmem:$0x11F80] =	vst v63  }
0x29: {  	_ = 	snop  }
0x2a: {  	[tilespmem:s31], [sflag:$0x1] =	stream.indirect.gather [hbm4b:s3+s8], $0x20, s30, s8, $0xb8;
	[tilespmem:$0x11F80] =	vst v63  }
0x2b: {  	_ = 	snop  }
0x2c: {  	[tilespmem:s0], [sflag:$0x1] =	stream.indirect.gather [hbm4b:s3+s8], $0x20, s1, s8, $0xb8;
	[tilespmem:$0x11F80] =	vst v63  }
0x2d: {  	_ = 	snop  }
0x2e: {  	[tilespmem:s10], [sflag:$0x1] =	stream.indirect.gather [hbm4b:s3+s8], $0x20, s9, s8, $0xb8;
	[tilespmem:$0x11F80] =	vst v63  }
0x2f: {  	_ = 	snop  }
0x30: {  	[tilespmem:s12], [sflag:$0x1] =	stream.indirect.gather [hbm4b:s3+s8], $0x20, s11, s8, $0xb8;
	[tilespmem:$0x11F80] =	vst v63  }
0x31: {  	_ =	swait.ge [sflag:s13], $0x1000  }
0x32: {  	[sflag:s13] =	ssyncset.done $0x0  }
0x33: {  	[sflag:s13] =	ssyncadd.s32 $0xFFFFF000  }
0x34: {  	_ =	swait.ge [sflag:s13], $0x1000  }
0x35: {  	[sflag:s13] =	ssyncset.done $0x0  }
0x36: {  	[sflag:s13] =	ssyncadd.s32 $0xFFFFF000  }
0x37: {  	_ =	swait.ge [sflag:s13], $0x1000  }
0x38: {  	[sflag:s13] =	ssyncset.done $0x0  }
0x39: {  	[sflag:s13] =	ssyncadd.s32 $0xFFFFF000  }
0x3a: {  	_ =	swait.ge [sflag:s13], $0x1000  }
0x3b: {  	[sflag:s13] =	ssyncset.done $0x0  }
0x3c: {  	[sflag:s13] =	ssyncadd.s32 $0xFFFFF000  }
0x3d: {  	_ =	swait.ge [sflag:s13], $0x1000  }
0x3e: {  	[sflag:s13] =	ssyncset.done $0x0  }
0x3f: {  	[sflag:s13] =	ssyncadd.s32 $0xFFFFF000  }
0x40: {  	_ =	swait.ge [sflag:s13], $0x1000  }
0x41: {  	[sflag:s13] =	ssyncset.done $0x0  }
0x42: {  	[sflag:s13] =	ssyncadd.s32 $0xFFFFF000  }
0x43: {  	_ =	swait.ge [sflag:s13], $0x1000  }
0x44: {  	[sflag:s13] =	ssyncset.done $0x0  }
0x45: {  	[sflag:s13] =	ssyncadd.s32 $0xFFFFF000  }
0x46: {  	_ =	swait.ge [sflag:s13], $0x1000  }
0x47: {  	[sflag:s13] =	ssyncset.done $0x0  }
0x48: {  	[sflag:s13] =	ssyncadd.s32 $0xFFFFF000  }
0x49: {  	_ =	swait.ge [sflag:s13], $0x1000  }
0x4a: {  	[sflag:s13] =	ssyncset.done $0x0  }
0x4b: {  	[sflag:s13] =	ssyncadd.s32 $0xFFFFF000  }
0x4c: {  	_ =	swait.ge [sflag:s13], $0x1000  }
0x4d: {  	[sflag:s13] =	ssyncset.done $0x0  }
0x4e: {  	[sflag:s13] =	ssyncadd.s32 $0xFFFFF000  }
0x4f: {  	_ =	swait.ge [sflag:s13], $0x1000  }
0x50: {  	[sflag:s13] =	ssyncset.done $0x0  }
0x51: {  	[sflag:s13] =	ssyncadd.s32 $0xFFFFF000  }
0x52: {  	_ =	swait.ge [sflag:s13], $0x1000  }
0x53: {  	[sflag:s13] =	ssyncset.done $0x0  }
0x54: {  	[sflag:s13] =	ssyncadd.s32 $0xFFFFF000  }
0x55: {  	_ =	swait.ge [sflag:s13], $0x1000  }
0x56: {  	[sflag:s13] =	ssyncset.done $0x0  }
0x57: {  	[sflag:s13] =	ssyncadd.s32 $0xFFFFF000  }
0x58: {  	_ =	swait.ge [sflag:s13], $0x1000  }
0x59: {  	[sflag:s13] =	ssyncset.done $0x0  }
0x5a: {  	[sflag:s13] =	ssyncadd.s32 $0xFFFFF000  }
0x5b: {  	_ =	swait.ge [sflag:s13], $0x1000  }
0x5c: {  	[sflag:s13] =	ssyncset.done $0x0  }
0x5d: {  	s16 =	simm.s32 $0x7E0;
	[sflag:s13] =	ssyncadd.s32 $0xFFFFF000  }
0x5e: {  	v0 =	vld [tilespmem:s16+$0xFFFFFFA0]  }
0x5f: {  	v1 =	vld [tilespmem:s16+$0xFFFFFFC0]  }
0x60: {  	v2 =	vld [tilespmem:s16+$0xFFFFFFE0]  }
0x61: {  	v3 =	vld [tilespmem:s16+$0x0]  }
0x62: {  	v4 =	vld [tilespmem:s16+$0x20]  }
0x63: {  	v5 =	vld [tilespmem:s16+$0x40]  }
0x64: {  	v0 =	vmax.f32 v0, v1  }
0x65: {  	v0 =	vmax.f32 v0, v2  }
0x66: {  	v0 =	vmax.f32 v0, v3  }
0x67: {  	v0 =	vmax.f32 v0, v4  }
0x68: {  	v0 =	vmax.f32 v0, v5  }
0x69: {  	s18 =	simm.s32 $0x0;
	v0 =	vmax.f32 v0, $0.0e+00  }
0x6a: {  	[tilespmem:s18+$0xF780] =	vst v0  }
0x6b: {  	v0 =	vld [tilespmem:s16+$0xFFFFFFB0]  }
0x6c: {  	v1 =	vld [tilespmem:s16+$0xFFFFFFD0]  }
0x6d: {  	v2 =	vld [tilespmem:s16+$0xFFFFFFF0]  }
0x6e: {  	v3 =	vld [tilespmem:s16+$0x10];
	_ =	sdelay $0x2  }
0x6f: {  	v63 =	vld [tilespmem:s16+$0x30];
	v0 =	vmax.f32 v0, v1  }
0x70: {  	v0 =	vmax.f32 v0, v2  }
0x71: {  	v1 =	vmax.f32 v0, v3;
	v0 =	vld [tilespmem:s16+$0x50];
	_ =	sdelay $0x2  }
0x72: {  	s17 =	simm.s32 $0x80;
	v1 =	vmax.f32 v1, v63  }
.LBB2_2:
0x73: {  	p0 =	sne.s32 s17, $0x9F80  }
0x74: {  	v0 =	vmax.f32 v1, v0;
	s16 =	sadd.s32 $0xC0, s16;
	s19 =	smov.u32 s17;
	s17 =	sadd.s32 $0x80, s17  }
0x75: {  	v0 =	vmax.f32 v0, $0.0e+00  }
0x76: {  	[tilespmem:s18+$0xF790] =	vst v0  }
0x77: {  	v0 =	vld [tilespmem:s16+$0xFFFFFFA0]  }
0x78: {  	v1 =	vld [tilespmem:s16+$0xFFFFFFC0]  }
0x79: {  	v2 =	vld [tilespmem:s16+$0xFFFFFFE0]  }
0x7a: {  	v3 =	vld [tilespmem:s16+$0x0]  }
0x7b: {  	v4 =	vld [tilespmem:s16+$0x20]  }
0x7c: {  	v5 =	vld [tilespmem:s16+$0x40]  }
0x7d: {  	v0 =	vmax.f32 v0, v1  }
0x7e: {  	v0 =	vmax.f32 v0, v2  }
0x7f: {  	v0 =	vmax.f32 v0, v3  }
0x80: {  	v0 =	vmax.f32 v0, v4  }
0x81: {  	v0 =	vmax.f32 v0, v5  }
0x82: {  	s18 =	sshra.s32 s19, $0x2;
	v0 =	vmax.f32 v0, $0.0e+00  }
0x83: {  	[tilespmem:s18+$0xF780] =	vst v0  }
0x84: {  	v1 =	vld [tilespmem:s16+$0xFFFFFFF0]  }
0x85: {  	v2 =	vld [tilespmem:s16+$0xFFFFFFB0]  }
0x86: {  	v3 =	vld [tilespmem:s16+$0xFFFFFFD0]  }
0x87: {  	v4 =	vld [tilespmem:s16+$0x10]  }
0x88: {  	v5 =	vld [tilespmem:s16+$0x30]  }
0x89: {  	v0 =	vld [tilespmem:s16+$0x50]  }
.Ltmp0:
0x8a: {  	(pc) =	sbr.rel @p0 .LBB2_2-.Ltmp0, $4  }
0x8b: {  	v2 =	vmax.f32 v2, v3  }
0x8c: {  	v1 =	vmax.f32 v2, v1  }
0x8d: {  	v1 =	vmax.f32 v1, v4  }
0x8e: {  	v1 =	vmax.f32 v1, v5  }
0x8f: {  	v0 =	vmax.f32 v1, v0;
	s15 =	sadd.s32 $0x1, s15  }
0x90: {  	v0 =	vmax.f32 v0, $0.0e+00;
	p0 =	sne.s32 s15, s6  }
.Ltmp1:
0x91: {  	[tilespmem:s18+$0xF790] =	vst v0;
	(pc) =	sbr.rel @p0 .LBB2_1-.Ltmp1, $4  }
0x92: {  	[hbm4b:s5+s2] =	stream.linear.scatter [tilespmem:s14], [sflag:$0x2], $0x2800, $0x38;
	[tilespmem:$0x11F80] =	vst v63  }
0x93: {  	_ =	swait.ge [sflag:s7], $0x2800  }
0x94: {  	[sflag:s7] =	ssyncset.done $0x0  }
0x95: {  	[sflag:s7] =	ssyncadd.s32 $0xFFFFD800  }
0x96: {  	_ =	sfence.sel $0x180000  }
0x97: {  	[bflag:$0x0] =	sbarrier.arrive $0xFFFF  }
0x98: {  	_ =	strace $0x9000004A  }
0x99: {  	s0 =	stileid.u32;
	[bflag:$0x2] =	sbarrier.arrive $0xFFFF  }
0x9a: {  	p0 =	sne.s32 s0, $0x0;
	s0 =	rddreg [dreg:$0x1]  }
0x9b: {  	s0 =	sadd.s32 @!p0 $0x100000, s0  }
0x9c: {  	[sflag:s0] =	ssyncadd.tile.s32 @!p0 $0x1;
	_ =	shalt  }
.Lfunc_end2:
_tile_overlayer_lowered:
.L_overlay_start_2:
0x9d: {  	(tag) =	ssettag $0x2  }
0x9e: {  	s0 =	rddreg [dreg:$0x0];
	s2 =	stileid.u32  }
0x9f: {  	s1 =	rddreg [dreg:$0x1];
	p0 =	sne.s32 s2, $0x0  }
0xa0: {  	s3 =	rddreg [dreg:$0x2];
	[bflag:$0x3] =	sbarrier.arrive $0xFFFF;
	s2 =	simm.s32 @!p0 $0x1C02  }
0xa1: {  	[timem:s3], [sflag:s2] =	dma.local @!p0 [hbm:s0], s1  }
0xa2: {  	s0 =	simm.s32 @!p0 $0x2  }
0xa3: {  	_ =	swait.ge @!p0 [sflag:s0], s1  }
0xa4: {  	s1 =	ssub.s32 @!p0 $0x0, s1;
	[sflag:s0] =	ssyncset.done @!p0 $0x0  }
0xa5: {  	[sflag:s0] =	ssyncadd.s32 @!p0 s1  }
0xa6: {  	[bflag:$0x3] =	sbarrier.arrive $0xFFFF  }
0xa7: {  	_ =	shalt  }

// kernel: kernel.16.cloned.1.call-start
scs
__scs_entry_jumppad:
0x0: {  	(pc) =	sbr.rel $0x88, $3  }
0x1: {  	(tag) =	ssettag $0x0;
	lr =	simm.s32 $0x1  }
0x2: {  	[smem:$0x3F90] =	sst lr;
	_ =	strace $0xD0000000  }
0x3: {  	_ = 	snop  }
0x4: {  	_ = 	snop  }
0x5: {  	_ = 	snop  }
0x6: {  	_ = 	snop  }
0x7: {  	_ = 	snop  }
__scs_overlays_trampoline_lowered:
0x8: {  	[smem:$0x3F9F] =	sst s0  }
0x9: {  	[smem:$0x3FA0] =	sst s1  }
0xa: {  	[smem:$0x3FA1] =	sst s2  }
0xb: {  	[smem:$0x3FA2] =	sst s3  }
0xc: {  	[smem:$0x3FA3] =	sst s4  }
0xd: {  	[smem:$0x3FA4] =	sst s5  }
0xe: {  	[smem:$0x3FA5] =	sst s6  }
0xf: {  	[smem:$0x3FA6] =	sst s7  }
0x10: {  	[smem:$0x3FA7] =	sst s8  }
0x11: {  	[smem:$0x3FA8] =	sst s9;
	s0 =	simm.s32 @!p0 $0x0  }
0x12: {  	s1 =	sld [smem:$0x3F8E];
	s0 =	simm.s32 @p0 $0x1  }
0x13: {  	[smem:$0x3FA9] =	sst s0;
	s0 =	simm.s32 @!p1 $0x0  }
0x14: {  	s2 =	sld [smem:$0x3F8D];
	s0 =	simm.s32 @p1 $0x1  }
0x15: {  	[smem:$0x3FAA] =	sst s0;
	s0 =	simm.s32 @!p2 $0x0  }
0x16: {  	s3 =	sld [smem:$0x3FDB];
	s0 =	simm.s32 @p2 $0x1  }
0x17: {  	s4 =	simm.s32 $0x1BF5;
	[smem:$0x3FAC] =	sst s0  }
0x18: {  	s0 =	sld [smem:$0x3F8F];
	_ =	swait.ge [sflag:s4], $0x0  }
0x19: {  	s7 =	sld [smem:$0x3F90]  }
0x1a: {  	s8 =	sadd.s32 $0xFFFFE003, lr  }
0x1b: {  	s9 =	sadd.s32 $0xFFFFFEF7, lr;
	s5 =	simm.s32 $0xFFFFFFFF;
	p2 =	slt.u32 s8, $0xFFFFF086  }
0x1c: {  	p1 =	slt.u32 s9, $0xF7A;
	s5 =	simm.s32 @!p2 $0x0  }
0x1d: {  	s5 =	simm.s32 @p1 $0x1;
	p0 =	seq.s32 s7, s2  }
0x1e: {  	s7 =	smul.u32 @!p0 $0xF7A, s2;
	p2 =	seq.s32 @!p0 s5, $0x0  }
0x1f: {  	s9 =	smul.u32 $0xF7A, s1;
	s8 =	simm.s32 @!p0 $0x1BF5;
	p2 =	por !p2, p0  }
0x20: {  	[sflag:s8] =	ssyncset.s32 @!p0 $0xFFFFF086;
	s6 =	sadd.s32 @!p0 s3, s7;
	s7 =	simm.s32 @!p0 $0x108  }
0x21: {  	s3 =	sadd.s32 s3, s9;
	s6 =	sadd.s32 @!p0 $0x88, s6;
	s7 =	simm.s32 @p2 $0x1082  }
0x22: {  	[simem:s7], [sflag:s8] =	dma.local @!p0 [hbm:s6], $0xF7A  }
0x23: {  	s9 =	sor.u32 $0xD0000000, s2;
	s6 =	simm.s32 $0x108;
	_ =	swait.ge @!p0 [sflag:s8], $0x0  }
0x24: {  	s3 =	sadd.s32 $0x88, s3;
	s6 =	simm.s32 @!p1 $0x1082;
	[sflag:s4] =	ssyncset.s32 $0xFFFFF086  }
0x25: {  	[simem:s6], [sflag:s4] =	dma.local [hbm:s3], $0xF7A  }
0x26: {  	[smem:$0x3F90] =	sst s1;
	(tag) =	ssettag s2;
	_ =	strace s9  }
0x27: {  	s1 =	sld [smem:$0x3FA0]  }
0x28: {  	s2 =	sld [smem:$0x3FA1]  }
0x29: {  	s4 =	sld [smem:$0x3FA3]  }
0x2a: {  	p0 =	seq.s32 s5, $0x0;
	s5 =	sld [smem:$0x3FA4]  }
0x2b: {  	s6 =	sld [smem:$0x3FA5]  }
0x2c: {  	s7 =	sld [smem:$0x3FA6]  }
0x2d: {  	s3 =	simm.s32 $0x108;
	s8 =	sld [smem:$0x3FA7]  }
0x2e: {  	s3 =	simm.s32 @!p0 $0x1082;
	s9 =	sld [smem:$0x3FA8]  }
0x2f: {  	lr =	sadd.s32 s0, s3;
	s0 =	sld [smem:$0x3F9F]  }
0x30: {  	s3 =	sld [smem:$0x3FA2]  }
0x31: {  	[smem:$0x3FAB] =	sst s10  }
0x32: {  	s10 =	sld [smem:$0x3FA9];
	_ =	sdelay $0x3  }
0x33: {  	p0 =	seq.s32 s10, $0x1;
	s10 =	sld [smem:$0x3FAB];
	_ =	sdelay $0x3  }
0x34: {  	[smem:$0x3FAB] =	sst s10  }
0x35: {  	s10 =	sld [smem:$0x3FAA];
	_ =	sdelay $0x3  }
0x36: {  	p1 =	seq.s32 s10, $0x1;
	s10 =	sld [smem:$0x3FAB];
	_ =	sdelay $0x3  }
0x37: {  	[smem:$0x3FAB] =	sst s10  }
0x38: {  	s10 =	sld [smem:$0x3FAC]  }
0x39: {  	_ = 	snop;
	(pc) =	sbr.ind lr, $3  }
0x3a: {  	_ = 	snop  }
0x3b: {  	_ = 	snop  }
0x3c: {  	p2 =	seq.s32 s10, $0x1;
	s10 =	sld [smem:$0x3FAB]  }
0x3d: {  	_ =	shalt  }
0x3e: {  	_ =	shalt  }
0x3f: {  	_ =	shalt  }
0x40: {  	_ =	shalt  }
0x41: {  	_ =	shalt  }
0x42: {  	_ =	shalt  }
0x43: {  	_ =	shalt  }
0x44: {  	_ =	shalt  }
0x45: {  	_ =	shalt  }
0x46: {  	_ =	shalt  }
0x47: {  	_ =	shalt  }
0x48: {  	_ =	shalt  }
0x49: {  	_ =	shalt  }
0x4a: {  	_ =	shalt  }
0x4b: {  	_ =	shalt  }
0x4c: {  	_ =	shalt  }
0x4d: {  	_ =	shalt  }
0x4e: {  	_ =	shalt  }
0x4f: {  	_ =	shalt  }
0x50: {  	_ =	shalt  }
0x51: {  	_ =	shalt  }
0x52: {  	_ =	shalt  }
0x53: {  	_ =	shalt  }
0x54: {  	_ =	shalt  }
0x55: {  	_ =	shalt  }
0x56: {  	_ =	shalt  }
0x57: {  	_ =	shalt  }
0x58: {  	_ =	shalt  }
0x59: {  	_ =	shalt  }
0x5a: {  	_ =	shalt  }
0x5b: {  	_ =	shalt  }
0x5c: {  	_ =	shalt  }
0x5d: {  	_ =	shalt  }
0x5e: {  	_ =	shalt  }
0x5f: {  	_ =	shalt  }
0x60: {  	_ =	shalt  }
0x61: {  	_ =	shalt  }
0x62: {  	_ =	shalt  }
0x63: {  	_ =	shalt  }
0x64: {  	_ =	shalt  }
0x65: {  	_ =	shalt  }
0x66: {  	_ =	shalt  }
0x67: {  	_ =	shalt  }
0x68: {  	_ =	shalt  }
0x69: {  	_ =	shalt  }
0x6a: {  	_ =	shalt  }
0x6b: {  	_ =	shalt  }
0x6c: {  	_ =	shalt  }
0x6d: {  	_ =	shalt  }
0x6e: {  	_ =	shalt  }
0x6f: {  	_ =	shalt  }
0x70: {  	_ =	shalt  }
0x71: {  	_ =	shalt  }
0x72: {  	_ =	shalt  }
0x73: {  	_ =	shalt  }
0x74: {  	_ =	shalt  }
0x75: {  	_ =	shalt  }
0x76: {  	_ =	shalt  }
0x77: {  	_ =	shalt  }
0x78: {  	_ =	shalt  }
0x79: {  	_ =	shalt  }
0x7a: {  	_ =	shalt  }
0x7b: {  	_ =	shalt  }
0x7c: {  	_ =	shalt  }
0x7d: {  	_ =	shalt  }
0x7e: {  	_ =	shalt  }
0x7f: {  	_ =	shalt  }
0x80: {  	_ =	shalt  }
0x81: {  	_ =	shalt  }
0x82: {  	_ =	shalt  }
0x83: {  	_ =	shalt  }
0x84: {  	_ =	shalt  }
0x85: {  	_ =	shalt  }
0x86: {  	_ =	shalt  }
0x87: {  	_ =	shalt  }
.Lfunc_end0:
.L_simem_size_0:
called_computation.2_lowered:
.L_overlay_start_0:
0x88: {  	s2 =	sld [smem:$0x3FD9]  }
0x89: {  	s3 =	sld [smem:$0x3FFE];
	_ =	sdelay $0x1  }
0x8a: {  	s1 =	srdreg.scid  }
0x8b: {  	s0 =	sand.u32 $0x1, s1  }
0x8c: {  	s16 =	sshll.u32 s0, $0xA;
	s2 =	sadd.s32 s3, s2  }
0x8d: {  	s2 =	sadd.s32 s2, s16  }
0x8e: {  	[smem:$0x3FB7] =	sst s2  }
0x8f: {  	_ = 	snop  }
0x90: {  	(tm) =	ssettm $0x1  }
0x91: {  	s17 =	sld [smem:$0x3FFB];
	_ =	sdelay $0x3  }
0x92: {  	_ =	strace s17  }
0x93: {  	s2 =	sld [smem:$0x3FFC];
	_ =	sdelay $0x3  }
0x94: {  	_ =	strace s2  }
0x95: {  	s2 =	sld [smem:$0x3FFD];
	_ =	sdelay $0x3  }
0x96: {  	_ =	strace s2  }
0x97: {  	_ =	strace $0x8FFFFFFF  }
0x98: {  	s18 =	sld [smem:$0x3FDB];
	_ =	sdelay $0x1  }
0x99: {  	s19 =	simm.s32 $_scs_section_size  }
0x9a: {  	s4 =	simm.s32 $_size__tile_overlayer_lowered;
	s5 =	simm.s32 $_tile_overlayer_lowered  }
0x9b: {  	s22 =	simm.s32 $0x1BFF;
	s21 =	sshll.u32 s5, $0x1;
	s2 =	sadd.s32 s19, s18  }
0x9c: {  	s6 =	simm.s32 $0x0;
	s20 =	sshll.u32 s4, $0x1;
	s4 =	sadd.s32 s21, s2  }
0x9d: {  	[timem:s6], [sflag:s22] =	dma.local [hbm:s4], s20  }
0x9e: {  	_ =	swait.ge [sflag:s22], s20  }
0x9f: {  	s3 =	ssub.s32 $0x0, s20;
	[sflag:s22] =	ssyncset.done $0x0  }
0xa0: {  	[sflag:s22] =	ssyncadd.s32 s3;
	_ =	sdelay $0x1  }
0xa1: {  	s23 =	simm.s32 $0x1B8B  }
0xa2: {  	_ =	swait.ge [sflag:s23], $0x1  }
0xa3: {  	[sflag:s23] =	ssyncset.done $0x0  }
0xa4: {  	s25 =	simm.s32 $0x1B8E;
	s24 =	sld [smem:$0x3FFE];
	[sflag:s23] =	ssyncadd.s32 $0xFFFFFFFF  }
0xa5: {  	s26 =	simm.s32 $execute0_lowered;
	[smem:$0x3FD2] =	sst s25  }
0xa6: {  	s4 =	sshll.u32 s26, $0x1;
	_ =	strace $0x8000004C;
	[dreg:$0x1] =	wrdreg $0xFFFFFFFF  }
0xa7: {  	s28 =	simm.s32 $_size_execute0_lowered;
	s2 =	sadd.s32 s2, s4;
	[dreg:$0x0] =	wrdreg $0x0  }
0xa8: {  	s4 =	sshll.u32 s28, $0x1;
	[dreg:$0x2] =	wrdreg s2  }
0xa9: {  	[dreg:$0x3] =	wrdreg s4  }
0xaa: {  	[dreg:$0x4] =	wrdreg $0xC0  }
0xab: {  	_ =	task [dreg:s6], $0x5FFFF  }
0xac: {  	[dreg:$0x1] =	wrdreg $0xFFFFFFFF  }
0xad: {  	[dreg:$0x0] =	wrdreg $0x60  }
0xae: {  	[dreg:$0x2] =	wrdreg s24  }
0xaf: {  	[dreg:$0x3] =	wrdreg $0x9  }
0xb0: {  	_ =	task.clear_ibuf [dreg:s6], $0x4FFFF;
	_ =	strace $0x9000004C  }
0xb1: {  	s29 =	simm.s32 $0x9;
	_ =	strace $0x8000004E  }
0xb2: {  	_ =	swait.ge [sflag:s29], $0x1  }
0xb3: {  	[sflag:s29] =	ssyncadd.s32 $0xFFFFFFFF  }
0xb4: {  	_ =	strace $0x9000004E  }
0xb5: {  	_ =	sfence  }
0xb6: {  	s30 =	sld [smem:$0x0];
	_ =	sdelay $0x2  }
0xb7: {  	s31 =	sshll.u32 s1, $0xD;
	s1 =	sshrl.u32 s1, $0x2  }
0xb8: {  	s3 =	sand.u32 $0x4000, s31;
	s1 =	sadd.s32 s1, s30  }
0xb9: {  	s0 =	sor.u32 s3, s0;
	s1 =	sshll.u32 s1, $0x11  }
0xba: {  	s0 =	sor.u32 s1, s0  }
0xbb: {  	s0 =	sadd.s32 $0x8F2B, s0  }
0xbc: {  	[sflag:s0] =	ssyncadd.remote.s32 $0x1  }
0xbd: {  	_ =	sfence.sel $0xFFFF  }
0xbe: {  	[dreg:$0x0] =	wrdreg $0xFFFFFFFF;
	(pc) =	sbr.abs _section_cstart, $3  }
0xbf: {  	[dreg:$0x1] =	wrdreg $0xFFFFFFFF  }
0xc0: {  	_ =	task.clear_ibuf [dreg:s6], $0x2FFFF;
	_ =	strace $0x9FFFFFFF  }
0xc1: {  	(tm) =	ssettm $0x7FFFFFFF  }
tec
execute0_lowered:
.L_overlay_start_1:
0x0: {  	(tag) =	ssettag $0x1  }
0x1: {  	s0 =	srdreg.scid  }
0x2: {  	s1 =	stileid.u32;
	s4 =	rddreg [dreg:$0x0]  }
0x3: {  	s2 =	simm.s32 $0x0;
	s7 =	simm.s32 $0x2;
	s8 =	simm.s32 $0x80  }
0x4: {  	s20 =	simm.s32 $0x6780;
	s21 =	simm.s32 $0x380;
	s22 =	simm.s32 $0x7780  }
0x5: {  	s23 =	simm.s32 $0x400;
	s24 =	simm.s32 $0x8780;
	s25 =	simm.s32 $0x480  }
0x6: {  	s26 =	simm.s32 $0x9780;
	s28 =	simm.s32 $0x500;
	s29 =	simm.s32 $0xA780  }
0x7: {  	s30 =	simm.s32 $0x580;
	s31 =	simm.s32 $0xB780;
	s9 =	simm.s32 $0x680  }
0x8: {  	s10 =	simm.s32 $0xD780;
	s11 =	simm.s32 $0x700;
	s12 =	simm.s32 $0xE780  }
0x9: {  	s13 =	simm.s32 $0x1;
	s0 =	sand.u32 $0x1, s0;
	s1 =	sshll.u32 s1, $0x1  }
0xa: {  	s14 =	simm.s32 $0xF780;
	s15 =	simm.s32 $0x0;
	s1 =	sor.u32 s0, s1  }
0xb: {  	[smem:$0x7FF] =	sst s2;
	s0 =	ssub.s32 $0x2, s0;
	s5 =	smul.u32 $0xF0, s1  }
0xc: {  	s3 =	sadd.s32 $0x5200, s4;
	s1 =	smul.u32 $0x500, s1;
	s6 =	sshrl.u32 s0, $0x1  }
0xd: {  	_ =	strace $0x8000004D;
	s0 =	ssub.s32 s0, s6;
	s5 =	sadd.s32 s5, s4  }
0xe: {  	s1 =	sadd.s32 s1, s4;
	s6 =	smax.u32 s0, $0x1;
	s0 =	simm.s32 $0xC780  }
0xf: {  	s4 =	sadd.s32 $0x3400, s5;
	s5 =	sadd.s32 $0xF200, s1;
	s1 =	simm.s32 $0x600  }
.LBB2_1:
0x10: {  	[tilespmem:s2], [sflag:$0x2] =	stream.linear.gather [hbm4b:s4+s2], $0x780, $0x38;
	[tilespmem:$0x11F80] =	vst v63  }
0x11: {  	_ =	swait.ge [sflag:s7], $0x780  }
0x12: {  	[sflag:s7] =	ssyncset.done $0x0  }
0x13: {  	s16 =	simm.s32 $0x780;
	[sflag:s7] =	ssyncadd.s32 $0xFFFFF880  }
0x14: {  	[tilespmem:s16], [sflag:$0x1] =	stream.indirect.gather [hbm4b:s3+s8], $0x20, s2, s8, $0xb8;
	[tilespmem:$0x11F80] =	vst v63  }
0x15: {  	s18 =	simm.s32 $0x1780  }
0x16: {  	[tilespmem:s18], [sflag:$0x1] =	stream.indirect.gather [hbm4b:s3+s8], $0x20, s8, s8, $0xb8;
	[tilespmem:$0x11F80] =	vst v63  }
0x17: {  	s19 =	simm.s32 $0x100;
	s17 =	simm.s32 $0x2780  }
0x18: {  	[tilespmem:s17], [sflag:$0x1] =	stream.indirect.gather [hbm4b:s3+s8], $0x20, s19, s8, $0xb8;
	[tilespmem:$0x11F80] =	vst v63  }
0x19: {  	s18 =	simm.s32 $0x180;
	s19 =	simm.s32 $0x3780  }
0x1a: {  	[tilespmem:s19], [sflag:$0x1] =	stream.indirect.gather [hbm4b:s3+s8], $0x20, s18, s8, $0xb8;
	[tilespmem:$0x11F80] =	vst v63  }
0x1b: {  	s18 =	simm.s32 $0x200;
	s19 =	simm.s32 $0x4780  }
0x1c: {  	[tilespmem:s19], [sflag:$0x1] =	stream.indirect.gather [hbm4b:s3+s8], $0x20, s18, s8, $0xb8;
	[tilespmem:$0x11F80] =	vst v63  }
0x1d: {  	s17 =	simm.s32 $0x280;
	s18 =	simm.s32 $0x5780  }
0x1e: {  	[tilespmem:s18], [sflag:$0x1] =	stream.indirect.gather [hbm4b:s3+s8], $0x20, s17, s8, $0xb8;
	[tilespmem:$0x11F80] =	vst v63  }
0x1f: {  	s19 =	simm.s32 $0x300  }
0x20: {  	[tilespmem:s20], [sflag:$0x1] =	stream.indirect.gather [hbm4b:s3+s8], $0x20, s19, s8, $0xb8;
	[tilespmem:$0x11F80] =	vst v63  }
0x21: {  	_ = 	snop  }
0x22: {  	[tilespmem:s22], [sflag:$0x1] =	stream.indirect.gather [hbm4b:s3+s8], $0x20, s21, s8, $0xb8;
	[tilespmem:$0x11F80] =	vst v63  }
0x23: {  	_ = 	snop  }
0x24: {  	[tilespmem:s24], [sflag:$0x1] =	stream.indirect.gather [hbm4b:s3+s8], $0x20, s23, s8, $0xb8;
	[tilespmem:$0x11F80] =	vst v63  }
0x25: {  	_ = 	snop  }
0x26: {  	[tilespmem:s26], [sflag:$0x1] =	stream.indirect.gather [hbm4b:s3+s8], $0x20, s25, s8, $0xb8;
	[tilespmem:$0x11F80] =	vst v63  }
0x27: {  	_ = 	snop  }
0x28: {  	[tilespmem:s29], [sflag:$0x1] =	stream.indirect.gather [hbm4b:s3+s8], $0x20, s28, s8, $0xb8;
	[tilespmem:$0x11F80] =	vst v63  }
0x29: {  	_ = 	snop  }
0x2a: {  	[tilespmem:s31], [sflag:$0x1] =	stream.indirect.gather [hbm4b:s3+s8], $0x20, s30, s8, $0xb8;
	[tilespmem:$0x11F80] =	vst v63  }
0x2b: {  	_ = 	snop  }
0x2c: {  	[tilespmem:s0], [sflag:$0x1] =	stream.indirect.gather [hbm4b:s3+s8], $0x20, s1, s8, $0xb8;
	[tilespmem:$0x11F80] =	vst v63  }
0x2d: {  	_ = 	snop  }
0x2e: {  	[tilespmem:s10], [sflag:$0x1] =	stream.indirect.gather [hbm4b:s3+s8], $0x20, s9, s8, $0xb8;
	[tilespmem:$0x11F80] =	vst v63  }
0x2f: {  	_ = 	snop  }
0x30: {  	[tilespmem:s12], [sflag:$0x1] =	stream.indirect.gather [hbm4b:s3+s8], $0x20, s11, s8, $0xb8;
	[tilespmem:$0x11F80] =	vst v63  }
0x31: {  	_ =	swait.ge [sflag:s13], $0x1000  }
0x32: {  	[sflag:s13] =	ssyncset.done $0x0  }
0x33: {  	[sflag:s13] =	ssyncadd.s32 $0xFFFFF000  }
0x34: {  	_ =	swait.ge [sflag:s13], $0x1000  }
0x35: {  	[sflag:s13] =	ssyncset.done $0x0  }
0x36: {  	[sflag:s13] =	ssyncadd.s32 $0xFFFFF000  }
0x37: {  	_ =	swait.ge [sflag:s13], $0x1000  }
0x38: {  	[sflag:s13] =	ssyncset.done $0x0  }
0x39: {  	[sflag:s13] =	ssyncadd.s32 $0xFFFFF000  }
0x3a: {  	_ =	swait.ge [sflag:s13], $0x1000  }
0x3b: {  	[sflag:s13] =	ssyncset.done $0x0  }
0x3c: {  	[sflag:s13] =	ssyncadd.s32 $0xFFFFF000  }
0x3d: {  	_ =	swait.ge [sflag:s13], $0x1000  }
0x3e: {  	[sflag:s13] =	ssyncset.done $0x0  }
0x3f: {  	[sflag:s13] =	ssyncadd.s32 $0xFFFFF000  }
0x40: {  	_ =	swait.ge [sflag:s13], $0x1000  }
0x41: {  	[sflag:s13] =	ssyncset.done $0x0  }
0x42: {  	[sflag:s13] =	ssyncadd.s32 $0xFFFFF000  }
0x43: {  	_ =	swait.ge [sflag:s13], $0x1000  }
0x44: {  	[sflag:s13] =	ssyncset.done $0x0  }
0x45: {  	[sflag:s13] =	ssyncadd.s32 $0xFFFFF000  }
0x46: {  	_ =	swait.ge [sflag:s13], $0x1000  }
0x47: {  	[sflag:s13] =	ssyncset.done $0x0  }
0x48: {  	[sflag:s13] =	ssyncadd.s32 $0xFFFFF000  }
0x49: {  	_ =	swait.ge [sflag:s13], $0x1000  }
0x4a: {  	[sflag:s13] =	ssyncset.done $0x0  }
0x4b: {  	[sflag:s13] =	ssyncadd.s32 $0xFFFFF000  }
0x4c: {  	_ =	swait.ge [sflag:s13], $0x1000  }
0x4d: {  	[sflag:s13] =	ssyncset.done $0x0  }
0x4e: {  	[sflag:s13] =	ssyncadd.s32 $0xFFFFF000  }
0x4f: {  	_ =	swait.ge [sflag:s13], $0x1000  }
0x50: {  	[sflag:s13] =	ssyncset.done $0x0  }
0x51: {  	[sflag:s13] =	ssyncadd.s32 $0xFFFFF000  }
0x52: {  	_ =	swait.ge [sflag:s13], $0x1000  }
0x53: {  	[sflag:s13] =	ssyncset.done $0x0  }
0x54: {  	[sflag:s13] =	ssyncadd.s32 $0xFFFFF000  }
0x55: {  	_ =	swait.ge [sflag:s13], $0x1000  }
0x56: {  	[sflag:s13] =	ssyncset.done $0x0  }
0x57: {  	[sflag:s13] =	ssyncadd.s32 $0xFFFFF000  }
0x58: {  	_ =	swait.ge [sflag:s13], $0x1000  }
0x59: {  	[sflag:s13] =	ssyncset.done $0x0  }
0x5a: {  	[sflag:s13] =	ssyncadd.s32 $0xFFFFF000  }
0x5b: {  	_ =	swait.ge [sflag:s13], $0x1000  }
0x5c: {  	[sflag:s13] =	ssyncset.done $0x0  }
0x5d: {  	s16 =	simm.s32 $0x7E0;
	[sflag:s13] =	ssyncadd.s32 $0xFFFFF000  }
0x5e: {  	v0 =	vld [tilespmem:s16+$0xFFFFFFA0]  }
0x5f: {  	v1 =	vld [tilespmem:s16+$0xFFFFFFC0]  }
0x60: {  	v2 =	vld [tilespmem:s16+$0xFFFFFFE0]  }
0x61: {  	v3 =	vld [tilespmem:s16+$0x0]  }
0x62: {  	v4 =	vld [tilespmem:s16+$0x20]  }
0x63: {  	v5 =	vld [tilespmem:s16+$0x40]  }
0x64: {  	v0 =	vmax.f32 v0, v1  }
0x65: {  	v0 =	vmax.f32 v0, v2  }
0x66: {  	v0 =	vmax.f32 v0, v3  }
0x67: {  	v0 =	vmax.f32 v0, v4  }
0x68: {  	v0 =	vmax.f32 v0, v5  }
0x69: {  	s18 =	simm.s32 $0x0;
	v0 =	vmax.f32 v0, $0.0e+00  }
0x6a: {  	[tilespmem:s18+$0xF780] =	vst v0  }
0x6b: {  	v0 =	vld [tilespmem:s16+$0xFFFFFFB0]  }
0x6c: {  	v1 =	vld [tilespmem:s16+$0xFFFFFFD0]  }
0x6d: {  	v2 =	vld [tilespmem:s16+$0xFFFFFFF0]  }
0x6e: {  	v3 =	vld [tilespmem:s16+$0x10];
	_ =	sdelay $0x2  }
0x6f: {  	v63 =	vld [tilespmem:s16+$0x30];
	v0 =	vmax.f32 v0, v1  }
0x70: {  	v0 =	vmax.f32 v0, v2  }
0x71: {  	v1 =	vmax.f32 v0, v3;
	v0 =	vld [tilespmem:s16+$0x50];
	_ =	sdelay $0x2  }
0x72: {  	s17 =	simm.s32 $0x80;
	v1 =	vmax.f32 v1, v63  }
.LBB2_2:
0x73: {  	p0 =	sne.s32 s17, $0x9F80  }
0x74: {  	v0 =	vmax.f32 v1, v0;
	s16 =	sadd.s32 $0xC0, s16;
	s19 =	smov.u32 s17;
	s17 =	sadd.s32 $0x80, s17  }
0x75: {  	v0 =	vmax.f32 v0, $0.0e+00  }
0x76: {  	[tilespmem:s18+$0xF790] =	vst v0  }
0x77: {  	v0 =	vld [tilespmem:s16+$0xFFFFFFA0]  }
0x78: {  	v1 =	vld [tilespmem:s16+$0xFFFFFFC0]  }
0x79: {  	v2 =	vld [tilespmem:s16+$0xFFFFFFE0]  }
0x7a: {  	v3 =	vld [tilespmem:s16+$0x0]  }
0x7b: {  	v4 =	vld [tilespmem:s16+$0x20]  }
0x7c: {  	v5 =	vld [tilespmem:s16+$0x40]  }
0x7d: {  	v0 =	vmax.f32 v0, v1  }
0x7e: {  	v0 =	vmax.f32 v0, v2  }
0x7f: {  	v0 =	vmax.f32 v0, v3  }
0x80: {  	v0 =	vmax.f32 v0, v4  }
0x81: {  	v0 =	vmax.f32 v0, v5  }
0x82: {  	s18 =	sshra.s32 s19, $0x2;
	v0 =	vmax.f32 v0, $0.0e+00  }
0x83: {  	[tilespmem:s18+$0xF780] =	vst v0  }
0x84: {  	v1 =	vld [tilespmem:s16+$0xFFFFFFF0]  }
0x85: {  	v2 =	vld [tilespmem:s16+$0xFFFFFFB0]  }
0x86: {  	v3 =	vld [tilespmem:s16+$0xFFFFFFD0]  }
0x87: {  	v4 =	vld [tilespmem:s16+$0x10]  }
0x88: {  	v5 =	vld [tilespmem:s16+$0x30]  }
0x89: {  	v0 =	vld [tilespmem:s16+$0x50]  }
.Ltmp0:
0x8a: {  	(pc) =	sbr.rel @p0 .LBB2_2-.Ltmp0, $4  }
0x8b: {  	v2 =	vmax.f32 v2, v3  }
0x8c: {  	v1 =	vmax.f32 v2, v1  }
0x8d: {  	v1 =	vmax.f32 v1, v4  }
0x8e: {  	v1 =	vmax.f32 v1, v5  }
0x8f: {  	v0 =	vmax.f32 v1, v0;
	s15 =	sadd.s32 $0x1, s15  }
0x90: {  	v0 =	vmax.f32 v0, $0.0e+00;
	p0 =	sne.s32 s15, s6  }
.Ltmp1:
0x91: {  	[tilespmem:s18+$0xF790] =	vst v0;
	(pc) =	sbr.rel @p0 .LBB2_1-.Ltmp1, $4  }
0x92: {  	[hbm4b:s5+s2] =	stream.linear.scatter [tilespmem:s14], [sflag:$0x2], $0x2800, $0x38;
	[tilespmem:$0x11F80] =	vst v63  }
0x93: {  	_ =	swait.ge [sflag:s7], $0x2800  }
0x94: {  	[sflag:s7] =	ssyncset.done $0x0  }
0x95: {  	[sflag:s7] =	ssyncadd.s32 $0xFFFFD800  }
0x96: {  	_ =	sfence.sel $0x180000  }
0x97: {  	[bflag:$0x0] =	sbarrier.arrive $0xFFFF  }
0x98: {  	_ =	strace $0x9000004D  }
0x99: {  	s0 =	stileid.u32;
	[bflag:$0x2] =	sbarrier.arrive $0xFFFF  }
0x9a: {  	p0 =	sne.s32 s0, $0x0;
	s0 =	rddreg [dreg:$0x1]  }
0x9b: {  	s0 =	sadd.s32 @!p0 $0x100000, s0  }
0x9c: {  	[sflag:s0] =	ssyncadd.tile.s32 @!p0 $0x1;
	_ =	shalt  }
.Lfunc_end2:
_tile_overlayer_lowered:
.L_overlay_start_2:
0x9d: {  	(tag) =	ssettag $0x2  }
0x9e: {  	s0 =	rddreg [dreg:$0x0];
	s2 =	stileid.u32  }
0x9f: {  	s1 =	rddreg [dreg:$0x1];
	p0 =	sne.s32 s2, $0x0  }
0xa0: {  	s3 =	rddreg [dreg:$0x2];
	[bflag:$0x3] =	sbarrier.arrive $0xFFFF;
	s2 =	simm.s32 @!p0 $0x1C02  }
0xa1: {  	[timem:s3], [sflag:s2] =	dma.local @!p0 [hbm:s0], s1  }
0xa2: {  	s0 =	simm.s32 @!p0 $0x2  }
0xa3: {  	_ =	swait.ge @!p0 [sflag:s0], s1  }
0xa4: {  	s1 =	ssub.s32 @!p0 $0x0, s1;
	[sflag:s0] =	ssyncset.done @!p0 $0x0  }
0xa5: {  	[sflag:s0] =	ssyncadd.s32 @!p0 s1  }
0xa6: {  	[bflag:$0x3] =	sbarrier.arrive $0xFFFF  }
0xa7: {  	_ =	shalt  }

</sc_bundles>
